<compile_context>
chip_gen: v7x
topology: tpu7x:2x2x1
jax: 0.10.2.dev20260603
libtpu: 0.0.44.dev20260713+nightly
codegen_flags: <defaults>
</compile_context>

<pallas_src>
import functools

import jax
import jax.numpy as jnp
from jax import lax
from jax.experimental import pallas as pl
from jax.experimental.pallas import tpu as pltpu
from jax.experimental.pallas import tpu_sc as plsc

N = 3200000
S = 1024
EPS = 1e-5
L = 16
NC, NS = 2, 16
NW = NC * NS
CHB = 3200
NCHT = N // CHB
VPC = CHB // L
NFULL = NCHT // NW
NEXTRA = NCHT % NW
CHB1 = 6400
NCHT1 = N // CHB1
VPC1 = CHB1 // L
NFULL1 = NCHT1 // NW
NEXTRA1 = NCHT1 % NW
SSTR = S + 1

_mesh = plsc.VectorSubcoreMesh(core_axis_name="c", subcore_axis_name="s")
_params = pltpu.CompilerParams(needs_layout_passes=False)


def _fast_norm(n2):
    i = lax.bitcast_convert_type(n2, jnp.int32)
    i = jnp.full((L,), 0x5F3759DF, jnp.int32) - lax.shift_right_logical(i, 1)
    y = lax.bitcast_convert_type(i, jnp.float32)
    ah = n2 * jnp.full((L,), 0.5, jnp.float32)
    c15 = jnp.full((L,), 1.5, jnp.float32)
    y = y * (c15 - ah * y * y)
    y = y * (c15 - ah * y * y)
    return n2 * y


@functools.partial(
    pl.kernel,
    mesh=_mesh,
    out_type=[
        jax.ShapeDtypeStruct((NW, S), jnp.float32),
        jax.ShapeDtypeStruct((NW, S), jnp.float32),
    ],
    scratch_types=[
        pltpu.VMEM((3, CHB1), jnp.float32),
        pltpu.VMEM((3, CHB1), jnp.float32),
        pltpu.VMEM((CHB1,), jnp.int32),
        pltpu.VMEM((CHB1,), jnp.int32),
        pltpu.VMEM((L * SSTR,), jnp.float32),
        pltpu.VMEM((L * SSTR,), jnp.float32),
        pltpu.VMEM((S,), jnp.float32),
        pltpu.VMEM((S,), jnp.float32),
        pltpu.SemaphoreType.DMA,
        pltpu.SemaphoreType.DMA,
        pltpu.SemaphoreType.DMA,
        pltpu.SemaphoreType.DMA,
    ],
    compiler_params=_params,
)
def _pass1(pos_hbm, batch_hbm, psum_hbm, pcnt_hbm,
           bufa, bufb, bba, bbb, accs, accc, reds, redc,
           spa, sba, spb, sbb):
    wid = lax.axis_index("s") * NC + lax.axis_index("c")
    lanes = lax.iota(jnp.int32, L)
    laneoff = lanes * SSTR
    zero = jnp.zeros((L,), jnp.float32)
    ones = jnp.ones((L,), jnp.float32)
    n_my = jnp.int32(NFULL1) + jnp.where(wid < NEXTRA1, 1, 0).astype(jnp.int32)

    @plsc.parallel_loop(0, SSTR, unroll=5)
    def _(i):
        accs[pl.ds(i * L, L)] = zero
        accc[pl.ds(i * L, L)] = zero

    def start(k, bufp, bufb2, semp, semb):
        base = (wid + k * NW) * CHB1
        pltpu.async_copy(pos_hbm.at[:, pl.ds(base, CHB1)], bufp, semp)
        pltpu.async_copy(batch_hbm.at[pl.ds(base, CHB1)], bufb2, semb)

    def wait(bufp, bufb2, semp, semb):
        pltpu.make_async_copy(pos_hbm.at[:, pl.ds(0, CHB1)], bufp, semp).wait()
        pltpu.make_async_copy(batch_hbm.at[pl.ds(0, CHB1)], bufb2, semb).wait()

    def compute(bufp, bufb2):
        @plsc.parallel_loop(0, VPC1, unroll=8)
        def _(v):
            o = v * L
            b = bufb2[pl.ds(o, L)]
            x = bufp[0, pl.ds(o, L)]
            y = bufp[1, pl.ds(o, L)]
            z = bufp[2, pl.ds(o, L)]
            nrm = _fast_norm(x * x + y * y + z * z)
            idx = b + laneoff
            plsc.addupdate_scatter(accs, [idx], nrm)
            plsc.addupdate_scatter(accc, [idx], ones)

    start(0, bufa, bba, spa, sba)

    def pair_body(j, carry):
        k1 = 2 * j + 1
        k2 = 2 * j + 2

        @pl.when(k1 < n_my)
        def _():
            start(k1, bufb, bbb, spb, sbb)

        wait(bufa, bba, spa, sba)
        compute(bufa, bba)

        @pl.when(k2 < n_my)
        def _():
            start(k2, bufa, bba, spa, sba)

        @pl.when(k1 < n_my)
        def _():
            wait(bufb, bbb, spb, sbb)
            compute(bufb, bbb)

        return carry

    lax.fori_loop(0, (NFULL1 + 1) // 2, pair_body, 0)

    def red_body(g, carry):
        sbase = g * L
        ssum = accs[pl.ds(sbase, L)]
        scnt = accc[pl.ds(sbase, L)]
        for c in range(1, L):
            ssum = ssum + accs[pl.ds(c * SSTR + sbase, L)]
            scnt = scnt + accc[pl.ds(c * SSTR + sbase, L)]
        reds[pl.ds(sbase, L)] = ssum
        redc[pl.ds(sbase, L)] = scnt
        return carry

    lax.fori_loop(0, S // L, red_body, 0)
    pltpu.sync_copy(reds, psum_hbm.at[wid])
    pltpu.sync_copy(redc, pcnt_hbm.at[wid])


@functools.partial(
    pl.kernel,
    mesh=_mesh,
    out_type=jax.ShapeDtypeStruct((3, N), jnp.float32),
    scratch_types=[
        pltpu.VMEM((NW, S), jnp.float32),
        pltpu.VMEM((NW, S), jnp.float32),
        pltpu.VMEM((S,), jnp.float32),
        pltpu.VMEM((L,), jnp.float32),
        pltpu.VMEM((3, CHB), jnp.float32),
        pltpu.VMEM((3, CHB), jnp.float32),
        pltpu.VMEM((CHB,), jnp.int32),
        pltpu.VMEM((CHB,), jnp.int32),
        pltpu.VMEM((3, CHB), jnp.float32),
        pltpu.VMEM((3, CHB), jnp.float32),
        pltpu.SemaphoreType.DMA,
        pltpu.SemaphoreType.DMA,
        pltpu.SemaphoreType.DMA,
        pltpu.SemaphoreType.DMA,
        pltpu.SemaphoreType.DMA,
        pltpu.SemaphoreType.DMA,
        pltpu.SemaphoreType.DMA,
        pltpu.SemaphoreType.DMA,
    ],
    compiler_params=_params,
)
def _pass2(pos_hbm, batch_hbm, w_hbm, psum_hbm, pcnt_hbm, out_hbm,
           psb, pcb, rbuf, wbuf, bufa, bufb, bba, bbb, oba, obb,
           spa, sba, spb, sbb, soa, sob, sps, spc):
    wid = lax.axis_index("s") * NC + lax.axis_index("c")
    onev = jnp.ones((L,), jnp.float32)
    epsv = jnp.full((L,), EPS, jnp.float32)
    n_my = jnp.int32(NFULL) + jnp.where(wid < NEXTRA, 1, 0).astype(jnp.int32)

    pltpu.async_copy(psum_hbm, psb, sps)
    pltpu.async_copy(pcnt_hbm, pcb, spc)
    pltpu.sync_copy(w_hbm, wbuf)
    w = wbuf[pl.ds(0, L)]

    def start(k, bufp, bufb2, semp, semb):
        base = (wid + k * NW) * CHB
        pltpu.async_copy(pos_hbm.at[:, pl.ds(base, CHB)], bufp, semp)
        pltpu.async_copy(batch_hbm.at[pl.ds(base, CHB)], bufb2, semb)

    def wait_in(bufp, bufb2, semp, semb):
        pltpu.make_async_copy(pos_hbm.at[:, pl.ds(0, CHB)], bufp, semp).wait()
        pltpu.make_async_copy(batch_hbm.at[pl.ds(0, CHB)], bufb2, semb).wait()

    def start_out(k, obuf, semo):
        base = (wid + k * NW) * CHB
        pltpu.async_copy(obuf, out_hbm.at[:, pl.ds(base, CHB)], semo)

    def wait_out(obuf, semo):
        pltpu.make_async_copy(obuf, out_hbm.at[:, pl.ds(0, CHB)], semo).wait()

    def compute(bufp, bufb2, obuf):
        @plsc.parallel_loop(0, VPC, unroll=8)
        def _(v):
            o = v * L
            b = bufb2[pl.ds(o, L)]
            r = plsc.load_gather(rbuf, [b])
            obuf[0, pl.ds(o, L)] = bufp[0, pl.ds(o, L)] * r
            obuf[1, pl.ds(o, L)] = bufp[1, pl.ds(o, L)] * r
            obuf[2, pl.ds(o, L)] = bufp[2, pl.ds(o, L)] * r

    start(0, bufa, bba, spa, sba)

    pltpu.make_async_copy(psum_hbm, psb, sps).wait()
    pltpu.make_async_copy(pcnt_hbm, pcb, spc).wait()

    def r_body(g, carry):
        sbase = g * L
        ssum = psb[0, pl.ds(sbase, L)]
        scnt = pcb[0, pl.ds(sbase, L)]
        for t in range(1, NW):
            ssum = ssum + psb[t, pl.ds(sbase, L)]
            scnt = scnt + pcb[t, pl.ds(sbase, L)]
        mean = ssum / jnp.maximum(scnt, onev)
        rbuf[pl.ds(sbase, L)] = w / (mean + epsv)
        return carry

    lax.fori_loop(0, S // L, r_body, 0)

    def pair_body(j, carry):
        k1 = 2 * j + 1
        k2 = 2 * j + 2

        @pl.when(k1 < n_my)
        def _():
            start(k1, bufb, bbb, spb, sbb)

        wait_in(bufa, bba, spa, sba)

        @pl.when(j > 0)
        def _():
            wait_out(oba, soa)

        compute(bufa, bba, oba)
        start_out(2 * j, oba, soa)

        @pl.when(k2 < n_my)
        def _():
            start(k2, bufa, bba, spa, sba)

        @pl.when(k1 < n_my)
        def _():
            wait_in(bufb, bbb, spb, sbb)

            @pl.when(j > 0)
            def _():
                wait_out(obb, sob)

            compute(bufb, bbb, obb)
            start_out(k1, obb, sob)

        return carry

    lax.fori_loop(0, (NFULL + 1) // 2, pair_body, 0)
    wait_out(oba, soa)
    wait_out(obb, sob)


def kernel(pos, batch, weight):
    pos_t = jnp.swapaxes(pos, 0, 1)
    wvec = jnp.broadcast_to(weight.reshape(1), (L,)).astype(jnp.float32)
    psum, pcnt = _pass1(pos_t, batch)
    out_t = _pass2(pos_t, batch, wvec, psum, pcnt)
    return jnp.swapaxes(out_t, 0, 1)

# --- scband reference (transcript-rebuilt; emitter-appended) ---
"""Pipeline reference for scband-e3-norm-7378753815034 (READ-ONLY COPY).

The authoritative reference and input builder live on the scoring server;
editing this copy changes nothing except your own understanding.
"""

import jax, jax.numpy as jnp
import numpy as np

N = 3200000
NUM_SEGMENTS = 1024
EPS = 1e-05


def setup_inputs(seed: int = 0) -> dict:
    key = jax.random.key(seed)
    k1, k2 = jax.random.split(key)
    pos = jax.random.normal(k1, (N, 3), dtype=jnp.float32)
    batch = jnp.sort(jax.random.randint(k2, (N,), 0, NUM_SEGMENTS, dtype=jnp.int32))
    weight = jnp.ones((1, 1), dtype=jnp.float32)
    return {"pos": pos, "batch": batch, "weight": weight}


def reference(pos, batch, weight):
    # norm over last dim, keepdim -> [N, 1]
    norm = jnp.linalg.norm(pos, axis=-1, keepdims=True)
    batch_size = NUM_SEGMENTS
    # scatter_mean(norm, batch, dim=0, dim_size=batch_size)
    sums = jax.ops.segment_sum(norm, batch, num_segments=batch_size)
    counts = jnp.bincount(batch, length=batch_size).astype(norm.dtype)
    counts = jnp.clip(counts, 1.0)
    mean_norm = sums / counts[:, None]
    # broadcast per-segment mean back to elements and normalize
    new_pos = weight * pos / (mean_norm[batch] + EPS)
    return new_pos

if __name__ == "__main__":
    import jax
    _d = setup_inputs()
    print(jax.jit(kernel)(*tuple(_d.values())))

</pallas_src>

<mosaic_0001>
#map = affine_map<(d0, d1) -> (0, 0)>
#map1 = affine_map<(d0, d1) -> (0)>
module attributes {stable_mosaic.version = 14 : i64} {
  func.func @_pass1(%arg0: i32, %arg1: i32, %arg2: memref<3x3200000xf32, #tpu.memory_space<hbm>>, %arg3: memref<3200000xi32, #tpu.memory_space<hbm>>, %arg4: memref<32x1024xf32, #tpu.memory_space<hbm>>, %arg5: memref<32x1024xf32, #tpu.memory_space<hbm>>, %arg6: memref<3x6400xf32, #tpu.memory_space<vmem>>, %arg7: memref<3x6400xf32, #tpu.memory_space<vmem>>, %arg8: memref<6400xi32, #tpu.memory_space<vmem>>, %arg9: memref<6400xi32, #tpu.memory_space<vmem>>, %arg10: memref<16400xf32, #tpu.memory_space<vmem>>, %arg11: memref<16400xf32, #tpu.memory_space<vmem>>, %arg12: memref<1024xf32, #tpu.memory_space<vmem>>, %arg13: memref<1024xf32, #tpu.memory_space<vmem>>, %arg14: memref<!tpu.dma_semaphore, #tpu.memory_space<semaphore_mem>>, %arg15: memref<!tpu.dma_semaphore, #tpu.memory_space<semaphore_mem>>, %arg16: memref<!tpu.dma_semaphore, #tpu.memory_space<semaphore_mem>>, %arg17: memref<!tpu.dma_semaphore, #tpu.memory_space<semaphore_mem>>) attributes {dimension_semantics = [#tpu.dimension_semantics<core_parallel>, #tpu.dimension_semantics<subcore_parallel>], iteration_bounds = array<i64: 2, 16>, scalar_prefetch = 0 : i64, scratch_operands = 12 : i64, tpu.core_type = #tpu.core_type<sc_vector_subcore>, window_params = [{transform_indices = #map}, {transform_indices = #map1}, {transform_indices = #map}, {transform_indices = #map}]} {
    %mul3A = arith.constant 2 : i32
    %mul3A_0 = arith.muli %arg1, %mul3A : i32
    %add3A = arith.addi %mul3A_0, %arg0 : i32
    %iota3A = tpu.iota {dimensions = array<i32: 0>} : vector<16xi32>
    %mul3A_1 = arith.constant 1025 : i32
    %mul3A_2 = vector.broadcast %mul3A_1 : i32 to vector<16xi32>
    %mul3A_3 = arith.muli %iota3A, %mul3A_2 : vector<16xi32>
    %broadcast_in_dim3A = arith.constant 0.000000e+00 : f32
    %broadcast_in_dim3A_4 = vector.broadcast %broadcast_in_dim3A : f32 to vector<16xf32>
    %broadcast_in_dim3A_5 = arith.constant 1.000000e+00 : f32
    %broadcast_in_dim3A_6 = vector.broadcast %broadcast_in_dim3A_5 : f32 to vector<16xf32>
    %lt3A = arith.constant 20 : i32
    %lt3A_7 = arith.cmpi slt, %add3A, %lt3A : i32
    %jit3A = arith.constant 1 : i32
    %jit3A_8 = arith.constant 0 : i32
    %select_n3A = arith.select %lt3A_7, %jit3A, %jit3A_8 : i32
    %add3A_9 = arith.constant 15 : i32
    %add3A_10 = arith.addi %add3A_9, %select_n3A : i32
    %parallel_loop3A = arith.constant 0 : i32
    %parallel_loop3A_11 = arith.constant 1025 : i32
    %parallel_loop3A_12 = arith.constant 1 : i32
    scf.for %parallel_loop3A_33 = %parallel_loop3A to %parallel_loop3A_11 step %parallel_loop3A_12  : i32 {
      %parallel_loop3A_34 = arith.constant 16 : i32
      %parallel_loop3A_35 = arith.muli %parallel_loop3A_33, %parallel_loop3A_34 : i32
      %parallel_loop3A_36 = arith.index_cast %parallel_loop3A_35 : i32 to index
      %parallel_loop3A_37 = tpu.vector_load %arg10[%parallel_loop3A_36] {strides = array<i32>} : memref<16400xf32, #tpu.memory_space<vmem>>, vector<16xf32>,
      tpu.vector_store %arg10[%parallel_loop3A_36], %broadcast_in_dim3A_4 {strides = array<i32>} : memref<16400xf32, #tpu.memory_space<vmem>>, vector<16xf32>,
      %parallel_loop3A_38 = arith.constant 16 : i32
      %parallel_loop3A_39 = arith.muli %parallel_loop3A_33, %parallel_loop3A_38 : i32
      %parallel_loop3A_40 = arith.index_cast %parallel_loop3A_39 : i32 to index
      %parallel_loop3A_41 = tpu.vector_load %arg11[%parallel_loop3A_40] {strides = array<i32>} : memref<16400xf32, #tpu.memory_space<vmem>>, vector<16xf32>,
      tpu.vector_store %arg11[%parallel_loop3A_40], %broadcast_in_dim3A_4 {strides = array<i32>} : memref<16400xf32, #tpu.memory_space<vmem>>, vector<16xf32>,
    } {sc.loop_unroll_factor = 5 : i64, sc.parallel_access}
    %add3A_13 = arith.constant 0 : i32
    %add3A_14 = arith.addi %add3A, %add3A_13 : i32
    %mul3A_15 = arith.constant 6400 : i32
    %mul3A_16 = arith.muli %add3A_14, %mul3A_15 : i32
    %dma_start3A = arith.constant 0 : i32
    %dma_start3A_17 = tpu.memref_slice %arg2[%dma_start3A, %mul3A_16] : memref<3x3200000xf32, #tpu.memory_space<hbm>> -> memref<3x6400xf32, #tpu.memory_space<hbm>>
    %dma_start3A_18 = arith.constant 0 : i32
    %dma_start3A_19 = tpu.memref_slice %arg2[%dma_start3A_18, %mul3A_16] : memref<3x3200000xf32, #tpu.memory_space<hbm>> -> memref<3x6400xf32, #tpu.memory_space<hbm>>
    tpu.enqueue_dma source(%dma_start3A_19 : memref<3x6400xf32, #tpu.memory_space<hbm>>) target(%arg6 : memref<3x6400xf32, #tpu.memory_space<vmem>>) target_semaphore(%arg14 : memref<!tpu.dma_semaphore, #tpu.memory_space<semaphore_mem>>)
    %dma_start3A_20 = tpu.memref_slice %arg3[%mul3A_16] : memref<3200000xi32, #tpu.memory_space<hbm>> -> memref<6400xi32, #tpu.memory_space<hbm>>
    %dma_start3A_21 = tpu.memref_slice %arg3[%mul3A_16] : memref<3200000xi32, #tpu.memory_space<hbm>> -> memref<6400xi32, #tpu.memory_space<hbm>>
    tpu.enqueue_dma source(%dma_start3A_21 : memref<6400xi32, #tpu.memory_space<hbm>>) target(%arg8 : memref<6400xi32, #tpu.memory_space<vmem>>) target_semaphore(%arg15 : memref<!tpu.dma_semaphore, #tpu.memory_space<semaphore_mem>>)
    %scan3A = arith.constant 0 : i32
    %scan3A_22 = arith.constant 0 : i32
    %scan3A_23 = arith.constant 8 : i32
    %scan3A_24 = arith.addi %scan3A_22, %scan3A_23 : i32
    %scan3A_25 = arith.constant 1 : i32
    scf.for %scan3A_33 = %scan3A_22 to %scan3A_24 step %scan3A_25  : i32 {
      %mul3A_34 = arith.constant 2 : i32
      %mul3A_35 = arith.muli %mul3A_34, %scan3A_33 : i32
      %add3A_36 = arith.constant 1 : i32
      %add3A_37 = arith.addi %mul3A_35, %add3A_36 : i32
      %mul3A_38 = arith.constant 2 : i32
      %mul3A_39 = arith.muli %mul3A_38, %scan3A_33 : i32
      %add3A_40 = arith.constant 2 : i32
      %add3A_41 = arith.addi %mul3A_39, %add3A_40 : i32
      %lt3A_42 = arith.cmpi slt, %add3A_37, %add3A_10 : i32
      %convert_element_type3A = arith.extui %lt3A_42 : i1 to i32
      %cond3A = arith.constant 0 : i32
      %cond3A_43 = arith.cmpi ne, %convert_element_type3A, %cond3A : i32
      scf.if %cond3A_43 {
        %mul3A_64 = arith.constant 32 : i32
        %mul3A_65 = arith.muli %add3A_37, %mul3A_64 : i32
        %add3A_66 = arith.addi %add3A, %mul3A_65 : i32
        %mul3A_67 = arith.constant 6400 : i32
        %mul3A_68 = arith.muli %add3A_66, %mul3A_67 : i32
        %dma_start3A_69 = arith.constant 0 : i32
        %dma_start3A_70 = tpu.memref_slice %arg2[%dma_start3A_69, %mul3A_68] : memref<3x3200000xf32, #tpu.memory_space<hbm>> -> memref<3x6400xf32, #tpu.memory_space<hbm>>
        %dma_start3A_71 = arith.constant 0 : i32
        %dma_start3A_72 = tpu.memref_slice %arg2[%dma_start3A_71, %mul3A_68] : memref<3x3200000xf32, #tpu.memory_space<hbm>> -> memref<3x6400xf32, #tpu.memory_space<hbm>>
        tpu.enqueue_dma source(%dma_start3A_72 : memref<3x6400xf32, #tpu.memory_space<hbm>>) target(%arg7 : memref<3x6400xf32, #tpu.memory_space<vmem>>) target_semaphore(%arg16 : memref<!tpu.dma_semaphore, #tpu.memory_space<semaphore_mem>>)
        %dma_start3A_73 = tpu.memref_slice %arg3[%mul3A_68] : memref<3200000xi32, #tpu.memory_space<hbm>> -> memref<6400xi32, #tpu.memory_space<hbm>>
        %dma_start3A_74 = tpu.memref_slice %arg3[%mul3A_68] : memref<3200000xi32, #tpu.memory_space<hbm>> -> memref<6400xi32, #tpu.memory_space<hbm>>
        tpu.enqueue_dma source(%dma_start3A_74 : memref<6400xi32, #tpu.memory_space<hbm>>) target(%arg9 : memref<6400xi32, #tpu.memory_space<vmem>>) target_semaphore(%arg17 : memref<!tpu.dma_semaphore, #tpu.memory_space<semaphore_mem>>)
      } else {
      }
      %dma_wait3A = arith.constant 0 : i32
      %dma_wait3A_44 = arith.constant 0 : i32
      %dma_wait3A_45 = tpu.memref_slice %arg2[%dma_wait3A, %dma_wait3A_44] : memref<3x3200000xf32, #tpu.memory_space<hbm>> -> memref<3x6400xf32, #tpu.memory_space<hbm>>
      %dma_wait3A_46 = arith.constant 0 : i32
      %dma_wait3A_47 = arith.constant 0 : i32
      %dma_wait3A_48 = tpu.memref_slice %arg2[%dma_wait3A_46, %dma_wait3A_47] : memref<3x3200000xf32, #tpu.memory_space<hbm>> -> memref<3x6400xf32, #tpu.memory_space<hbm>>
      tpu.wait_dma2 semaphore(%arg14 : memref<!tpu.dma_semaphore, #tpu.memory_space<semaphore_mem>>) src(%dma_wait3A_48 : memref<3x6400xf32, #tpu.memory_space<hbm>>) dst(%arg6 : memref<3x6400xf32, #tpu.memory_space<vmem>>)
      %dma_wait3A_49 = arith.constant 0 : i32
      %dma_wait3A_50 = tpu.memref_slice %arg3[%dma_wait3A_49] : memref<3200000xi32, #tpu.memory_space<hbm>> -> memref<6400xi32, #tpu.memory_space<hbm>>
      %dma_wait3A_51 = arith.constant 0 : i32
      %dma_wait3A_52 = tpu.memref_slice %arg3[%dma_wait3A_51] : memref<3200000xi32, #tpu.memory_space<hbm>> -> memref<6400xi32, #tpu.memory_space<hbm>>
      tpu.wait_dma2 semaphore(%arg15 : memref<!tpu.dma_semaphore, #tpu.memory_space<semaphore_mem>>) src(%dma_wait3A_52 : memref<6400xi32, #tpu.memory_space<hbm>>) dst(%arg8 : memref<6400xi32, #tpu.memory_space<vmem>>)
      %parallel_loop3A_53 = arith.constant 0 : i32
      %parallel_loop3A_54 = arith.constant 400 : i32
      %parallel_loop3A_55 = arith.constant 1 : i32
      scf.for %parallel_loop3A_64 = %parallel_loop3A_53 to %parallel_loop3A_54 step %parallel_loop3A_55  : i32 {
        %parallel_loop3A_65 = arith.constant 16 : i32
        %parallel_loop3A_66 = arith.muli %parallel_loop3A_64, %parallel_loop3A_65 : i32
        %parallel_loop3A_67 = arith.index_cast %parallel_loop3A_66 : i32 to index
        %parallel_loop3A_68 = tpu.vector_load %arg8[%parallel_loop3A_67] {strides = array<i32>} : memref<6400xi32, #tpu.memory_space<vmem>>, vector<16xi32>,
        %parallel_loop3A_69 = arith.constant 0 : i32
        %parallel_loop3A_70 = arith.index_cast %parallel_loop3A_69 : i32 to index
        %parallel_loop3A_71 = arith.index_cast %parallel_loop3A_66 : i32 to index
        %parallel_loop3A_72 = tpu.vector_load %arg6[%parallel_loop3A_70, %parallel_loop3A_71] {strides = array<i32>} : memref<3x6400xf32, #tpu.memory_space<vmem>>, vector<16xf32>,
        %parallel_loop3A_73 = arith.constant 1 : i32
        %parallel_loop3A_74 = arith.index_cast %parallel_loop3A_73 : i32 to index
        %parallel_loop3A_75 = arith.index_cast %parallel_loop3A_66 : i32 to index
        %parallel_loop3A_76 = tpu.vector_load %arg6[%parallel_loop3A_74, %parallel_loop3A_75] {strides = array<i32>} : memref<3x6400xf32, #tpu.memory_space<vmem>>, vector<16xf32>,
        %parallel_loop3A_77 = arith.constant 2 : i32
        %parallel_loop3A_78 = arith.index_cast %parallel_loop3A_77 : i32 to index
        %parallel_loop3A_79 = arith.index_cast %parallel_loop3A_66 : i32 to index
        %parallel_loop3A_80 = tpu.vector_load %arg6[%parallel_loop3A_78, %parallel_loop3A_79] {strides = array<i32>} : memref<3x6400xf32, #tpu.memory_space<vmem>>, vector<16xf32>,
        %parallel_loop3A_81 = arith.mulf %parallel_loop3A_72, %parallel_loop3A_72 : vector<16xf32>
        %parallel_loop3A_82 = arith.mulf %parallel_loop3A_76, %parallel_loop3A_76 : vector<16xf32>
        %parallel_loop3A_83 = arith.addf %parallel_loop3A_81, %parallel_loop3A_82 : vector<16xf32>
        %parallel_loop3A_84 = arith.mulf %parallel_loop3A_80, %parallel_loop3A_80 : vector<16xf32>
        %parallel_loop3A_85 = arith.addf %parallel_loop3A_83, %parallel_loop3A_84 : vector<16xf32>
        %parallel_loop3A_86 = tpu.bitcast %parallel_loop3A_85 : vector<16xf32> -> vector<16xi32>
        %parallel_loop3A_87 = arith.constant 1597463007 : i32
        %parallel_loop3A_88 = vector.broadcast %parallel_loop3A_87 : i32 to vector<16xi32>
        %parallel_loop3A_89 = arith.constant 1 : i32
        %parallel_loop3A_90 = vector.broadcast %parallel_loop3A_89 : i32 to vector<16xi32>
        %parallel_loop3A_91 = arith.shrui %parallel_loop3A_86, %parallel_loop3A_90 : vector<16xi32>
        %parallel_loop3A_92 = arith.subi %parallel_loop3A_88, %parallel_loop3A_91 : vector<16xi32>
        %parallel_loop3A_93 = tpu.bitcast %parallel_loop3A_92 : vector<16xi32> -> vector<16xf32>
        %parallel_loop3A_94 = arith.constant 5.000000e-01 : f32
        %parallel_loop3A_95 = vector.broadcast %parallel_loop3A_94 : f32 to vector<16xf32>
        %parallel_loop3A_96 = arith.mulf %parallel_loop3A_85, %parallel_loop3A_95 : vector<16xf32>
        %parallel_loop3A_97 = arith.constant 1.500000e+00 : f32
        %parallel_loop3A_98 = vector.broadcast %parallel_loop3A_97 : f32 to vector<16xf32>
        %parallel_loop3A_99 = arith.mulf %parallel_loop3A_96, %parallel_loop3A_93 : vector<16xf32>
        %parallel_loop3A_100 = arith.mulf %parallel_loop3A_99, %parallel_loop3A_93 : vector<16xf32>
        %parallel_loop3A_101 = arith.subf %parallel_loop3A_98, %parallel_loop3A_100 : vector<16xf32>
        %parallel_loop3A_102 = arith.mulf %parallel_loop3A_93, %parallel_loop3A_101 : vector<16xf32>
        %parallel_loop3A_103 = arith.mulf %parallel_loop3A_96, %parallel_loop3A_102 : vector<16xf32>
        %parallel_loop3A_104 = arith.mulf %parallel_loop3A_103, %parallel_loop3A_102 : vector<16xf32>
        %parallel_loop3A_105 = arith.subf %parallel_loop3A_98, %parallel_loop3A_104 : vector<16xf32>
        %parallel_loop3A_106 = arith.mulf %parallel_loop3A_102, %parallel_loop3A_105 : vector<16xf32>
        %parallel_loop3A_107 = arith.mulf %parallel_loop3A_85, %parallel_loop3A_106 : vector<16xf32>
        %parallel_loop3A_108 = arith.addi %parallel_loop3A_68, %mul3A_3 : vector<16xi32>
        tpu.vector_store_idx %arg10[%parallel_loop3A_108], %parallel_loop3A_107 {add = true} : memref<16400xf32, #tpu.memory_space<vmem>>[vector<16xi32>], vector<16xf32>,
        tpu.vector_store_idx %arg11[%parallel_loop3A_108], %broadcast_in_dim3A_6 {add = true} : memref<16400xf32, #tpu.memory_space<vmem>>[vector<16xi32>], vector<16xf32>,
      } {sc.loop_unroll_factor = 8 : i64, sc.parallel_access}
      %lt3A_56 = arith.cmpi slt, %add3A_41, %add3A_10 : i32
      %convert_element_type3A_57 = arith.extui %lt3A_56 : i1 to i32
      %cond3A_58 = arith.constant 0 : i32
      %cond3A_59 = arith.cmpi ne, %convert_element_type3A_57, %cond3A_58 : i32
      scf.if %cond3A_59 {
        %mul3A_64 = arith.constant 32 : i32
        %mul3A_65 = arith.muli %add3A_41, %mul3A_64 : i32
        %add3A_66 = arith.addi %add3A, %mul3A_65 : i32
        %mul3A_67 = arith.constant 6400 : i32
        %mul3A_68 = arith.muli %add3A_66, %mul3A_67 : i32
        %dma_start3A_69 = arith.constant 0 : i32
        %dma_start3A_70 = tpu.memref_slice %arg2[%dma_start3A_69, %mul3A_68] : memref<3x3200000xf32, #tpu.memory_space<hbm>> -> memref<3x6400xf32, #tpu.memory_space<hbm>>
        %dma_start3A_71 = arith.constant 0 : i32
        %dma_start3A_72 = tpu.memref_slice %arg2[%dma_start3A_71, %mul3A_68] : memref<3x3200000xf32, #tpu.memory_space<hbm>> -> memref<3x6400xf32, #tpu.memory_space<hbm>>
        tpu.enqueue_dma source(%dma_start3A_72 : memref<3x6400xf32, #tpu.memory_space<hbm>>) target(%arg6 : memref<3x6400xf32, #tpu.memory_space<vmem>>) target_semaphore(%arg14 : memref<!tpu.dma_semaphore, #tpu.memory_space<semaphore_mem>>)
        %dma_start3A_73 = tpu.memref_slice %arg3[%mul3A_68] : memref<3200000xi32, #tpu.memory_space<hbm>> -> memref<6400xi32, #tpu.memory_space<hbm>>
        %dma_start3A_74 = tpu.memref_slice %arg3[%mul3A_68] : memref<3200000xi32, #tpu.memory_space<hbm>> -> memref<6400xi32, #tpu.memory_space<hbm>>
        tpu.enqueue_dma source(%dma_start3A_74 : memref<6400xi32, #tpu.memory_space<hbm>>) target(%arg8 : memref<6400xi32, #tpu.memory_space<vmem>>) target_semaphore(%arg15 : memref<!tpu.dma_semaphore, #tpu.memory_space<semaphore_mem>>)
      } else {
      }
      %lt3A_60 = arith.cmpi slt, %add3A_37, %add3A_10 : i32
      %convert_element_type3A_61 = arith.extui %lt3A_60 : i1 to i32
      %cond3A_62 = arith.constant 0 : i32
      %cond3A_63 = arith.cmpi ne, %convert_element_type3A_61, %cond3A_62 : i32
      scf.if %cond3A_63 {
        %dma_wait3A_64 = arith.constant 0 : i32
        %dma_wait3A_65 = arith.constant 0 : i32
        %dma_wait3A_66 = tpu.memref_slice %arg2[%dma_wait3A_64, %dma_wait3A_65] : memref<3x3200000xf32, #tpu.memory_space<hbm>> -> memref<3x6400xf32, #tpu.memory_space<hbm>>
        %dma_wait3A_67 = arith.constant 0 : i32
        %dma_wait3A_68 = arith.constant 0 : i32
        %dma_wait3A_69 = tpu.memref_slice %arg2[%dma_wait3A_67, %dma_wait3A_68] : memref<3x3200000xf32, #tpu.memory_space<hbm>> -> memref<3x6400xf32, #tpu.memory_space<hbm>>
        tpu.wait_dma2 semaphore(%arg16 : memref<!tpu.dma_semaphore, #tpu.memory_space<semaphore_mem>>) src(%dma_wait3A_69 : memref<3x6400xf32, #tpu.memory_space<hbm>>) dst(%arg7 : memref<3x6400xf32, #tpu.memory_space<vmem>>)
        %dma_wait3A_70 = arith.constant 0 : i32
        %dma_wait3A_71 = tpu.memref_slice %arg3[%dma_wait3A_70] : memref<3200000xi32, #tpu.memory_space<hbm>> -> memref<6400xi32, #tpu.memory_space<hbm>>
        %dma_wait3A_72 = arith.constant 0 : i32
        %dma_wait3A_73 = tpu.memref_slice %arg3[%dma_wait3A_72] : memref<3200000xi32, #tpu.memory_space<hbm>> -> memref<6400xi32, #tpu.memory_space<hbm>>
        tpu.wait_dma2 semaphore(%arg17 : memref<!tpu.dma_semaphore, #tpu.memory_space<semaphore_mem>>) src(%dma_wait3A_73 : memref<6400xi32, #tpu.memory_space<hbm>>) dst(%arg9 : memref<6400xi32, #tpu.memory_space<vmem>>)
        %parallel_loop3A_74 = arith.constant 0 : i32
        %parallel_loop3A_75 = arith.constant 400 : i32
        %parallel_loop3A_76 = arith.constant 1 : i32
        scf.for %parallel_loop3A_77 = %parallel_loop3A_74 to %parallel_loop3A_75 step %parallel_loop3A_76  : i32 {
          %parallel_loop3A_78 = arith.constant 16 : i32
          %parallel_loop3A_79 = arith.muli %parallel_loop3A_77, %parallel_loop3A_78 : i32
          %parallel_loop3A_80 = arith.index_cast %parallel_loop3A_79 : i32 to index
          %parallel_loop3A_81 = tpu.vector_load %arg9[%parallel_loop3A_80] {strides = array<i32>} : memref<6400xi32, #tpu.memory_space<vmem>>, vector<16xi32>,
          %parallel_loop3A_82 = arith.constant 0 : i32
          %parallel_loop3A_83 = arith.index_cast %parallel_loop3A_82 : i32 to index
          %parallel_loop3A_84 = arith.index_cast %parallel_loop3A_79 : i32 to index
          %parallel_loop3A_85 = tpu.vector_load %arg7[%parallel_loop3A_83, %parallel_loop3A_84] {strides = array<i32>} : memref<3x6400xf32, #tpu.memory_space<vmem>>, vector<16xf32>,
          %parallel_loop3A_86 = arith.constant 1 : i32
          %parallel_loop3A_87 = arith.index_cast %parallel_loop3A_86 : i32 to index
          %parallel_loop3A_88 = arith.index_cast %parallel_loop3A_79 : i32 to index
          %parallel_loop3A_89 = tpu.vector_load %arg7[%parallel_loop3A_87, %parallel_loop3A_88] {strides = array<i32>} : memref<3x6400xf32, #tpu.memory_space<vmem>>, vector<16xf32>,
          %parallel_loop3A_90 = arith.constant 2 : i32
          %parallel_loop3A_91 = arith.index_cast %parallel_loop3A_90 : i32 to index
          %parallel_loop3A_92 = arith.index_cast %parallel_loop3A_79 : i32 to index
          %parallel_loop3A_93 = tpu.vector_load %arg7[%parallel_loop3A_91, %parallel_loop3A_92] {strides = array<i32>} : memref<3x6400xf32, #tpu.memory_space<vmem>>, vector<16xf32>,
          %parallel_loop3A_94 = arith.mulf %parallel_loop3A_85, %parallel_loop3A_85 : vector<16xf32>
          %parallel_loop3A_95 = arith.mulf %parallel_loop3A_89, %parallel_loop3A_89 : vector<16xf32>
          %parallel_loop3A_96 = arith.addf %parallel_loop3A_94, %parallel_loop3A_95 : vector<16xf32>
          %parallel_loop3A_97 = arith.mulf %parallel_loop3A_93, %parallel_loop3A_93 : vector<16xf32>
          %parallel_loop3A_98 = arith.addf %parallel_loop3A_96, %parallel_loop3A_97 : vector<16xf32>
          %parallel_loop3A_99 = tpu.bitcast %parallel_loop3A_98 : vector<16xf32> -> vector<16xi32>
          %parallel_loop3A_100 = arith.constant 1597463007 : i32
          %parallel_loop3A_101 = vector.broadcast %parallel_loop3A_100 : i32 to vector<16xi32>
          %parallel_loop3A_102 = arith.constant 1 : i32
          %parallel_loop3A_103 = vector.broadcast %parallel_loop3A_102 : i32 to vector<16xi32>
          %parallel_loop3A_104 = arith.shrui %parallel_loop3A_99, %parallel_loop3A_103 : vector<16xi32>
          %parallel_loop3A_105 = arith.subi %parallel_loop3A_101, %parallel_loop3A_104 : vector<16xi32>
          %parallel_loop3A_106 = tpu.bitcast %parallel_loop3A_105 : vector<16xi32> -> vector<16xf32>
          %parallel_loop3A_107 = arith.constant 5.000000e-01 : f32
          %parallel_loop3A_108 = vector.broadcast %parallel_loop3A_107 : f32 to vector<16xf32>
          %parallel_loop3A_109 = arith.mulf %parallel_loop3A_98, %parallel_loop3A_108 : vector<16xf32>
          %parallel_loop3A_110 = arith.constant 1.500000e+00 : f32
          %parallel_loop3A_111 = vector.broadcast %parallel_loop3A_110 : f32 to vector<16xf32>
          %parallel_loop3A_112 = arith.mulf %parallel_loop3A_109, %parallel_loop3A_106 : vector<16xf32>
          %parallel_loop3A_113 = arith.mulf %parallel_loop3A_112, %parallel_loop3A_106 : vector<16xf32>
          %parallel_loop3A_114 = arith.subf %parallel_loop3A_111, %parallel_loop3A_113 : vector<16xf32>
          %parallel_loop3A_115 = arith.mulf %parallel_loop3A_106, %parallel_loop3A_114 : vector<16xf32>
          %parallel_loop3A_116 = arith.mulf %parallel_loop3A_109, %parallel_loop3A_115 : vector<16xf32>
          %parallel_loop3A_117 = arith.mulf %parallel_loop3A_116, %parallel_loop3A_115 : vector<16xf32>
          %parallel_loop3A_118 = arith.subf %parallel_loop3A_111, %parallel_loop3A_117 : vector<16xf32>
          %parallel_loop3A_119 = arith.mulf %parallel_loop3A_115, %parallel_loop3A_118 : vector<16xf32>
          %parallel_loop3A_120 = arith.mulf %parallel_loop3A_98, %parallel_loop3A_119 : vector<16xf32>
          %parallel_loop3A_121 = arith.addi %parallel_loop3A_81, %mul3A_3 : vector<16xi32>
          tpu.vector_store_idx %arg10[%parallel_loop3A_121], %parallel_loop3A_120 {add = true} : memref<16400xf32, #tpu.memory_space<vmem>>[vector<16xi32>], vector<16xf32>,
          tpu.vector_store_idx %arg11[%parallel_loop3A_121], %broadcast_in_dim3A_6 {add = true} : memref<16400xf32, #tpu.memory_space<vmem>>[vector<16xi32>], vector<16xf32>,
        } {sc.loop_unroll_factor = 8 : i64, sc.parallel_access}
      } else {
      }
    }
    %scan3A_26 = arith.constant 8 : i32
    %scan3A_27 = arith.constant 0 : i32
    %scan3A_28 = arith.constant 0 : i32
    %scan3A_29 = arith.constant 64 : i32
    %scan3A_30 = arith.addi %scan3A_28, %scan3A_29 : i32
    %scan3A_31 = arith.constant 1 : i32
    scf.for %scan3A_33 = %scan3A_28 to %scan3A_30 step %scan3A_31  : i32 {
      %mul3A_34 = arith.constant 16 : i32
      %mul3A_35 = arith.muli %scan3A_33, %mul3A_34 : i32
      %get3A = arith.index_cast %mul3A_35 : i32 to index
      %get3A_36 = tpu.vector_load %arg10[%get3A] {strides = array<i32>} : memref<16400xf32, #tpu.memory_space<vmem>>, vector<16xf32>,
      %get3A_37 = arith.index_cast %mul3A_35 : i32 to index
      %get3A_38 = tpu.vector_load %arg11[%get3A_37] {strides = array<i32>} : memref<16400xf32, #tpu.memory_space<vmem>>, vector<16xf32>,
      %add3A_39 = arith.constant 1025 : i32
      %add3A_40 = arith.addi %add3A_39, %mul3A_35 : i32
      %get3A_41 = arith.index_cast %add3A_40 : i32 to index
      %get3A_42 = tpu.vector_load %arg10[%get3A_41] {strides = array<i32>} : memref<16400xf32, #tpu.memory_space<vmem>>, vector<16xf32>,
      %add3A_43 = arith.addf %get3A_36, %get3A_42 : vector<16xf32>
      %add3A_44 = arith.constant 1025 : i32
      %add3A_45 = arith.addi %add3A_44, %mul3A_35 : i32
      %get3A_46 = arith.index_cast %add3A_45 : i32 to index
      %get3A_47 = tpu.vector_load %arg11[%get3A_46] {strides = array<i32>} : memref<16400xf32, #tpu.memory_space<vmem>>, vector<16xf32>,
      %add3A_48 = arith.addf %get3A_38, %get3A_47 : vector<16xf32>
      %add3A_49 = arith.constant 2050 : i32
      %add3A_50 = arith.addi %add3A_49, %mul3A_35 : i32
      %get3A_51 = arith.index_cast %add3A_50 : i32 to index
      %get3A_52 = tpu.vector_load %arg10[%get3A_51] {strides = array<i32>} : memref<16400xf32, #tpu.memory_space<vmem>>, vector<16xf32>,
      %add3A_53 = arith.addf %add3A_43, %get3A_52 : vector<16xf32>
      %add3A_54 = arith.constant 2050 : i32
      %add3A_55 = arith.addi %add3A_54, %mul3A_35 : i32
      %get3A_56 = arith.index_cast %add3A_55 : i32 to index
      %get3A_57 = tpu.vector_load %arg11[%get3A_56] {strides = array<i32>} : memref<16400xf32, #tpu.memory_space<vmem>>, vector<16xf32>,
      %add3A_58 = arith.addf %add3A_48, %get3A_57 : vector<16xf32>
      %add3A_59 = arith.constant 3075 : i32
      %add3A_60 = arith.addi %add3A_59, %mul3A_35 : i32
      %get3A_61 = arith.index_cast %add3A_60 : i32 to index
      %get3A_62 = tpu.vector_load %arg10[%get3A_61] {strides = array<i32>} : memref<16400xf32, #tpu.memory_space<vmem>>, vector<16xf32>,
      %add3A_63 = arith.addf %add3A_53, %get3A_62 : vector<16xf32>
      %add3A_64 = arith.constant 3075 : i32
      %add3A_65 = arith.addi %add3A_64, %mul3A_35 : i32
      %get3A_66 = arith.index_cast %add3A_65 : i32 to index
      %get3A_67 = tpu.vector_load %arg11[%get3A_66] {strides = array<i32>} : memref<16400xf32, #tpu.memory_space<vmem>>, vector<16xf32>,
      %add3A_68 = arith.addf %add3A_58, %get3A_67 : vector<16xf32>
      %add3A_69 = arith.constant 4100 : i32
      %add3A_70 = arith.addi %add3A_69, %mul3A_35 : i32
      %get3A_71 = arith.index_cast %add3A_70 : i32 to index
      %get3A_72 = tpu.vector_load %arg10[%get3A_71] {strides = array<i32>} : memref<16400xf32, #tpu.memory_space<vmem>>, vector<16xf32>,
      %add3A_73 = arith.addf %add3A_63, %get3A_72 : vector<16xf32>
      %add3A_74 = arith.constant 4100 : i32
      %add3A_75 = arith.addi %add3A_74, %mul3A_35 : i32
      %get3A_76 = arith.index_cast %add3A_75 : i32 to index
      %get3A_77 = tpu.vector_load %arg11[%get3A_76] {strides = array<i32>} : memref<16400xf32, #tpu.memory_space<vmem>>, vector<16xf32>,
      %add3A_78 = arith.addf %add3A_68, %get3A_77 : vector<16xf32>
      %add3A_79 = arith.constant 5125 : i32
      %add3A_80 = arith.addi %add3A_79, %mul3A_35 : i32
      %get3A_81 = arith.index_cast %add3A_80 : i32 to index
      %get3A_82 = tpu.vector_load %arg10[%get3A_81] {strides = array<i32>} : memref<16400xf32, #tpu.memory_space<vmem>>, vector<16xf32>,
      %add3A_83 = arith.addf %add3A_73, %get3A_82 : vector<16xf32>
      %add3A_84 = arith.constant 5125 : i32
      %add3A_85 = arith.addi %add3A_84, %mul3A_35 : i32
      %get3A_86 = arith.index_cast %add3A_85 : i32 to index
      %get3A_87 = tpu.vector_load %arg11[%get3A_86] {strides = array<i32>} : memref<16400xf32, #tpu.memory_space<vmem>>, vector<16xf32>,
      %add3A_88 = arith.addf %add3A_78, %get3A_87 : vector<16xf32>
      %add3A_89 = arith.constant 6150 : i32
      %add3A_90 = arith.addi %add3A_89, %mul3A_35 : i32
      %get3A_91 = arith.index_cast %add3A_90 : i32 to index
      %get3A_92 = tpu.vector_load %arg10[%get3A_91] {strides = array<i32>} : memref<16400xf32, #tpu.memory_space<vmem>>, vector<16xf32>,
      %add3A_93 = arith.addf %add3A_83, %get3A_92 : vector<16xf32>
      %add3A_94 = arith.constant 6150 : i32
      %add3A_95 = arith.addi %add3A_94, %mul3A_35 : i32
      %get3A_96 = arith.index_cast %add3A_95 : i32 to index
      %get3A_97 = tpu.vector_load %arg11[%get3A_96] {strides = array<i32>} : memref<16400xf32, #tpu.memory_space<vmem>>, vector<16xf32>,
      %add3A_98 = arith.addf %add3A_88, %get3A_97 : vector<16xf32>
      %add3A_99 = arith.constant 7175 : i32
      %add3A_100 = arith.addi %add3A_99, %mul3A_35 : i32
      %get3A_101 = arith.index_cast %add3A_100 : i32 to index
      %get3A_102 = tpu.vector_load %arg10[%get3A_101] {strides = array<i32>} : memref<16400xf32, #tpu.memory_space<vmem>>, vector<16xf32>,
      %add3A_103 = arith.addf %add3A_93, %get3A_102 : vector<16xf32>
      %add3A_104 = arith.constant 7175 : i32
      %add3A_105 = arith.addi %add3A_104, %mul3A_35 : i32
      %get3A_106 = arith.index_cast %add3A_105 : i32 to index
      %get3A_107 = tpu.vector_load %arg11[%get3A_106] {strides = array<i32>} : memref<16400xf32, #tpu.memory_space<vmem>>, vector<16xf32>,
      %add3A_108 = arith.addf %add3A_98, %get3A_107 : vector<16xf32>
      %add3A_109 = arith.constant 8200 : i32
      %add3A_110 = arith.addi %add3A_109, %mul3A_35 : i32
      %get3A_111 = arith.index_cast %add3A_110 : i32 to index
      %get3A_112 = tpu.vector_load %arg10[%get3A_111] {strides = array<i32>} : memref<16400xf32, #tpu.memory_space<vmem>>, vector<16xf32>,
      %add3A_113 = arith.addf %add3A_103, %get3A_112 : vector<16xf32>
      %add3A_114 = arith.constant 8200 : i32
      %add3A_115 = arith.addi %add3A_114, %mul3A_35 : i32
      %get3A_116 = arith.index_cast %add3A_115 : i32 to index
      %get3A_117 = tpu.vector_load %arg11[%get3A_116] {strides = array<i32>} : memref<16400xf32, #tpu.memory_space<vmem>>, vector<16xf32>,
      %add3A_118 = arith.addf %add3A_108, %get3A_117 : vector<16xf32>
      %add3A_119 = arith.constant 9225 : i32
      %add3A_120 = arith.addi %add3A_119, %mul3A_35 : i32
      %get3A_121 = arith.index_cast %add3A_120 : i32 to index
      %get3A_122 = tpu.vector_load %arg10[%get3A_121] {strides = array<i32>} : memref<16400xf32, #tpu.memory_space<vmem>>, vector<16xf32>,
      %add3A_123 = arith.addf %add3A_113, %get3A_122 : vector<16xf32>
      %add3A_124 = arith.constant 9225 : i32
      %add3A_125 = arith.addi %add3A_124, %mul3A_35 : i32
      %get3A_126 = arith.index_cast %add3A_125 : i32 to index
      %get3A_127 = tpu.vector_load %arg11[%get3A_126] {strides = array<i32>} : memref<16400xf32, #tpu.memory_space<vmem>>, vector<16xf32>,
      %add3A_128 = arith.addf %add3A_118, %get3A_127 : vector<16xf32>
      %add3A_129 = arith.constant 10250 : i32
      %add3A_130 = arith.addi %add3A_129, %mul3A_35 : i32
      %get3A_131 = arith.index_cast %add3A_130 : i32 to index
      %get3A_132 = tpu.vector_load %arg10[%get3A_131] {strides = array<i32>} : memref<16400xf32, #tpu.memory_space<vmem>>, vector<16xf32>,
      %add3A_133 = arith.addf %add3A_123, %get3A_132 : vector<16xf32>
      %add3A_134 = arith.constant 10250 : i32
      %add3A_135 = arith.addi %add3A_134, %mul3A_35 : i32
      %get3A_136 = arith.index_cast %add3A_135 : i32 to index
      %get3A_137 = tpu.vector_load %arg11[%get3A_136] {strides = array<i32>} : memref<16400xf32, #tpu.memory_space<vmem>>, vector<16xf32>,
      %add3A_138 = arith.addf %add3A_128, %get3A_137 : vector<16xf32>
      %add3A_139 = arith.constant 11275 : i32
      %add3A_140 = arith.addi %add3A_139, %mul3A_35 : i32
      %get3A_141 = arith.index_cast %add3A_140 : i32 to index
      %get3A_142 = tpu.vector_load %arg10[%get3A_141] {strides = array<i32>} : memref<16400xf32, #tpu.memory_space<vmem>>, vector<16xf32>,
      %add3A_143 = arith.addf %add3A_133, %get3A_142 : vector<16xf32>
      %add3A_144 = arith.constant 11275 : i32
      %add3A_145 = arith.addi %add3A_144, %mul3A_35 : i32
      %get3A_146 = arith.index_cast %add3A_145 : i32 to index
      %get3A_147 = tpu.vector_load %arg11[%get3A_146] {strides = array<i32>} : memref<16400xf32, #tpu.memory_space<vmem>>, vector<16xf32>,
      %add3A_148 = arith.addf %add3A_138, %get3A_147 : vector<16xf32>
      %add3A_149 = arith.constant 12300 : i32
      %add3A_150 = arith.addi %add3A_149, %mul3A_35 : i32
      %get3A_151 = arith.index_cast %add3A_150 : i32 to index
      %get3A_152 = tpu.vector_load %arg10[%get3A_151] {strides = array<i32>} : memref<16400xf32, #tpu.memory_space<vmem>>, vector<16xf32>,
      %add3A_153 = arith.addf %add3A_143, %get3A_152 : vector<16xf32>
      %add3A_154 = arith.constant 12300 : i32
      %add3A_155 = arith.addi %add3A_154, %mul3A_35 : i32
      %get3A_156 = arith.index_cast %add3A_155 : i32 to index
      %get3A_157 = tpu.vector_load %arg11[%get3A_156] {strides = array<i32>} : memref<16400xf32, #tpu.memory_space<vmem>>, vector<16xf32>,
      %add3A_158 = arith.addf %add3A_148, %get3A_157 : vector<16xf32>
      %add3A_159 = arith.constant 13325 : i32
      %add3A_160 = arith.addi %add3A_159, %mul3A_35 : i32
      %get3A_161 = arith.index_cast %add3A_160 : i32 to index
      %get3A_162 = tpu.vector_load %arg10[%get3A_161] {strides = array<i32>} : memref<16400xf32, #tpu.memory_space<vmem>>, vector<16xf32>,
      %add3A_163 = arith.addf %add3A_153, %get3A_162 : vector<16xf32>
      %add3A_164 = arith.constant 13325 : i32
      %add3A_165 = arith.addi %add3A_164, %mul3A_35 : i32
      %get3A_166 = arith.index_cast %add3A_165 : i32 to index
      %get3A_167 = tpu.vector_load %arg11[%get3A_166] {strides = array<i32>} : memref<16400xf32, #tpu.memory_space<vmem>>, vector<16xf32>,
      %add3A_168 = arith.addf %add3A_158, %get3A_167 : vector<16xf32>
      %add3A_169 = arith.constant 14350 : i32
      %add3A_170 = arith.addi %add3A_169, %mul3A_35 : i32
      %get3A_171 = arith.index_cast %add3A_170 : i32 to index
      %get3A_172 = tpu.vector_load %arg10[%get3A_171] {strides = array<i32>} : memref<16400xf32, #tpu.memory_space<vmem>>, vector<16xf32>,
      %add3A_173 = arith.addf %add3A_163, %get3A_172 : vector<16xf32>
      %add3A_174 = arith.constant 14350 : i32
      %add3A_175 = arith.addi %add3A_174, %mul3A_35 : i32
      %get3A_176 = arith.index_cast %add3A_175 : i32 to index
      %get3A_177 = tpu.vector_load %arg11[%get3A_176] {strides = array<i32>} : memref<16400xf32, #tpu.memory_space<vmem>>, vector<16xf32>,
      %add3A_178 = arith.addf %add3A_168, %get3A_177 : vector<16xf32>
      %add3A_179 = arith.constant 15375 : i32
      %add3A_180 = arith.addi %add3A_179, %mul3A_35 : i32
      %get3A_181 = arith.index_cast %add3A_180 : i32 to index
      %get3A_182 = tpu.vector_load %arg10[%get3A_181] {strides = array<i32>} : memref<16400xf32, #tpu.memory_space<vmem>>, vector<16xf32>,
      %add3A_183 = arith.addf %add3A_173, %get3A_182 : vector<16xf32>
      %add3A_184 = arith.constant 15375 : i32
      %add3A_185 = arith.addi %add3A_184, %mul3A_35 : i32
      %get3A_186 = arith.index_cast %add3A_185 : i32 to index
      %get3A_187 = tpu.vector_load %arg11[%get3A_186] {strides = array<i32>} : memref<16400xf32, #tpu.memory_space<vmem>>, vector<16xf32>,
      %add3A_188 = arith.addf %add3A_178, %get3A_187 : vector<16xf32>
      %swap3A = arith.index_cast %mul3A_35 : i32 to index
      %swap3A_189 = tpu.vector_load %arg12[%swap3A] {strides = array<i32>} : memref<1024xf32, #tpu.memory_space<vmem>>, vector<16xf32>,
      tpu.vector_store %arg12[%swap3A], %add3A_183 {strides = array<i32>} : memref<1024xf32, #tpu.memory_space<vmem>>, vector<16xf32>,
      %swap3A_190 = arith.index_cast %mul3A_35 : i32 to index
      %swap3A_191 = tpu.vector_load %arg13[%swap3A_190] {strides = array<i32>} : memref<1024xf32, #tpu.memory_space<vmem>>, vector<16xf32>,
      tpu.vector_store %arg13[%swap3A_190], %add3A_188 {strides = array<i32>} : memref<1024xf32, #tpu.memory_space<vmem>>, vector<16xf32>,
    }
    %scan3A_32 = arith.constant 64 : i32
    "tpu.region"() ({
      %run_scoped3A = tpu.sem_alloc : memref<!tpu.dma_semaphore, #tpu.memory_space<semaphore_mem>>
      %dma_start3A_33 = arith.constant 0 : i32
      %dma_start3A_34 = tpu.memref_slice %arg4[%add3A, %dma_start3A_33] : memref<32x1024xf32, #tpu.memory_space<hbm>> -> memref<1x1024xf32, #tpu.memory_space<hbm>>
      %dma_start3A_35 = tpu.memref_squeeze %dma_start3A_34 : memref<1x1024xf32, #tpu.memory_space<hbm>> -> memref<1024xf32, #tpu.memory_space<hbm>>
      %dma_start3A_36 = arith.constant 0 : i32
      %dma_start3A_37 = tpu.memref_slice %arg4[%add3A, %dma_start3A_36] : memref<32x1024xf32, #tpu.memory_space<hbm>> -> memref<1x1024xf32, #tpu.memory_space<hbm>>
      %dma_start3A_38 = tpu.memref_squeeze %dma_start3A_37 : memref<1x1024xf32, #tpu.memory_space<hbm>> -> memref<1024xf32, #tpu.memory_space<hbm>>
      tpu.enqueue_dma source(%arg12 : memref<1024xf32, #tpu.memory_space<vmem>>) target(%dma_start3A_38 : memref<1024xf32, #tpu.memory_space<hbm>>) target_semaphore(%run_scoped3A : memref<!tpu.dma_semaphore, #tpu.memory_space<semaphore_mem>>)
      %dma_wait3A = arith.constant 0 : i32
      %dma_wait3A_39 = tpu.memref_slice %arg4[%add3A, %dma_wait3A] : memref<32x1024xf32, #tpu.memory_space<hbm>> -> memref<1x1024xf32, #tpu.memory_space<hbm>>
      %dma_wait3A_40 = tpu.memref_squeeze %dma_wait3A_39 : memref<1x1024xf32, #tpu.memory_space<hbm>> -> memref<1024xf32, #tpu.memory_space<hbm>>
      %dma_wait3A_41 = arith.constant 0 : i32
      %dma_wait3A_42 = tpu.memref_slice %arg4[%add3A, %dma_wait3A_41] : memref<32x1024xf32, #tpu.memory_space<hbm>> -> memref<1x1024xf32, #tpu.memory_space<hbm>>
      %dma_wait3A_43 = tpu.memref_squeeze %dma_wait3A_42 : memref<1x1024xf32, #tpu.memory_space<hbm>> -> memref<1024xf32, #tpu.memory_space<hbm>>
      tpu.wait_dma2 semaphore(%run_scoped3A : memref<!tpu.dma_semaphore, #tpu.memory_space<semaphore_mem>>) src(%arg12 : memref<1024xf32, #tpu.memory_space<vmem>>) dst(%dma_wait3A_43 : memref<1024xf32, #tpu.memory_space<hbm>>)
      tpu.yield
    }) : () -> ()
    "tpu.region"() ({
      %run_scoped3A = tpu.sem_alloc : memref<!tpu.dma_semaphore, #tpu.memory_space<semaphore_mem>>
      %dma_start3A_33 = arith.constant 0 : i32
      %dma_start3A_34 = tpu.memref_slice %arg5[%add3A, %dma_start3A_33] : memref<32x1024xf32, #tpu.memory_space<hbm>> -> memref<1x1024xf32, #tpu.memory_space<hbm>>
      %dma_start3A_35 = tpu.memref_squeeze %dma_start3A_34 : memref<1x1024xf32, #tpu.memory_space<hbm>> -> memref<1024xf32, #tpu.memory_space<hbm>>
      %dma_start3A_36 = arith.constant 0 : i32
      %dma_start3A_37 = tpu.memref_slice %arg5[%add3A, %dma_start3A_36] : memref<32x1024xf32, #tpu.memory_space<hbm>> -> memref<1x1024xf32, #tpu.memory_space<hbm>>
      %dma_start3A_38 = tpu.memref_squeeze %dma_start3A_37 : memref<1x1024xf32, #tpu.memory_space<hbm>> -> memref<1024xf32, #tpu.memory_space<hbm>>
      tpu.enqueue_dma source(%arg13 : memref<1024xf32, #tpu.memory_space<vmem>>) target(%dma_start3A_38 : memref<1024xf32, #tpu.memory_space<hbm>>) target_semaphore(%run_scoped3A : memref<!tpu.dma_semaphore, #tpu.memory_space<semaphore_mem>>)
      %dma_wait3A = arith.constant 0 : i32
      %dma_wait3A_39 = tpu.memref_slice %arg5[%add3A, %dma_wait3A] : memref<32x1024xf32, #tpu.memory_space<hbm>> -> memref<1x1024xf32, #tpu.memory_space<hbm>>
      %dma_wait3A_40 = tpu.memref_squeeze %dma_wait3A_39 : memref<1x1024xf32, #tpu.memory_space<hbm>> -> memref<1024xf32, #tpu.memory_space<hbm>>
      %dma_wait3A_41 = arith.constant 0 : i32
      %dma_wait3A_42 = tpu.memref_slice %arg5[%add3A, %dma_wait3A_41] : memref<32x1024xf32, #tpu.memory_space<hbm>> -> memref<1x1024xf32, #tpu.memory_space<hbm>>
      %dma_wait3A_43 = tpu.memref_squeeze %dma_wait3A_42 : memref<1x1024xf32, #tpu.memory_space<hbm>> -> memref<1024xf32, #tpu.memory_space<hbm>>
      tpu.wait_dma2 semaphore(%run_scoped3A : memref<!tpu.dma_semaphore, #tpu.memory_space<semaphore_mem>>) src(%arg13 : memref<1024xf32, #tpu.memory_space<vmem>>) dst(%dma_wait3A_43 : memref<1024xf32, #tpu.memory_space<hbm>>)
      tpu.yield
    }) : () -> ()
    return
  }
}

#map = affine_map<(d0, d1) -> (0, 0)>
#map1 = affine_map<(d0, d1) -> (0)>
module attributes {stable_mosaic.version = 14 : i64} {
  func.func @_pass2(%arg0: i32, %arg1: i32, %arg2: memref<3x3200000xf32, #tpu.memory_space<hbm>>, %arg3: memref<3200000xi32, #tpu.memory_space<hbm>>, %arg4: memref<16xf32, #tpu.memory_space<hbm>>, %arg5: memref<32x1024xf32, #tpu.memory_space<hbm>>, %arg6: memref<32x1024xf32, #tpu.memory_space<hbm>>, %arg7: memref<3x3200000xf32, #tpu.memory_space<hbm>>, %arg8: memref<32x1024xf32, #tpu.memory_space<vmem>>, %arg9: memref<32x1024xf32, #tpu.memory_space<vmem>>, %arg10: memref<1024xf32, #tpu.memory_space<vmem>>, %arg11: memref<16xf32, #tpu.memory_space<vmem>>, %arg12: memref<3x3200xf32, #tpu.memory_space<vmem>>, %arg13: memref<3x3200xf32, #tpu.memory_space<vmem>>, %arg14: memref<3200xi32, #tpu.memory_space<vmem>>, %arg15: memref<3200xi32, #tpu.memory_space<vmem>>, %arg16: memref<3x3200xf32, #tpu.memory_space<vmem>>, %arg17: memref<3x3200xf32, #tpu.memory_space<vmem>>, %arg18: memref<!tpu.dma_semaphore, #tpu.memory_space<semaphore_mem>>, %arg19: memref<!tpu.dma_semaphore, #tpu.memory_space<semaphore_mem>>, %arg20: memref<!tpu.dma_semaphore, #tpu.memory_space<semaphore_mem>>, %arg21: memref<!tpu.dma_semaphore, #tpu.memory_space<semaphore_mem>>, %arg22: memref<!tpu.dma_semaphore, #tpu.memory_space<semaphore_mem>>, %arg23: memref<!tpu.dma_semaphore, #tpu.memory_space<semaphore_mem>>, %arg24: memref<!tpu.dma_semaphore, #tpu.memory_space<semaphore_mem>>, %arg25: memref<!tpu.dma_semaphore, #tpu.memory_space<semaphore_mem>>) attributes {dimension_semantics = [#tpu.dimension_semantics<core_parallel>, #tpu.dimension_semantics<subcore_parallel>], iteration_bounds = array<i64: 2, 16>, scalar_prefetch = 0 : i64, scratch_operands = 18 : i64, tpu.core_type = #tpu.core_type<sc_vector_subcore>, window_params = [{transform_indices = #map}, {transform_indices = #map1}, {transform_indices = #map1}, {transform_indices = #map}, {transform_indices = #map}, {transform_indices = #map}]} {
    %mul3A = arith.constant 2 : i32
    %mul3A_0 = arith.muli %arg1, %mul3A : i32
    %add3A = arith.addi %mul3A_0, %arg0 : i32
    %broadcast_in_dim3A = arith.constant 1.000000e+00 : f32
    %broadcast_in_dim3A_1 = vector.broadcast %broadcast_in_dim3A : f32 to vector<16xf32>
    %broadcast_in_dim3A_2 = arith.constant 9.99999974E-6 : f32
    %broadcast_in_dim3A_3 = vector.broadcast %broadcast_in_dim3A_2 : f32 to vector<16xf32>
    %lt3A = arith.constant 8 : i32
    %lt3A_4 = arith.cmpi slt, %add3A, %lt3A : i32
    %jit3A = arith.constant 1 : i32
    %jit3A_5 = arith.constant 0 : i32
    %select_n3A = arith.select %lt3A_4, %jit3A, %jit3A_5 : i32
    %add3A_6 = arith.constant 31 : i32
    %add3A_7 = arith.addi %add3A_6, %select_n3A : i32
    tpu.enqueue_dma source(%arg5 : memref<32x1024xf32, #tpu.memory_space<hbm>>) target(%arg8 : memref<32x1024xf32, #tpu.memory_space<vmem>>) target_semaphore(%arg24 : memref<!tpu.dma_semaphore, #tpu.memory_space<semaphore_mem>>)
    tpu.enqueue_dma source(%arg6 : memref<32x1024xf32, #tpu.memory_space<hbm>>) target(%arg9 : memref<32x1024xf32, #tpu.memory_space<vmem>>) target_semaphore(%arg25 : memref<!tpu.dma_semaphore, #tpu.memory_space<semaphore_mem>>)
    "tpu.region"() ({
      %run_scoped3A = tpu.sem_alloc : memref<!tpu.dma_semaphore, #tpu.memory_space<semaphore_mem>>
      tpu.enqueue_dma source(%arg4 : memref<16xf32, #tpu.memory_space<hbm>>) target(%arg11 : memref<16xf32, #tpu.memory_space<vmem>>) target_semaphore(%run_scoped3A : memref<!tpu.dma_semaphore, #tpu.memory_space<semaphore_mem>>)
      tpu.wait_dma2 semaphore(%run_scoped3A : memref<!tpu.dma_semaphore, #tpu.memory_space<semaphore_mem>>) src(%arg4 : memref<16xf32, #tpu.memory_space<hbm>>) dst(%arg11 : memref<16xf32, #tpu.memory_space<vmem>>)
      tpu.yield
    }) : () -> ()
    %get3A = arith.constant 0 : index
    %get3A_8 = tpu.vector_load %arg11[%get3A] {strides = array<i32>} : memref<16xf32, #tpu.memory_space<vmem>>, vector<16xf32>,
    %add3A_9 = arith.constant 0 : i32
    %add3A_10 = arith.addi %add3A, %add3A_9 : i32
    %mul3A_11 = arith.constant 3200 : i32
    %mul3A_12 = arith.muli %add3A_10, %mul3A_11 : i32
    %dma_start3A = arith.constant 0 : i32
    %dma_start3A_13 = tpu.memref_slice %arg2[%dma_start3A, %mul3A_12] : memref<3x3200000xf32, #tpu.memory_space<hbm>> -> memref<3x3200xf32, #tpu.memory_space<hbm>>
    %dma_start3A_14 = arith.constant 0 : i32
    %dma_start3A_15 = tpu.memref_slice %arg2[%dma_start3A_14, %mul3A_12] : memref<3x3200000xf32, #tpu.memory_space<hbm>> -> memref<3x3200xf32, #tpu.memory_space<hbm>>
    tpu.enqueue_dma source(%dma_start3A_15 : memref<3x3200xf32, #tpu.memory_space<hbm>>) target(%arg12 : memref<3x3200xf32, #tpu.memory_space<vmem>>) target_semaphore(%arg18 : memref<!tpu.dma_semaphore, #tpu.memory_space<semaphore_mem>>)
    %dma_start3A_16 = tpu.memref_slice %arg3[%mul3A_12] : memref<3200000xi32, #tpu.memory_space<hbm>> -> memref<3200xi32, #tpu.memory_space<hbm>>
    %dma_start3A_17 = tpu.memref_slice %arg3[%mul3A_12] : memref<3200000xi32, #tpu.memory_space<hbm>> -> memref<3200xi32, #tpu.memory_space<hbm>>
    tpu.enqueue_dma source(%dma_start3A_17 : memref<3200xi32, #tpu.memory_space<hbm>>) target(%arg14 : memref<3200xi32, #tpu.memory_space<vmem>>) target_semaphore(%arg19 : memref<!tpu.dma_semaphore, #tpu.memory_space<semaphore_mem>>)
    tpu.wait_dma2 semaphore(%arg24 : memref<!tpu.dma_semaphore, #tpu.memory_space<semaphore_mem>>) src(%arg5 : memref<32x1024xf32, #tpu.memory_space<hbm>>) dst(%arg8 : memref<32x1024xf32, #tpu.memory_space<vmem>>)
    tpu.wait_dma2 semaphore(%arg25 : memref<!tpu.dma_semaphore, #tpu.memory_space<semaphore_mem>>) src(%arg6 : memref<32x1024xf32, #tpu.memory_space<hbm>>) dst(%arg9 : memref<32x1024xf32, #tpu.memory_space<vmem>>)
    %scan3A = arith.constant 0 : i32
    %scan3A_18 = arith.constant 0 : i32
    %scan3A_19 = arith.constant 64 : i32
    %scan3A_20 = arith.addi %scan3A_18, %scan3A_19 : i32
    %scan3A_21 = arith.constant 1 : i32
    scf.for %scan3A_40 = %scan3A_18 to %scan3A_20 step %scan3A_21  : i32 {
      %mul3A_41 = arith.constant 16 : i32
      %mul3A_42 = arith.muli %scan3A_40, %mul3A_41 : i32
      %get3A_43 = arith.constant 0 : i32
      %get3A_44 = arith.index_cast %get3A_43 : i32 to index
      %get3A_45 = arith.index_cast %mul3A_42 : i32 to index
      %get3A_46 = tpu.vector_load %arg8[%get3A_44, %get3A_45] {strides = array<i32>} : memref<32x1024xf32, #tpu.memory_space<vmem>>, vector<16xf32>,
      %get3A_47 = arith.constant 0 : i32
      %get3A_48 = arith.index_cast %get3A_47 : i32 to index
      %get3A_49 = arith.index_cast %mul3A_42 : i32 to index
      %get3A_50 = tpu.vector_load %arg9[%get3A_48, %get3A_49] {strides = array<i32>} : memref<32x1024xf32, #tpu.memory_space<vmem>>, vector<16xf32>,
      %get3A_51 = arith.constant 1 : i32
      %get3A_52 = arith.index_cast %get3A_51 : i32 to index
      %get3A_53 = arith.index_cast %mul3A_42 : i32 to index
      %get3A_54 = tpu.vector_load %arg8[%get3A_52, %get3A_53] {strides = array<i32>} : memref<32x1024xf32, #tpu.memory_space<vmem>>, vector<16xf32>,
      %add3A_55 = arith.addf %get3A_46, %get3A_54 : vector<16xf32>
      %get3A_56 = arith.constant 1 : i32
      %get3A_57 = arith.index_cast %get3A_56 : i32 to index
      %get3A_58 = arith.index_cast %mul3A_42 : i32 to index
      %get3A_59 = tpu.vector_load %arg9[%get3A_57, %get3A_58] {strides = array<i32>} : memref<32x1024xf32, #tpu.memory_space<vmem>>, vector<16xf32>,
      %add3A_60 = arith.addf %get3A_50, %get3A_59 : vector<16xf32>
      %get3A_61 = arith.constant 2 : i32
      %get3A_62 = arith.index_cast %get3A_61 : i32 to index
      %get3A_63 = arith.index_cast %mul3A_42 : i32 to index
      %get3A_64 = tpu.vector_load %arg8[%get3A_62, %get3A_63] {strides = array<i32>} : memref<32x1024xf32, #tpu.memory_space<vmem>>, vector<16xf32>,
      %add3A_65 = arith.addf %add3A_55, %get3A_64 : vector<16xf32>
      %get3A_66 = arith.constant 2 : i32
      %get3A_67 = arith.index_cast %get3A_66 : i32 to index
      %get3A_68 = arith.index_cast %mul3A_42 : i32 to index
      %get3A_69 = tpu.vector_load %arg9[%get3A_67, %get3A_68] {strides = array<i32>} : memref<32x1024xf32, #tpu.memory_space<vmem>>, vector<16xf32>,
      %add3A_70 = arith.addf %add3A_60, %get3A_69 : vector<16xf32>
      %get3A_71 = arith.constant 3 : i32
      %get3A_72 = arith.index_cast %get3A_71 : i32 to index
      %get3A_73 = arith.index_cast %mul3A_42 : i32 to index
      %get3A_74 = tpu.vector_load %arg8[%get3A_72, %get3A_73] {strides = array<i32>} : memref<32x1024xf32, #tpu.memory_space<vmem>>, vector<16xf32>,
      %add3A_75 = arith.addf %add3A_65, %get3A_74 : vector<16xf32>
      %get3A_76 = arith.constant 3 : i32
      %get3A_77 = arith.index_cast %get3A_76 : i32 to index
      %get3A_78 = arith.index_cast %mul3A_42 : i32 to index
      %get3A_79 = tpu.vector_load %arg9[%get3A_77, %get3A_78] {strides = array<i32>} : memref<32x1024xf32, #tpu.memory_space<vmem>>, vector<16xf32>,
      %add3A_80 = arith.addf %add3A_70, %get3A_79 : vector<16xf32>
      %get3A_81 = arith.constant 4 : i32
      %get3A_82 = arith.index_cast %get3A_81 : i32 to index
      %get3A_83 = arith.index_cast %mul3A_42 : i32 to index
      %get3A_84 = tpu.vector_load %arg8[%get3A_82, %get3A_83] {strides = array<i32>} : memref<32x1024xf32, #tpu.memory_space<vmem>>, vector<16xf32>,
      %add3A_85 = arith.addf %add3A_75, %get3A_84 : vector<16xf32>
      %get3A_86 = arith.constant 4 : i32
      %get3A_87 = arith.index_cast %get3A_86 : i32 to index
      %get3A_88 = arith.index_cast %mul3A_42 : i32 to index
      %get3A_89 = tpu.vector_load %arg9[%get3A_87, %get3A_88] {strides = array<i32>} : memref<32x1024xf32, #tpu.memory_space<vmem>>, vector<16xf32>,
      %add3A_90 = arith.addf %add3A_80, %get3A_89 : vector<16xf32>
      %get3A_91 = arith.constant 5 : i32
      %get3A_92 = arith.index_cast %get3A_91 : i32 to index
      %get3A_93 = arith.index_cast %mul3A_42 : i32 to index
      %get3A_94 = tpu.vector_load %arg8[%get3A_92, %get3A_93] {strides = array<i32>} : memref<32x1024xf32, #tpu.memory_space<vmem>>, vector<16xf32>,
      %add3A_95 = arith.addf %add3A_85, %get3A_94 : vector<16xf32>
      %get3A_96 = arith.constant 5 : i32
      %get3A_97 = arith.index_cast %get3A_96 : i32 to index
      %get3A_98 = arith.index_cast %mul3A_42 : i32 to index
      %get3A_99 = tpu.vector_load %arg9[%get3A_97, %get3A_98] {strides = array<i32>} : memref<32x1024xf32, #tpu.memory_space<vmem>>, vector<16xf32>,
      %add3A_100 = arith.addf %add3A_90, %get3A_99 : vector<16xf32>
      %get3A_101 = arith.constant 6 : i32
      %get3A_102 = arith.index_cast %get3A_101 : i32 to index
      %get3A_103 = arith.index_cast %mul3A_42 : i32 to index
      %get3A_104 = tpu.vector_load %arg8[%get3A_102, %get3A_103] {strides = array<i32>} : memref<32x1024xf32, #tpu.memory_space<vmem>>, vector<16xf32>,
      %add3A_105 = arith.addf %add3A_95, %get3A_104 : vector<16xf32>
      %get3A_106 = arith.constant 6 : i32
      %get3A_107 = arith.index_cast %get3A_106 : i32 to index
      %get3A_108 = arith.index_cast %mul3A_42 : i32 to index
      %get3A_109 = tpu.vector_load %arg9[%get3A_107, %get3A_108] {strides = array<i32>} : memref<32x1024xf32, #tpu.memory_space<vmem>>, vector<16xf32>,
      %add3A_110 = arith.addf %add3A_100, %get3A_109 : vector<16xf32>
      %get3A_111 = arith.constant 7 : i32
      %get3A_112 = arith.index_cast %get3A_111 : i32 to index
      %get3A_113 = arith.index_cast %mul3A_42 : i32 to index
      %get3A_114 = tpu.vector_load %arg8[%get3A_112, %get3A_113] {strides = array<i32>} : memref<32x1024xf32, #tpu.memory_space<vmem>>, vector<16xf32>,
      %add3A_115 = arith.addf %add3A_105, %get3A_114 : vector<16xf32>
      %get3A_116 = arith.constant 7 : i32
      %get3A_117 = arith.index_cast %get3A_116 : i32 to index
      %get3A_118 = arith.index_cast %mul3A_42 : i32 to index
      %get3A_119 = tpu.vector_load %arg9[%get3A_117, %get3A_118] {strides = array<i32>} : memref<32x1024xf32, #tpu.memory_space<vmem>>, vector<16xf32>,
      %add3A_120 = arith.addf %add3A_110, %get3A_119 : vector<16xf32>
      %get3A_121 = arith.constant 8 : i32
      %get3A_122 = arith.index_cast %get3A_121 : i32 to index
      %get3A_123 = arith.index_cast %mul3A_42 : i32 to index
      %get3A_124 = tpu.vector_load %arg8[%get3A_122, %get3A_123] {strides = array<i32>} : memref<32x1024xf32, #tpu.memory_space<vmem>>, vector<16xf32>,
      %add3A_125 = arith.addf %add3A_115, %get3A_124 : vector<16xf32>
      %get3A_126 = arith.constant 8 : i32
      %get3A_127 = arith.index_cast %get3A_126 : i32 to index
      %get3A_128 = arith.index_cast %mul3A_42 : i32 to index
      %get3A_129 = tpu.vector_load %arg9[%get3A_127, %get3A_128] {strides = array<i32>} : memref<32x1024xf32, #tpu.memory_space<vmem>>, vector<16xf32>,
      %add3A_130 = arith.addf %add3A_120, %get3A_129 : vector<16xf32>
      %get3A_131 = arith.constant 9 : i32
      %get3A_132 = arith.index_cast %get3A_131 : i32 to index
      %get3A_133 = arith.index_cast %mul3A_42 : i32 to index
      %get3A_134 = tpu.vector_load %arg8[%get3A_132, %get3A_133] {strides = array<i32>} : memref<32x1024xf32, #tpu.memory_space<vmem>>, vector<16xf32>,
      %add3A_135 = arith.addf %add3A_125, %get3A_134 : vector<16xf32>
      %get3A_136 = arith.constant 9 : i32
      %get3A_137 = arith.index_cast %get3A_136 : i32 to index
      %get3A_138 = arith.index_cast %mul3A_42 : i32 to index
      %get3A_139 = tpu.vector_load %arg9[%get3A_137, %get3A_138] {strides = array<i32>} : memref<32x1024xf32, #tpu.memory_space<vmem>>, vector<16xf32>,
      %add3A_140 = arith.addf %add3A_130, %get3A_139 : vector<16xf32>
      %get3A_141 = arith.constant 10 : i32
      %get3A_142 = arith.index_cast %get3A_141 : i32 to index
      %get3A_143 = arith.index_cast %mul3A_42 : i32 to index
      %get3A_144 = tpu.vector_load %arg8[%get3A_142, %get3A_143] {strides = array<i32>} : memref<32x1024xf32, #tpu.memory_space<vmem>>, vector<16xf32>,
      %add3A_145 = arith.addf %add3A_135, %get3A_144 : vector<16xf32>
      %get3A_146 = arith.constant 10 : i32
      %get3A_147 = arith.index_cast %get3A_146 : i32 to index
      %get3A_148 = arith.index_cast %mul3A_42 : i32 to index
      %get3A_149 = tpu.vector_load %arg9[%get3A_147, %get3A_148] {strides = array<i32>} : memref<32x1024xf32, #tpu.memory_space<vmem>>, vector<16xf32>,
      %add3A_150 = arith.addf %add3A_140, %get3A_149 : vector<16xf32>
      %get3A_151 = arith.constant 11 : i32
      %get3A_152 = arith.index_cast %get3A_151 : i32 to index
      %get3A_153 = arith.index_cast %mul3A_42 : i32 to index
      %get3A_154 = tpu.vector_load %arg8[%get3A_152, %get3A_153] {strides = array<i32>} : memref<32x1024xf32, #tpu.memory_space<vmem>>, vector<16xf32>,
      %add3A_155 = arith.addf %add3A_145, %get3A_154 : vector<16xf32>
      %get3A_156 = arith.constant 11 : i32
      %get3A_157 = arith.index_cast %get3A_156 : i32 to index
      %get3A_158 = arith.index_cast %mul3A_42 : i32 to index
      %get3A_159 = tpu.vector_load %arg9[%get3A_157, %get3A_158] {strides = array<i32>} : memref<32x1024xf32, #tpu.memory_space<vmem>>, vector<16xf32>,
      %add3A_160 = arith.addf %add3A_150, %get3A_159 : vector<16xf32>
      %get3A_161 = arith.constant 12 : i32
      %get3A_162 = arith.index_cast %get3A_161 : i32 to index
      %get3A_163 = arith.index_cast %mul3A_42 : i32 to index
      %get3A_164 = tpu.vector_load %arg8[%get3A_162, %get3A_163] {strides = array<i32>} : memref<32x1024xf32, #tpu.memory_space<vmem>>, vector<16xf32>,
      %add3A_165 = arith.addf %add3A_155, %get3A_164 : vector<16xf32>
      %get3A_166 = arith.constant 12 : i32
      %get3A_167 = arith.index_cast %get3A_166 : i32 to index
      %get3A_168 = arith.index_cast %mul3A_42 : i32 to index
      %get3A_169 = tpu.vector_load %arg9[%get3A_167, %get3A_168] {strides = array<i32>} : memref<32x1024xf32, #tpu.memory_space<vmem>>, vector<16xf32>,
      %add3A_170 = arith.addf %add3A_160, %get3A_169 : vector<16xf32>
      %get3A_171 = arith.constant 13 : i32
      %get3A_172 = arith.index_cast %get3A_171 : i32 to index
      %get3A_173 = arith.index_cast %mul3A_42 : i32 to index
      %get3A_174 = tpu.vector_load %arg8[%get3A_172, %get3A_173] {strides = array<i32>} : memref<32x1024xf32, #tpu.memory_space<vmem>>, vector<16xf32>,
      %add3A_175 = arith.addf %add3A_165, %get3A_174 : vector<16xf32>
      %get3A_176 = arith.constant 13 : i32
      %get3A_177 = arith.index_cast %get3A_176 : i32 to index
      %get3A_178 = arith.index_cast %mul3A_42 : i32 to index
      %get3A_179 = tpu.vector_load %arg9[%get3A_177, %get3A_178] {strides = array<i32>} : memref<32x1024xf32, #tpu.memory_space<vmem>>, vector<16xf32>,
      %add3A_180 = arith.addf %add3A_170, %get3A_179 : vector<16xf32>
      %get3A_181 = arith.constant 14 : i32
      %get3A_182 = arith.index_cast %get3A_181 : i32 to index
      %get3A_183 = arith.index_cast %mul3A_42 : i32 to index
      %get3A_184 = tpu.vector_load %arg8[%get3A_182, %get3A_183] {strides = array<i32>} : memref<32x1024xf32, #tpu.memory_space<vmem>>, vector<16xf32>,
      %add3A_185 = arith.addf %add3A_175, %get3A_184 : vector<16xf32>
      %get3A_186 = arith.constant 14 : i32
      %get3A_187 = arith.index_cast %get3A_186 : i32 to index
      %get3A_188 = arith.index_cast %mul3A_42 : i32 to index
      %get3A_189 = tpu.vector_load %arg9[%get3A_187, %get3A_188] {strides = array<i32>} : memref<32x1024xf32, #tpu.memory_space<vmem>>, vector<16xf32>,
      %add3A_190 = arith.addf %add3A_180, %get3A_189 : vector<16xf32>
      %get3A_191 = arith.constant 15 : i32
      %get3A_192 = arith.index_cast %get3A_191 : i32 to index
      %get3A_193 = arith.index_cast %mul3A_42 : i32 to index
      %get3A_194 = tpu.vector_load %arg8[%get3A_192, %get3A_193] {strides = array<i32>} : memref<32x1024xf32, #tpu.memory_space<vmem>>, vector<16xf32>,
      %add3A_195 = arith.addf %add3A_185, %get3A_194 : vector<16xf32>
      %get3A_196 = arith.constant 15 : i32
      %get3A_197 = arith.index_cast %get3A_196 : i32 to index
      %get3A_198 = arith.index_cast %mul3A_42 : i32 to index
      %get3A_199 = tpu.vector_load %arg9[%get3A_197, %get3A_198] {strides = array<i32>} : memref<32x1024xf32, #tpu.memory_space<vmem>>, vector<16xf32>,
      %add3A_200 = arith.addf %add3A_190, %get3A_199 : vector<16xf32>
      %get3A_201 = arith.constant 16 : i32
      %get3A_202 = arith.index_cast %get3A_201 : i32 to index
      %get3A_203 = arith.index_cast %mul3A_42 : i32 to index
      %get3A_204 = tpu.vector_load %arg8[%get3A_202, %get3A_203] {strides = array<i32>} : memref<32x1024xf32, #tpu.memory_space<vmem>>, vector<16xf32>,
      %add3A_205 = arith.addf %add3A_195, %get3A_204 : vector<16xf32>
      %get3A_206 = arith.constant 16 : i32
      %get3A_207 = arith.index_cast %get3A_206 : i32 to index
      %get3A_208 = arith.index_cast %mul3A_42 : i32 to index
      %get3A_209 = tpu.vector_load %arg9[%get3A_207, %get3A_208] {strides = array<i32>} : memref<32x1024xf32, #tpu.memory_space<vmem>>, vector<16xf32>,
      %add3A_210 = arith.addf %add3A_200, %get3A_209 : vector<16xf32>
      %get3A_211 = arith.constant 17 : i32
      %get3A_212 = arith.index_cast %get3A_211 : i32 to index
      %get3A_213 = arith.index_cast %mul3A_42 : i32 to index
      %get3A_214 = tpu.vector_load %arg8[%get3A_212, %get3A_213] {strides = array<i32>} : memref<32x1024xf32, #tpu.memory_space<vmem>>, vector<16xf32>,
      %add3A_215 = arith.addf %add3A_205, %get3A_214 : vector<16xf32>
      %get3A_216 = arith.constant 17 : i32
      %get3A_217 = arith.index_cast %get3A_216 : i32 to index
      %get3A_218 = arith.index_cast %mul3A_42 : i32 to index
      %get3A_219 = tpu.vector_load %arg9[%get3A_217, %get3A_218] {strides = array<i32>} : memref<32x1024xf32, #tpu.memory_space<vmem>>, vector<16xf32>,
      %add3A_220 = arith.addf %add3A_210, %get3A_219 : vector<16xf32>
      %get3A_221 = arith.constant 18 : i32
      %get3A_222 = arith.index_cast %get3A_221 : i32 to index
      %get3A_223 = arith.index_cast %mul3A_42 : i32 to index
      %get3A_224 = tpu.vector_load %arg8[%get3A_222, %get3A_223] {strides = array<i32>} : memref<32x1024xf32, #tpu.memory_space<vmem>>, vector<16xf32>,
      %add3A_225 = arith.addf %add3A_215, %get3A_224 : vector<16xf32>
      %get3A_226 = arith.constant 18 : i32
      %get3A_227 = arith.index_cast %get3A_226 : i32 to index
      %get3A_228 = arith.index_cast %mul3A_42 : i32 to index
      %get3A_229 = tpu.vector_load %arg9[%get3A_227, %get3A_228] {strides = array<i32>} : memref<32x1024xf32, #tpu.memory_space<vmem>>, vector<16xf32>,
      %add3A_230 = arith.addf %add3A_220, %get3A_229 : vector<16xf32>
      %get3A_231 = arith.constant 19 : i32
      %get3A_232 = arith.index_cast %get3A_231 : i32 to index
      %get3A_233 = arith.index_cast %mul3A_42 : i32 to index
      %get3A_234 = tpu.vector_load %arg8[%get3A_232, %get3A_233] {strides = array<i32>} : memref<32x1024xf32, #tpu.memory_space<vmem>>, vector<16xf32>,
      %add3A_235 = arith.addf %add3A_225, %get3A_234 : vector<16xf32>
      %get3A_236 = arith.constant 19 : i32
      %get3A_237 = arith.index_cast %get3A_236 : i32 to index
      %get3A_238 = arith.index_cast %mul3A_42 : i32 to index
      %get3A_239 = tpu.vector_load %arg9[%get3A_237, %get3A_238] {strides = array<i32>} : memref<32x1024xf32, #tpu.memory_space<vmem>>, vector<16xf32>,
      %add3A_240 = arith.addf %add3A_230, %get3A_239 : vector<16xf32>
      %get3A_241 = arith.constant 20 : i32
      %get3A_242 = arith.index_cast %get3A_241 : i32 to index
      %get3A_243 = arith.index_cast %mul3A_42 : i32 to index
      %get3A_244 = tpu.vector_load %arg8[%get3A_242, %get3A_243] {strides = array<i32>} : memref<32x1024xf32, #tpu.memory_space<vmem>>, vector<16xf32>,
      %add3A_245 = arith.addf %add3A_235, %get3A_244 : vector<16xf32>
      %get3A_246 = arith.constant 20 : i32
      %get3A_247 = arith.index_cast %get3A_246 : i32 to index
      %get3A_248 = arith.index_cast %mul3A_42 : i32 to index
      %get3A_249 = tpu.vector_load %arg9[%get3A_247, %get3A_248] {strides = array<i32>} : memref<32x1024xf32, #tpu.memory_space<vmem>>, vector<16xf32>,
      %add3A_250 = arith.addf %add3A_240, %get3A_249 : vector<16xf32>
      %get3A_251 = arith.constant 21 : i32
      %get3A_252 = arith.index_cast %get3A_251 : i32 to index
      %get3A_253 = arith.index_cast %mul3A_42 : i32 to index
      %get3A_254 = tpu.vector_load %arg8[%get3A_252, %get3A_253] {strides = array<i32>} : memref<32x1024xf32, #tpu.memory_space<vmem>>, vector<16xf32>,
      %add3A_255 = arith.addf %add3A_245, %get3A_254 : vector<16xf32>
      %get3A_256 = arith.constant 21 : i32
      %get3A_257 = arith.index_cast %get3A_256 : i32 to index
      %get3A_258 = arith.index_cast %mul3A_42 : i32 to index
      %get3A_259 = tpu.vector_load %arg9[%get3A_257, %get3A_258] {strides = array<i32>} : memref<32x1024xf32, #tpu.memory_space<vmem>>, vector<16xf32>,
      %add3A_260 = arith.addf %add3A_250, %get3A_259 : vector<16xf32>
      %get3A_261 = arith.constant 22 : i32
      %get3A_262 = arith.index_cast %get3A_261 : i32 to index
      %get3A_263 = arith.index_cast %mul3A_42 : i32 to index
      %get3A_264 = tpu.vector_load %arg8[%get3A_262, %get3A_263] {strides = array<i32>} : memref<32x1024xf32, #tpu.memory_space<vmem>>, vector<16xf32>,
      %add3A_265 = arith.addf %add3A_255, %get3A_264 : vector<16xf32>
      %get3A_266 = arith.constant 22 : i32
      %get3A_267 = arith.index_cast %get3A_266 : i32 to index
      %get3A_268 = arith.index_cast %mul3A_42 : i32 to index
      %get3A_269 = tpu.vector_load %arg9[%get3A_267, %get3A_268] {strides = array<i32>} : memref<32x1024xf32, #tpu.memory_space<vmem>>, vector<16xf32>,
      %add3A_270 = arith.addf %add3A_260, %get3A_269 : vector<16xf32>
      %get3A_271 = arith.constant 23 : i32
      %get3A_272 = arith.index_cast %get3A_271 : i32 to index
      %get3A_273 = arith.index_cast %mul3A_42 : i32 to index
      %get3A_274 = tpu.vector_load %arg8[%get3A_272, %get3A_273] {strides = array<i32>} : memref<32x1024xf32, #tpu.memory_space<vmem>>, vector<16xf32>,
      %add3A_275 = arith.addf %add3A_265, %get3A_274 : vector<16xf32>
      %get3A_276 = arith.constant 23 : i32
      %get3A_277 = arith.index_cast %get3A_276 : i32 to index
      %get3A_278 = arith.index_cast %mul3A_42 : i32 to index
      %get3A_279 = tpu.vector_load %arg9[%get3A_277, %get3A_278] {strides = array<i32>} : memref<32x1024xf32, #tpu.memory_space<vmem>>, vector<16xf32>,
      %add3A_280 = arith.addf %add3A_270, %get3A_279 : vector<16xf32>
      %get3A_281 = arith.constant 24 : i32
      %get3A_282 = arith.index_cast %get3A_281 : i32 to index
      %get3A_283 = arith.index_cast %mul3A_42 : i32 to index
      %get3A_284 = tpu.vector_load %arg8[%get3A_282, %get3A_283] {strides = array<i32>} : memref<32x1024xf32, #tpu.memory_space<vmem>>, vector<16xf32>,
      %add3A_285 = arith.addf %add3A_275, %get3A_284 : vector<16xf32>
      %get3A_286 = arith.constant 24 : i32
      %get3A_287 = arith.index_cast %get3A_286 : i32 to index
      %get3A_288 = arith.index_cast %mul3A_42 : i32 to index
      %get3A_289 = tpu.vector_load %arg9[%get3A_287, %get3A_288] {strides = array<i32>} : memref<32x1024xf32, #tpu.memory_space<vmem>>, vector<16xf32>,
      %add3A_290 = arith.addf %add3A_280, %get3A_289 : vector<16xf32>
      %get3A_291 = arith.constant 25 : i32
      %get3A_292 = arith.index_cast %get3A_291 : i32 to index
      %get3A_293 = arith.index_cast %mul3A_42 : i32 to index
      %get3A_294 = tpu.vector_load %arg8[%get3A_292, %get3A_293] {strides = array<i32>} : memref<32x1024xf32, #tpu.memory_space<vmem>>, vector<16xf32>,
      %add3A_295 = arith.addf %add3A_285, %get3A_294 : vector<16xf32>
      %get3A_296 = arith.constant 25 : i32
      %get3A_297 = arith.index_cast %get3A_296 : i32 to index
      %get3A_298 = arith.index_cast %mul3A_42 : i32 to index
      %get3A_299 = tpu.vector_load %arg9[%get3A_297, %get3A_298] {strides = array<i32>} : memref<32x1024xf32, #tpu.memory_space<vmem>>, vector<16xf32>,
      %add3A_300 = arith.addf %add3A_290, %get3A_299 : vector<16xf32>
      %get3A_301 = arith.constant 26 : i32
      %get3A_302 = arith.index_cast %get3A_301 : i32 to index
      %get3A_303 = arith.index_cast %mul3A_42 : i32 to index
      %get3A_304 = tpu.vector_load %arg8[%get3A_302, %get3A_303] {strides = array<i32>} : memref<32x1024xf32, #tpu.memory_space<vmem>>, vector<16xf32>,
      %add3A_305 = arith.addf %add3A_295, %get3A_304 : vector<16xf32>
      %get3A_306 = arith.constant 26 : i32
      %get3A_307 = arith.index_cast %get3A_306 : i32 to index
      %get3A_308 = arith.index_cast %mul3A_42 : i32 to index
      %get3A_309 = tpu.vector_load %arg9[%get3A_307, %get3A_308] {strides = array<i32>} : memref<32x1024xf32, #tpu.memory_space<vmem>>, vector<16xf32>,
      %add3A_310 = arith.addf %add3A_300, %get3A_309 : vector<16xf32>
      %get3A_311 = arith.constant 27 : i32
      %get3A_312 = arith.index_cast %get3A_311 : i32 to index
      %get3A_313 = arith.index_cast %mul3A_42 : i32 to index
      %get3A_314 = tpu.vector_load %arg8[%get3A_312, %get3A_313] {strides = array<i32>} : memref<32x1024xf32, #tpu.memory_space<vmem>>, vector<16xf32>,
      %add3A_315 = arith.addf %add3A_305, %get3A_314 : vector<16xf32>
      %get3A_316 = arith.constant 27 : i32
      %get3A_317 = arith.index_cast %get3A_316 : i32 to index
      %get3A_318 = arith.index_cast %mul3A_42 : i32 to index
      %get3A_319 = tpu.vector_load %arg9[%get3A_317, %get3A_318] {strides = array<i32>} : memref<32x1024xf32, #tpu.memory_space<vmem>>, vector<16xf32>,
      %add3A_320 = arith.addf %add3A_310, %get3A_319 : vector<16xf32>
      %get3A_321 = arith.constant 28 : i32
      %get3A_322 = arith.index_cast %get3A_321 : i32 to index
      %get3A_323 = arith.index_cast %mul3A_42 : i32 to index
      %get3A_324 = tpu.vector_load %arg8[%get3A_322, %get3A_323] {strides = array<i32>} : memref<32x1024xf32, #tpu.memory_space<vmem>>, vector<16xf32>,
      %add3A_325 = arith.addf %add3A_315, %get3A_324 : vector<16xf32>
      %get3A_326 = arith.constant 28 : i32
      %get3A_327 = arith.index_cast %get3A_326 : i32 to index
      %get3A_328 = arith.index_cast %mul3A_42 : i32 to index
      %get3A_329 = tpu.vector_load %arg9[%get3A_327, %get3A_328] {strides = array<i32>} : memref<32x1024xf32, #tpu.memory_space<vmem>>, vector<16xf32>,
      %add3A_330 = arith.addf %add3A_320, %get3A_329 : vector<16xf32>
      %get3A_331 = arith.constant 29 : i32
      %get3A_332 = arith.index_cast %get3A_331 : i32 to index
      %get3A_333 = arith.index_cast %mul3A_42 : i32 to index
      %get3A_334 = tpu.vector_load %arg8[%get3A_332, %get3A_333] {strides = array<i32>} : memref<32x1024xf32, #tpu.memory_space<vmem>>, vector<16xf32>,
      %add3A_335 = arith.addf %add3A_325, %get3A_334 : vector<16xf32>
      %get3A_336 = arith.constant 29 : i32
      %get3A_337 = arith.index_cast %get3A_336 : i32 to index
      %get3A_338 = arith.index_cast %mul3A_42 : i32 to index
      %get3A_339 = tpu.vector_load %arg9[%get3A_337, %get3A_338] {strides = array<i32>} : memref<32x1024xf32, #tpu.memory_space<vmem>>, vector<16xf32>,
      %add3A_340 = arith.addf %add3A_330, %get3A_339 : vector<16xf32>
      %get3A_341 = arith.constant 30 : i32
      %get3A_342 = arith.index_cast %get3A_341 : i32 to index
      %get3A_343 = arith.index_cast %mul3A_42 : i32 to index
      %get3A_344 = tpu.vector_load %arg8[%get3A_342, %get3A_343] {strides = array<i32>} : memref<32x1024xf32, #tpu.memory_space<vmem>>, vector<16xf32>,
      %add3A_345 = arith.addf %add3A_335, %get3A_344 : vector<16xf32>
      %get3A_346 = arith.constant 30 : i32
      %get3A_347 = arith.index_cast %get3A_346 : i32 to index
      %get3A_348 = arith.index_cast %mul3A_42 : i32 to index
      %get3A_349 = tpu.vector_load %arg9[%get3A_347, %get3A_348] {strides = array<i32>} : memref<32x1024xf32, #tpu.memory_space<vmem>>, vector<16xf32>,
      %add3A_350 = arith.addf %add3A_340, %get3A_349 : vector<16xf32>
      %get3A_351 = arith.constant 31 : i32
      %get3A_352 = arith.index_cast %get3A_351 : i32 to index
      %get3A_353 = arith.index_cast %mul3A_42 : i32 to index
      %get3A_354 = tpu.vector_load %arg8[%get3A_352, %get3A_353] {strides = array<i32>} : memref<32x1024xf32, #tpu.memory_space<vmem>>, vector<16xf32>,
      %add3A_355 = arith.addf %add3A_345, %get3A_354 : vector<16xf32>
      %get3A_356 = arith.constant 31 : i32
      %get3A_357 = arith.index_cast %get3A_356 : i32 to index
      %get3A_358 = arith.index_cast %mul3A_42 : i32 to index
      %get3A_359 = tpu.vector_load %arg9[%get3A_357, %get3A_358] {strides = array<i32>} : memref<32x1024xf32, #tpu.memory_space<vmem>>, vector<16xf32>,
      %add3A_360 = arith.addf %add3A_350, %get3A_359 : vector<16xf32>
      %max3A = arith.maximumf %add3A_360, %broadcast_in_dim3A_1 : vector<16xf32>
      %div3A = arith.divf %add3A_355, %max3A : vector<16xf32>
      %add3A_361 = arith.addf %div3A, %broadcast_in_dim3A_3 : vector<16xf32>
      %div3A_362 = arith.divf %get3A_8, %add3A_361 : vector<16xf32>
      %swap3A = arith.index_cast %mul3A_42 : i32 to index
      %swap3A_363 = tpu.vector_load %arg10[%swap3A] {strides = array<i32>} : memref<1024xf32, #tpu.memory_space<vmem>>, vector<16xf32>,
      tpu.vector_store %arg10[%swap3A], %div3A_362 {strides = array<i32>} : memref<1024xf32, #tpu.memory_space<vmem>>, vector<16xf32>,
    }
    %scan3A_22 = arith.constant 64 : i32
    %scan3A_23 = arith.constant 0 : i32
    %scan3A_24 = arith.constant 0 : i32
    %scan3A_25 = arith.constant 16 : i32
    %scan3A_26 = arith.addi %scan3A_24, %scan3A_25 : i32
    %scan3A_27 = arith.constant 1 : i32
    scf.for %scan3A_40 = %scan3A_24 to %scan3A_26 step %scan3A_27  : i32 {
      %mul3A_41 = arith.constant 2 : i32
      %mul3A_42 = arith.muli %mul3A_41, %scan3A_40 : i32
      %add3A_43 = arith.constant 1 : i32
      %add3A_44 = arith.addi %mul3A_42, %add3A_43 : i32
      %mul3A_45 = arith.constant 2 : i32
      %mul3A_46 = arith.muli %mul3A_45, %scan3A_40 : i32
      %add3A_47 = arith.constant 2 : i32
      %add3A_48 = arith.addi %mul3A_46, %add3A_47 : i32
      %lt3A_49 = arith.cmpi slt, %add3A_44, %add3A_7 : i32
      %convert_element_type3A = arith.extui %lt3A_49 : i1 to i32
      %cond3A = arith.constant 0 : i32
      %cond3A_50 = arith.cmpi ne, %convert_element_type3A, %cond3A : i32
      scf.if %cond3A_50 {
        %mul3A_86 = arith.constant 32 : i32
        %mul3A_87 = arith.muli %add3A_44, %mul3A_86 : i32
        %add3A_88 = arith.addi %add3A, %mul3A_87 : i32
        %mul3A_89 = arith.constant 3200 : i32
        %mul3A_90 = arith.muli %add3A_88, %mul3A_89 : i32
        %dma_start3A_91 = arith.constant 0 : i32
        %dma_start3A_92 = tpu.memref_slice %arg2[%dma_start3A_91, %mul3A_90] : memref<3x3200000xf32, #tpu.memory_space<hbm>> -> memref<3x3200xf32, #tpu.memory_space<hbm>>
        %dma_start3A_93 = arith.constant 0 : i32
        %dma_start3A_94 = tpu.memref_slice %arg2[%dma_start3A_93, %mul3A_90] : memref<3x3200000xf32, #tpu.memory_space<hbm>> -> memref<3x3200xf32, #tpu.memory_space<hbm>>
        tpu.enqueue_dma source(%dma_start3A_94 : memref<3x3200xf32, #tpu.memory_space<hbm>>) target(%arg13 : memref<3x3200xf32, #tpu.memory_space<vmem>>) target_semaphore(%arg20 : memref<!tpu.dma_semaphore, #tpu.memory_space<semaphore_mem>>)
        %dma_start3A_95 = tpu.memref_slice %arg3[%mul3A_90] : memref<3200000xi32, #tpu.memory_space<hbm>> -> memref<3200xi32, #tpu.memory_space<hbm>>
        %dma_start3A_96 = tpu.memref_slice %arg3[%mul3A_90] : memref<3200000xi32, #tpu.memory_space<hbm>> -> memref<3200xi32, #tpu.memory_space<hbm>>
        tpu.enqueue_dma source(%dma_start3A_96 : memref<3200xi32, #tpu.memory_space<hbm>>) target(%arg15 : memref<3200xi32, #tpu.memory_space<vmem>>) target_semaphore(%arg21 : memref<!tpu.dma_semaphore, #tpu.memory_space<semaphore_mem>>)
      } else {
      }
      %dma_wait3A_51 = arith.constant 0 : i32
      %dma_wait3A_52 = arith.constant 0 : i32
      %dma_wait3A_53 = tpu.memref_slice %arg2[%dma_wait3A_51, %dma_wait3A_52] : memref<3x3200000xf32, #tpu.memory_space<hbm>> -> memref<3x3200xf32, #tpu.memory_space<hbm>>
      %dma_wait3A_54 = arith.constant 0 : i32
      %dma_wait3A_55 = arith.constant 0 : i32
      %dma_wait3A_56 = tpu.memref_slice %arg2[%dma_wait3A_54, %dma_wait3A_55] : memref<3x3200000xf32, #tpu.memory_space<hbm>> -> memref<3x3200xf32, #tpu.memory_space<hbm>>
      tpu.wait_dma2 semaphore(%arg18 : memref<!tpu.dma_semaphore, #tpu.memory_space<semaphore_mem>>) src(%dma_wait3A_56 : memref<3x3200xf32, #tpu.memory_space<hbm>>) dst(%arg12 : memref<3x3200xf32, #tpu.memory_space<vmem>>)
      %dma_wait3A_57 = arith.constant 0 : i32
      %dma_wait3A_58 = tpu.memref_slice %arg3[%dma_wait3A_57] : memref<3200000xi32, #tpu.memory_space<hbm>> -> memref<3200xi32, #tpu.memory_space<hbm>>
      %dma_wait3A_59 = arith.constant 0 : i32
      %dma_wait3A_60 = tpu.memref_slice %arg3[%dma_wait3A_59] : memref<3200000xi32, #tpu.memory_space<hbm>> -> memref<3200xi32, #tpu.memory_space<hbm>>
      tpu.wait_dma2 semaphore(%arg19 : memref<!tpu.dma_semaphore, #tpu.memory_space<semaphore_mem>>) src(%dma_wait3A_60 : memref<3200xi32, #tpu.memory_space<hbm>>) dst(%arg14 : memref<3200xi32, #tpu.memory_space<vmem>>)
      %gt3A = arith.constant 0 : i32
      %gt3A_61 = arith.cmpi sgt, %scan3A_40, %gt3A : i32
      %convert_element_type3A_62 = arith.extui %gt3A_61 : i1 to i32
      %cond3A_63 = arith.constant 0 : i32
      %cond3A_64 = arith.cmpi ne, %convert_element_type3A_62, %cond3A_63 : i32
      scf.if %cond3A_64 {
        %dma_wait3A_86 = arith.constant 0 : i32
        %dma_wait3A_87 = arith.constant 0 : i32
        %dma_wait3A_88 = tpu.memref_slice %arg7[%dma_wait3A_86, %dma_wait3A_87] : memref<3x3200000xf32, #tpu.memory_space<hbm>> -> memref<3x3200xf32, #tpu.memory_space<hbm>>
        %dma_wait3A_89 = arith.constant 0 : i32
        %dma_wait3A_90 = arith.constant 0 : i32
        %dma_wait3A_91 = tpu.memref_slice %arg7[%dma_wait3A_89, %dma_wait3A_90] : memref<3x3200000xf32, #tpu.memory_space<hbm>> -> memref<3x3200xf32, #tpu.memory_space<hbm>>
        tpu.wait_dma2 semaphore(%arg22 : memref<!tpu.dma_semaphore, #tpu.memory_space<semaphore_mem>>) src(%arg16 : memref<3x3200xf32, #tpu.memory_space<vmem>>) dst(%dma_wait3A_91 : memref<3x3200xf32, #tpu.memory_space<hbm>>)
      } else {
      }
      %parallel_loop3A = arith.constant 0 : i32
      %parallel_loop3A_65 = arith.constant 200 : i32
      %parallel_loop3A_66 = arith.constant 1 : i32
      scf.for %parallel_loop3A_86 = %parallel_loop3A to %parallel_loop3A_65 step %parallel_loop3A_66  : i32 {
        %parallel_loop3A_87 = arith.constant 16 : i32
        %parallel_loop3A_88 = arith.muli %parallel_loop3A_86, %parallel_loop3A_87 : i32
        %parallel_loop3A_89 = arith.index_cast %parallel_loop3A_88 : i32 to index
        %parallel_loop3A_90 = tpu.vector_load %arg14[%parallel_loop3A_89] {strides = array<i32>} : memref<3200xi32, #tpu.memory_space<vmem>>, vector<16xi32>,
        %parallel_loop3A_91 = tpu.vector_load_idx %arg10[%parallel_loop3A_90] : memref<1024xf32, #tpu.memory_space<vmem>>[vector<16xi32>], vector<16xf32>,
        %parallel_loop3A_92 = arith.constant 0 : i32
        %parallel_loop3A_93 = arith.index_cast %parallel_loop3A_92 : i32 to index
        %parallel_loop3A_94 = arith.index_cast %parallel_loop3A_88 : i32 to index
        %parallel_loop3A_95 = tpu.vector_load %arg12[%parallel_loop3A_93, %parallel_loop3A_94] {strides = array<i32>} : memref<3x3200xf32, #tpu.memory_space<vmem>>, vector<16xf32>,
        %parallel_loop3A_96 = arith.mulf %parallel_loop3A_95, %parallel_loop3A_91 : vector<16xf32>
        %parallel_loop3A_97 = arith.constant 0 : i32
        %parallel_loop3A_98 = arith.index_cast %parallel_loop3A_97 : i32 to index
        %parallel_loop3A_99 = arith.index_cast %parallel_loop3A_88 : i32 to index
        %parallel_loop3A_100 = tpu.vector_load %arg16[%parallel_loop3A_98, %parallel_loop3A_99] {strides = array<i32>} : memref<3x3200xf32, #tpu.memory_space<vmem>>, vector<16xf32>,
        tpu.vector_store %arg16[%parallel_loop3A_98, %parallel_loop3A_99], %parallel_loop3A_96 {strides = array<i32>} : memref<3x3200xf32, #tpu.memory_space<vmem>>, vector<16xf32>,
        %parallel_loop3A_101 = arith.constant 1 : i32
        %parallel_loop3A_102 = arith.index_cast %parallel_loop3A_101 : i32 to index
        %parallel_loop3A_103 = arith.index_cast %parallel_loop3A_88 : i32 to index
        %parallel_loop3A_104 = tpu.vector_load %arg12[%parallel_loop3A_102, %parallel_loop3A_103] {strides = array<i32>} : memref<3x3200xf32, #tpu.memory_space<vmem>>, vector<16xf32>,
        %parallel_loop3A_105 = arith.mulf %parallel_loop3A_104, %parallel_loop3A_91 : vector<16xf32>
        %parallel_loop3A_106 = arith.constant 1 : i32
        %parallel_loop3A_107 = arith.index_cast %parallel_loop3A_106 : i32 to index
        %parallel_loop3A_108 = arith.index_cast %parallel_loop3A_88 : i32 to index
        %parallel_loop3A_109 = tpu.vector_load %arg16[%parallel_loop3A_107, %parallel_loop3A_108] {strides = array<i32>} : memref<3x3200xf32, #tpu.memory_space<vmem>>, vector<16xf32>,
        tpu.vector_store %arg16[%parallel_loop3A_107, %parallel_loop3A_108], %parallel_loop3A_105 {strides = array<i32>} : memref<3x3200xf32, #tpu.memory_space<vmem>>, vector<16xf32>,
        %parallel_loop3A_110 = arith.constant 2 : i32
        %parallel_loop3A_111 = arith.index_cast %parallel_loop3A_110 : i32 to index
        %parallel_loop3A_112 = arith.index_cast %parallel_loop3A_88 : i32 to index
        %parallel_loop3A_113 = tpu.vector_load %arg12[%parallel_loop3A_111, %parallel_loop3A_112] {strides = array<i32>} : memref<3x3200xf32, #tpu.memory_space<vmem>>, vector<16xf32>,
        %parallel_loop3A_114 = arith.mulf %parallel_loop3A_113, %parallel_loop3A_91 : vector<16xf32>
        %parallel_loop3A_115 = arith.constant 2 : i32
        %parallel_loop3A_116 = arith.index_cast %parallel_loop3A_115 : i32 to index
        %parallel_loop3A_117 = arith.index_cast %parallel_loop3A_88 : i32 to index
        %parallel_loop3A_118 = tpu.vector_load %arg16[%parallel_loop3A_116, %parallel_loop3A_117] {strides = array<i32>} : memref<3x3200xf32, #tpu.memory_space<vmem>>, vector<16xf32>,
        tpu.vector_store %arg16[%parallel_loop3A_116, %parallel_loop3A_117], %parallel_loop3A_114 {strides = array<i32>} : memref<3x3200xf32, #tpu.memory_space<vmem>>, vector<16xf32>,
      } {sc.loop_unroll_factor = 8 : i64, sc.parallel_access}
      %mul3A_67 = arith.constant 2 : i32
      %mul3A_68 = arith.muli %mul3A_67, %scan3A_40 : i32
      %mul3A_69 = arith.constant 32 : i32
      %mul3A_70 = arith.muli %mul3A_68, %mul3A_69 : i32
      %add3A_71 = arith.addi %add3A, %mul3A_70 : i32
      %mul3A_72 = arith.constant 3200 : i32
      %mul3A_73 = arith.muli %add3A_71, %mul3A_72 : i32
      %dma_start3A_74 = arith.constant 0 : i32
      %dma_start3A_75 = tpu.memref_slice %arg7[%dma_start3A_74, %mul3A_73] : memref<3x3200000xf32, #tpu.memory_space<hbm>> -> memref<3x3200xf32, #tpu.memory_space<hbm>>
      %dma_start3A_76 = arith.constant 0 : i32
      %dma_start3A_77 = tpu.memref_slice %arg7[%dma_start3A_76, %mul3A_73] : memref<3x3200000xf32, #tpu.memory_space<hbm>> -> memref<3x3200xf32, #tpu.memory_space<hbm>>
      tpu.enqueue_dma source(%arg16 : memref<3x3200xf32, #tpu.memory_space<vmem>>) target(%dma_start3A_77 : memref<3x3200xf32, #tpu.memory_space<hbm>>) target_semaphore(%arg22 : memref<!tpu.dma_semaphore, #tpu.memory_space<semaphore_mem>>)
      %lt3A_78 = arith.cmpi slt, %add3A_48, %add3A_7 : i32
      %convert_element_type3A_79 = arith.extui %lt3A_78 : i1 to i32
      %cond3A_80 = arith.constant 0 : i32
      %cond3A_81 = arith.cmpi ne, %convert_element_type3A_79, %cond3A_80 : i32
      scf.if %cond3A_81 {
        %mul3A_86 = arith.constant 32 : i32
        %mul3A_87 = arith.muli %add3A_48, %mul3A_86 : i32
        %add3A_88 = arith.addi %add3A, %mul3A_87 : i32
        %mul3A_89 = arith.constant 3200 : i32
        %mul3A_90 = arith.muli %add3A_88, %mul3A_89 : i32
        %dma_start3A_91 = arith.constant 0 : i32
        %dma_start3A_92 = tpu.memref_slice %arg2[%dma_start3A_91, %mul3A_90] : memref<3x3200000xf32, #tpu.memory_space<hbm>> -> memref<3x3200xf32, #tpu.memory_space<hbm>>
        %dma_start3A_93 = arith.constant 0 : i32
        %dma_start3A_94 = tpu.memref_slice %arg2[%dma_start3A_93, %mul3A_90] : memref<3x3200000xf32, #tpu.memory_space<hbm>> -> memref<3x3200xf32, #tpu.memory_space<hbm>>
        tpu.enqueue_dma source(%dma_start3A_94 : memref<3x3200xf32, #tpu.memory_space<hbm>>) target(%arg12 : memref<3x3200xf32, #tpu.memory_space<vmem>>) target_semaphore(%arg18 : memref<!tpu.dma_semaphore, #tpu.memory_space<semaphore_mem>>)
        %dma_start3A_95 = tpu.memref_slice %arg3[%mul3A_90] : memref<3200000xi32, #tpu.memory_space<hbm>> -> memref<3200xi32, #tpu.memory_space<hbm>>
        %dma_start3A_96 = tpu.memref_slice %arg3[%mul3A_90] : memref<3200000xi32, #tpu.memory_space<hbm>> -> memref<3200xi32, #tpu.memory_space<hbm>>
        tpu.enqueue_dma source(%dma_start3A_96 : memref<3200xi32, #tpu.memory_space<hbm>>) target(%arg14 : memref<3200xi32, #tpu.memory_space<vmem>>) target_semaphore(%arg19 : memref<!tpu.dma_semaphore, #tpu.memory_space<semaphore_mem>>)
      } else {
      }
      %lt3A_82 = arith.cmpi slt, %add3A_44, %add3A_7 : i32
      %convert_element_type3A_83 = arith.extui %lt3A_82 : i1 to i32
      %cond3A_84 = arith.constant 0 : i32
      %cond3A_85 = arith.cmpi ne, %convert_element_type3A_83, %cond3A_84 : i32
      scf.if %cond3A_85 {
        %dma_wait3A_86 = arith.constant 0 : i32
        %dma_wait3A_87 = arith.constant 0 : i32
        %dma_wait3A_88 = tpu.memref_slice %arg2[%dma_wait3A_86, %dma_wait3A_87] : memref<3x3200000xf32, #tpu.memory_space<hbm>> -> memref<3x3200xf32, #tpu.memory_space<hbm>>
        %dma_wait3A_89 = arith.constant 0 : i32
        %dma_wait3A_90 = arith.constant 0 : i32
        %dma_wait3A_91 = tpu.memref_slice %arg2[%dma_wait3A_89, %dma_wait3A_90] : memref<3x3200000xf32, #tpu.memory_space<hbm>> -> memref<3x3200xf32, #tpu.memory_space<hbm>>
        tpu.wait_dma2 semaphore(%arg20 : memref<!tpu.dma_semaphore, #tpu.memory_space<semaphore_mem>>) src(%dma_wait3A_91 : memref<3x3200xf32, #tpu.memory_space<hbm>>) dst(%arg13 : memref<3x3200xf32, #tpu.memory_space<vmem>>)
        %dma_wait3A_92 = arith.constant 0 : i32
        %dma_wait3A_93 = tpu.memref_slice %arg3[%dma_wait3A_92] : memref<3200000xi32, #tpu.memory_space<hbm>> -> memref<3200xi32, #tpu.memory_space<hbm>>
        %dma_wait3A_94 = arith.constant 0 : i32
        %dma_wait3A_95 = tpu.memref_slice %arg3[%dma_wait3A_94] : memref<3200000xi32, #tpu.memory_space<hbm>> -> memref<3200xi32, #tpu.memory_space<hbm>>
        tpu.wait_dma2 semaphore(%arg21 : memref<!tpu.dma_semaphore, #tpu.memory_space<semaphore_mem>>) src(%dma_wait3A_95 : memref<3200xi32, #tpu.memory_space<hbm>>) dst(%arg15 : memref<3200xi32, #tpu.memory_space<vmem>>)
        %gt3A_96 = arith.constant 0 : i32
        %gt3A_97 = arith.cmpi sgt, %scan3A_40, %gt3A_96 : i32
        %convert_element_type3A_98 = arith.extui %gt3A_97 : i1 to i32
        %cond3A_99 = arith.constant 0 : i32
        %cond3A_100 = arith.cmpi ne, %convert_element_type3A_98, %cond3A_99 : i32
        scf.if %cond3A_100 {
          %dma_wait3A_113 = arith.constant 0 : i32
          %dma_wait3A_114 = arith.constant 0 : i32
          %dma_wait3A_115 = tpu.memref_slice %arg7[%dma_wait3A_113, %dma_wait3A_114] : memref<3x3200000xf32, #tpu.memory_space<hbm>> -> memref<3x3200xf32, #tpu.memory_space<hbm>>
          %dma_wait3A_116 = arith.constant 0 : i32
          %dma_wait3A_117 = arith.constant 0 : i32
          %dma_wait3A_118 = tpu.memref_slice %arg7[%dma_wait3A_116, %dma_wait3A_117] : memref<3x3200000xf32, #tpu.memory_space<hbm>> -> memref<3x3200xf32, #tpu.memory_space<hbm>>
          tpu.wait_dma2 semaphore(%arg23 : memref<!tpu.dma_semaphore, #tpu.memory_space<semaphore_mem>>) src(%arg17 : memref<3x3200xf32, #tpu.memory_space<vmem>>) dst(%dma_wait3A_118 : memref<3x3200xf32, #tpu.memory_space<hbm>>)
        } else {
        }
        %parallel_loop3A_101 = arith.constant 0 : i32
        %parallel_loop3A_102 = arith.constant 200 : i32
        %parallel_loop3A_103 = arith.constant 1 : i32
        scf.for %parallel_loop3A_113 = %parallel_loop3A_101 to %parallel_loop3A_102 step %parallel_loop3A_103  : i32 {
          %parallel_loop3A_114 = arith.constant 16 : i32
          %parallel_loop3A_115 = arith.muli %parallel_loop3A_113, %parallel_loop3A_114 : i32
          %parallel_loop3A_116 = arith.index_cast %parallel_loop3A_115 : i32 to index
          %parallel_loop3A_117 = tpu.vector_load %arg15[%parallel_loop3A_116] {strides = array<i32>} : memref<3200xi32, #tpu.memory_space<vmem>>, vector<16xi32>,
          %parallel_loop3A_118 = tpu.vector_load_idx %arg10[%parallel_loop3A_117] : memref<1024xf32, #tpu.memory_space<vmem>>[vector<16xi32>], vector<16xf32>,
          %parallel_loop3A_119 = arith.constant 0 : i32
          %parallel_loop3A_120 = arith.index_cast %parallel_loop3A_119 : i32 to index
          %parallel_loop3A_121 = arith.index_cast %parallel_loop3A_115 : i32 to index
          %parallel_loop3A_122 = tpu.vector_load %arg13[%parallel_loop3A_120, %parallel_loop3A_121] {strides = array<i32>} : memref<3x3200xf32, #tpu.memory_space<vmem>>, vector<16xf32>,
          %parallel_loop3A_123 = arith.mulf %parallel_loop3A_122, %parallel_loop3A_118 : vector<16xf32>
          %parallel_loop3A_124 = arith.constant 0 : i32
          %parallel_loop3A_125 = arith.index_cast %parallel_loop3A_124 : i32 to index
          %parallel_loop3A_126 = arith.index_cast %parallel_loop3A_115 : i32 to index
          %parallel_loop3A_127 = tpu.vector_load %arg17[%parallel_loop3A_125, %parallel_loop3A_126] {strides = array<i32>} : memref<3x3200xf32, #tpu.memory_space<vmem>>, vector<16xf32>,
          tpu.vector_store %arg17[%parallel_loop3A_125, %parallel_loop3A_126], %parallel_loop3A_123 {strides = array<i32>} : memref<3x3200xf32, #tpu.memory_space<vmem>>, vector<16xf32>,
          %parallel_loop3A_128 = arith.constant 1 : i32
          %parallel_loop3A_129 = arith.index_cast %parallel_loop3A_128 : i32 to index
          %parallel_loop3A_130 = arith.index_cast %parallel_loop3A_115 : i32 to index
          %parallel_loop3A_131 = tpu.vector_load %arg13[%parallel_loop3A_129, %parallel_loop3A_130] {strides = array<i32>} : memref<3x3200xf32, #tpu.memory_space<vmem>>, vector<16xf32>,
          %parallel_loop3A_132 = arith.mulf %parallel_loop3A_131, %parallel_loop3A_118 : vector<16xf32>
          %parallel_loop3A_133 = arith.constant 1 : i32
          %parallel_loop3A_134 = arith.index_cast %parallel_loop3A_133 : i32 to index
          %parallel_loop3A_135 = arith.index_cast %parallel_loop3A_115 : i32 to index
          %parallel_loop3A_136 = tpu.vector_load %arg17[%parallel_loop3A_134, %parallel_loop3A_135] {strides = array<i32>} : memref<3x3200xf32, #tpu.memory_space<vmem>>, vector<16xf32>,
          tpu.vector_store %arg17[%parallel_loop3A_134, %parallel_loop3A_135], %parallel_loop3A_132 {strides = array<i32>} : memref<3x3200xf32, #tpu.memory_space<vmem>>, vector<16xf32>,
          %parallel_loop3A_137 = arith.constant 2 : i32
          %parallel_loop3A_138 = arith.index_cast %parallel_loop3A_137 : i32 to index
          %parallel_loop3A_139 = arith.index_cast %parallel_loop3A_115 : i32 to index
          %parallel_loop3A_140 = tpu.vector_load %arg13[%parallel_loop3A_138, %parallel_loop3A_139] {strides = array<i32>} : memref<3x3200xf32, #tpu.memory_space<vmem>>, vector<16xf32>,
          %parallel_loop3A_141 = arith.mulf %parallel_loop3A_140, %parallel_loop3A_118 : vector<16xf32>
          %parallel_loop3A_142 = arith.constant 2 : i32
          %parallel_loop3A_143 = arith.index_cast %parallel_loop3A_142 : i32 to index
          %parallel_loop3A_144 = arith.index_cast %parallel_loop3A_115 : i32 to index
          %parallel_loop3A_145 = tpu.vector_load %arg17[%parallel_loop3A_143, %parallel_loop3A_144] {strides = array<i32>} : memref<3x3200xf32, #tpu.memory_space<vmem>>, vector<16xf32>,
          tpu.vector_store %arg17[%parallel_loop3A_143, %parallel_loop3A_144], %parallel_loop3A_141 {strides = array<i32>} : memref<3x3200xf32, #tpu.memory_space<vmem>>, vector<16xf32>,
        } {sc.loop_unroll_factor = 8 : i64, sc.parallel_access}
        %mul3A_104 = arith.constant 32 : i32
        %mul3A_105 = arith.muli %add3A_44, %mul3A_104 : i32
        %add3A_106 = arith.addi %add3A, %mul3A_105 : i32
        %mul3A_107 = arith.constant 3200 : i32
        %mul3A_108 = arith.muli %add3A_106, %mul3A_107 : i32
        %dma_start3A_109 = arith.constant 0 : i32
        %dma_start3A_110 = tpu.memref_slice %arg7[%dma_start3A_109, %mul3A_108] : memref<3x3200000xf32, #tpu.memory_space<hbm>> -> memref<3x3200xf32, #tpu.memory_space<hbm>>
        %dma_start3A_111 = arith.constant 0 : i32
        %dma_start3A_112 = tpu.memref_slice %arg7[%dma_start3A_111, %mul3A_108] : memref<3x3200000xf32, #tpu.memory_space<hbm>> -> memref<3x3200xf32, #tpu.memory_space<hbm>>
        tpu.enqueue_dma source(%arg17 : memref<3x3200xf32, #tpu.memory_space<vmem>>) target(%dma_start3A_112 : memref<3x3200xf32, #tpu.memory_space<hbm>>) target_semaphore(%arg23 : memref<!tpu.dma_semaphore, #tpu.memory_space<semaphore_mem>>)
      } else {
      }
    }
    %scan3A_28 = arith.constant 16 : i32
    %dma_wait3A = arith.constant 0 : i32
    %dma_wait3A_29 = arith.constant 0 : i32
    %dma_wait3A_30 = tpu.memref_slice %arg7[%dma_wait3A, %dma_wait3A_29] : memref<3x3200000xf32, #tpu.memory_space<hbm>> -> memref<3x3200xf32, #tpu.memory_space<hbm>>
    %dma_wait3A_31 = arith.constant 0 : i32
    %dma_wait3A_32 = arith.constant 0 : i32
    %dma_wait3A_33 = tpu.memref_slice %arg7[%dma_wait3A_31, %dma_wait3A_32] : memref<3x3200000xf32, #tpu.memory_space<hbm>> -> memref<3x3200xf32, #tpu.memory_space<hbm>>
    tpu.wait_dma2 semaphore(%arg22 : memref<!tpu.dma_semaphore, #tpu.memory_space<semaphore_mem>>) src(%arg16 : memref<3x3200xf32, #tpu.memory_space<vmem>>) dst(%dma_wait3A_33 : memref<3x3200xf32, #tpu.memory_space<hbm>>)
    %dma_wait3A_34 = arith.constant 0 : i32
    %dma_wait3A_35 = arith.constant 0 : i32
    %dma_wait3A_36 = tpu.memref_slice %arg7[%dma_wait3A_34, %dma_wait3A_35] : memref<3x3200000xf32, #tpu.memory_space<hbm>> -> memref<3x3200xf32, #tpu.memory_space<hbm>>
    %dma_wait3A_37 = arith.constant 0 : i32
    %dma_wait3A_38 = arith.constant 0 : i32
    %dma_wait3A_39 = tpu.memref_slice %arg7[%dma_wait3A_37, %dma_wait3A_38] : memref<3x3200000xf32, #tpu.memory_space<hbm>> -> memref<3x3200xf32, #tpu.memory_space<hbm>>
    tpu.wait_dma2 semaphore(%arg23 : memref<!tpu.dma_semaphore, #tpu.memory_space<semaphore_mem>>) src(%arg17 : memref<3x3200xf32, #tpu.memory_space<vmem>>) dst(%dma_wait3A_39 : memref<3x3200xf32, #tpu.memory_space<hbm>>)
    return
  }
}

</mosaic_0001>

<sc_bundles>
// kernel: kernel.4.cloned.1.call-start
scs
__scs_entry_jumppad:
0x0: {  	(pc) =	sbr.rel $0x88, $3  }
0x1: {  	(tag) =	ssettag $0x0;
	lr =	simm.s32 $0x1  }
0x2: {  	[smem:$0x3F9E] =	sst lr;
	_ =	strace $0xD0000000  }
0x3: {  	_ = 	snop  }
0x4: {  	_ = 	snop  }
0x5: {  	_ = 	snop  }
0x6: {  	_ = 	snop  }
0x7: {  	_ = 	snop  }
__scs_overlays_trampoline_lowered:
0x8: {  	[smem:$0x3FAD] =	sst s0  }
0x9: {  	[smem:$0x3FAE] =	sst s1  }
0xa: {  	[smem:$0x3FAF] =	sst s2  }
0xb: {  	[smem:$0x3FB0] =	sst s3  }
0xc: {  	[smem:$0x3FB1] =	sst s4  }
0xd: {  	[smem:$0x3FB2] =	sst s5  }
0xe: {  	[smem:$0x3FB3] =	sst s6  }
0xf: {  	[smem:$0x3FB4] =	sst s7  }
0x10: {  	[smem:$0x3FB5] =	sst s8  }
0x11: {  	[smem:$0x3FB6] =	sst s9;
	s0 =	simm.s32 @!p0 $0x0  }
0x12: {  	s1 =	sld [smem:$0x3F9C];
	s0 =	simm.s32 @p0 $0x1  }
0x13: {  	[smem:$0x3FB7] =	sst s0;
	s0 =	simm.s32 @!p1 $0x0  }
0x14: {  	s2 =	sld [smem:$0x3F9B];
	s0 =	simm.s32 @p1 $0x1  }
0x15: {  	[smem:$0x3FB8] =	sst s0;
	s0 =	simm.s32 @!p2 $0x0  }
0x16: {  	s3 =	sld [smem:$0x3FDB];
	s0 =	simm.s32 @p2 $0x1  }
0x17: {  	s4 =	simm.s32 $0x1BF5;
	[smem:$0x3FBA] =	sst s0  }
0x18: {  	s0 =	sld [smem:$0x3F9D];
	_ =	swait.ge [sflag:s4], $0x0  }
0x19: {  	s7 =	sld [smem:$0x3F9E]  }
0x1a: {  	s8 =	sadd.s32 $0xFFFFE003, lr  }
0x1b: {  	s9 =	sadd.s32 $0xFFFFFEF7, lr;
	s5 =	simm.s32 $0xFFFFFFFF;
	p2 =	slt.u32 s8, $0xFFFFF086  }
0x1c: {  	p1 =	slt.u32 s9, $0xF7A;
	s5 =	simm.s32 @!p2 $0x0  }
0x1d: {  	s5 =	simm.s32 @p1 $0x1;
	p0 =	seq.s32 s7, s2  }
0x1e: {  	s7 =	smul.u32 @!p0 $0xF7A, s2;
	p2 =	seq.s32 @!p0 s5, $0x0  }
0x1f: {  	s9 =	smul.u32 $0xF7A, s1;
	s8 =	simm.s32 @!p0 $0x1BF5;
	p2 =	por !p2, p0  }
0x20: {  	[sflag:s8] =	ssyncset.s32 @!p0 $0xFFFFF086;
	s6 =	sadd.s32 @!p0 s3, s7;
	s7 =	simm.s32 @!p0 $0x108  }
0x21: {  	s3 =	sadd.s32 s3, s9;
	s6 =	sadd.s32 @!p0 $0x88, s6;
	s7 =	simm.s32 @p2 $0x1082  }
0x22: {  	[simem:s7], [sflag:s8] =	dma.local @!p0 [hbm:s6], $0xF7A  }
0x23: {  	s9 =	sor.u32 $0xD0000000, s2;
	s6 =	simm.s32 $0x108;
	_ =	swait.ge @!p0 [sflag:s8], $0x0  }
0x24: {  	s3 =	sadd.s32 $0x88, s3;
	s6 =	simm.s32 @!p1 $0x1082;
	[sflag:s4] =	ssyncset.s32 $0xFFFFF086  }
0x25: {  	[simem:s6], [sflag:s4] =	dma.local [hbm:s3], $0xF7A  }
0x26: {  	[smem:$0x3F9E] =	sst s1;
	(tag) =	ssettag s2;
	_ =	strace s9  }
0x27: {  	s1 =	sld [smem:$0x3FAE]  }
0x28: {  	s2 =	sld [smem:$0x3FAF]  }
0x29: {  	s4 =	sld [smem:$0x3FB1]  }
0x2a: {  	p0 =	seq.s32 s5, $0x0;
	s5 =	sld [smem:$0x3FB2]  }
0x2b: {  	s6 =	sld [smem:$0x3FB3]  }
0x2c: {  	s7 =	sld [smem:$0x3FB4]  }
0x2d: {  	s3 =	simm.s32 $0x108;
	s8 =	sld [smem:$0x3FB5]  }
0x2e: {  	s3 =	simm.s32 @!p0 $0x1082;
	s9 =	sld [smem:$0x3FB6]  }
0x2f: {  	lr =	sadd.s32 s0, s3;
	s0 =	sld [smem:$0x3FAD]  }
0x30: {  	s3 =	sld [smem:$0x3FB0]  }
0x31: {  	[smem:$0x3FB9] =	sst s10  }
0x32: {  	s10 =	sld [smem:$0x3FB7];
	_ =	sdelay $0x3  }
0x33: {  	p0 =	seq.s32 s10, $0x1;
	s10 =	sld [smem:$0x3FB9];
	_ =	sdelay $0x3  }
0x34: {  	[smem:$0x3FB9] =	sst s10  }
0x35: {  	s10 =	sld [smem:$0x3FB8];
	_ =	sdelay $0x3  }
0x36: {  	p1 =	seq.s32 s10, $0x1;
	s10 =	sld [smem:$0x3FB9];
	_ =	sdelay $0x3  }
0x37: {  	[smem:$0x3FB9] =	sst s10  }
0x38: {  	s10 =	sld [smem:$0x3FBA]  }
0x39: {  	_ = 	snop;
	(pc) =	sbr.ind lr, $3  }
0x3a: {  	_ = 	snop  }
0x3b: {  	_ = 	snop  }
0x3c: {  	p2 =	seq.s32 s10, $0x1;
	s10 =	sld [smem:$0x3FB9]  }
0x3d: {  	_ =	shalt  }
0x3e: {  	_ =	shalt  }
0x3f: {  	_ =	shalt  }
0x40: {  	_ =	shalt  }
0x41: {  	_ =	shalt  }
0x42: {  	_ =	shalt  }
0x43: {  	_ =	shalt  }
0x44: {  	_ =	shalt  }
0x45: {  	_ =	shalt  }
0x46: {  	_ =	shalt  }
0x47: {  	_ =	shalt  }
0x48: {  	_ =	shalt  }
0x49: {  	_ =	shalt  }
0x4a: {  	_ =	shalt  }
0x4b: {  	_ =	shalt  }
0x4c: {  	_ =	shalt  }
0x4d: {  	_ =	shalt  }
0x4e: {  	_ =	shalt  }
0x4f: {  	_ =	shalt  }
0x50: {  	_ =	shalt  }
0x51: {  	_ =	shalt  }
0x52: {  	_ =	shalt  }
0x53: {  	_ =	shalt  }
0x54: {  	_ =	shalt  }
0x55: {  	_ =	shalt  }
0x56: {  	_ =	shalt  }
0x57: {  	_ =	shalt  }
0x58: {  	_ =	shalt  }
0x59: {  	_ =	shalt  }
0x5a: {  	_ =	shalt  }
0x5b: {  	_ =	shalt  }
0x5c: {  	_ =	shalt  }
0x5d: {  	_ =	shalt  }
0x5e: {  	_ =	shalt  }
0x5f: {  	_ =	shalt  }
0x60: {  	_ =	shalt  }
0x61: {  	_ =	shalt  }
0x62: {  	_ =	shalt  }
0x63: {  	_ =	shalt  }
0x64: {  	_ =	shalt  }
0x65: {  	_ =	shalt  }
0x66: {  	_ =	shalt  }
0x67: {  	_ =	shalt  }
0x68: {  	_ =	shalt  }
0x69: {  	_ =	shalt  }
0x6a: {  	_ =	shalt  }
0x6b: {  	_ =	shalt  }
0x6c: {  	_ =	shalt  }
0x6d: {  	_ =	shalt  }
0x6e: {  	_ =	shalt  }
0x6f: {  	_ =	shalt  }
0x70: {  	_ =	shalt  }
0x71: {  	_ =	shalt  }
0x72: {  	_ =	shalt  }
0x73: {  	_ =	shalt  }
0x74: {  	_ =	shalt  }
0x75: {  	_ =	shalt  }
0x76: {  	_ =	shalt  }
0x77: {  	_ =	shalt  }
0x78: {  	_ =	shalt  }
0x79: {  	_ =	shalt  }
0x7a: {  	_ =	shalt  }
0x7b: {  	_ =	shalt  }
0x7c: {  	_ =	shalt  }
0x7d: {  	_ =	shalt  }
0x7e: {  	_ =	shalt  }
0x7f: {  	_ =	shalt  }
0x80: {  	_ =	shalt  }
0x81: {  	_ =	shalt  }
0x82: {  	_ =	shalt  }
0x83: {  	_ =	shalt  }
0x84: {  	_ =	shalt  }
0x85: {  	_ =	shalt  }
0x86: {  	_ =	shalt  }
0x87: {  	_ =	shalt  }
.Lfunc_end0:
.L_simem_size_0:
called_computation_lowered:
.L_overlay_start_0:
0x88: {  	s2 =	sld [smem:$0x3FD9]  }
0x89: {  	s3 =	sld [smem:$0x3FFE];
	_ =	sdelay $0x1  }
0x8a: {  	s1 =	srdreg.scid  }
0x8b: {  	s0 =	sand.u32 $0x1, s1  }
0x8c: {  	s17 =	sshll.u32 s0, $0xA;
	s2 =	sadd.s32 s3, s2  }
0x8d: {  	s2 =	sadd.s32 s2, s17  }
0x8e: {  	[smem:$0x3FC5] =	sst s2  }
0x8f: {  	_ = 	snop  }
0x90: {  	s2 =	sld [smem:$0x3FC9]  }
0x91: {  	s18 =	sld [smem:$0x3FC8];
	(tm) =	ssettm $0x1  }
0x92: {  	s4 =	sld [smem:$0x3FFB];
	_ =	sdelay $0x3  }
0x93: {  	_ =	strace s4  }
0x94: {  	s4 =	sld [smem:$0x3FFC];
	_ =	sdelay $0x3  }
0x95: {  	_ =	strace s4  }
0x96: {  	s4 =	sld [smem:$0x3FFD];
	_ =	sdelay $0x3  }
0x97: {  	_ =	strace s4  }
0x98: {  	_ =	strace $0x8FFFFFFF  }
0x99: {  	s19 =	sld [smem:$0x3FDB];
	_ =	sdelay $0x1  }
0x9a: {  	s5 =	simm.s32 $_scs_section_size  }
0x9b: {  	s6 =	simm.s32 $_size__tile_overlayer_lowered;
	s7 =	simm.s32 $_tile_overlayer_lowered  }
0x9c: {  	s22 =	simm.s32 $0x1BFF;
	s21 =	sshll.u32 s7, $0x1;
	s4 =	sadd.s32 s5, s19  }
0x9d: {  	s8 =	simm.s32 $0x0;
	s20 =	sshll.u32 s6, $0x1;
	s6 =	sadd.s32 s21, s4  }
0x9e: {  	[timem:s8], [sflag:s22] =	dma.local [hbm:s6], s20  }
0x9f: {  	_ =	swait.ge [sflag:s22], s20  }
0xa0: {  	s5 =	ssub.s32 $0x0, s20;
	[sflag:s22] =	ssyncset.done $0x0  }
0xa1: {  	[sflag:s22] =	ssyncadd.s32 s5;
	_ =	sdelay $0x1  }
0xa2: {  	s23 =	simm.s32 $0x1B8B  }
0xa3: {  	_ =	swait.ge [sflag:s23], $0x1  }
0xa4: {  	[sflag:s23] =	ssyncset.done $0x0  }
0xa5: {  	s25 =	simm.s32 $0x1B8E;
	s24 =	sld [smem:$0x3FFE];
	[sflag:s23] =	ssyncadd.s32 $0xFFFFFFFF  }
0xa6: {  	s26 =	simm.s32 $execute0_lowered;
	[smem:$0x3FD2] =	sst s25  }
0xa7: {  	s6 =	sshll.u32 s26, $0x1;
	_ =	strace $0x80000046;
	[dreg:$0x1] =	wrdreg $0xFFFFFFFF  }
0xa8: {  	s28 =	simm.s32 $_size_execute0_lowered;
	s4 =	sadd.s32 s4, s6;
	[dreg:$0x0] =	wrdreg $0x0  }
0xa9: {  	s6 =	sshll.u32 s28, $0x1;
	[dreg:$0x2] =	wrdreg s4  }
0xaa: {  	[dreg:$0x3] =	wrdreg s6  }
0xab: {  	[dreg:$0x4] =	wrdreg $0xC0  }
0xac: {  	_ =	task [dreg:s8], $0x5FFFF  }
0xad: {  	[dreg:$0x1] =	wrdreg $0xFFFFFFFF  }
0xae: {  	[dreg:$0x0] =	wrdreg $0x60  }
0xaf: {  	[dreg:$0x2] =	wrdreg s2  }
0xb0: {  	[dreg:$0x3] =	wrdreg s18  }
0xb1: {  	[dreg:$0x4] =	wrdreg s24  }
0xb2: {  	[dreg:$0x5] =	wrdreg $0x9  }
0xb3: {  	_ =	task.clear_ibuf [dreg:s8], $0x6FFFF;
	_ =	strace $0x90000046  }
0xb4: {  	s29 =	simm.s32 $0x9;
	_ =	strace $0x80000048  }
0xb5: {  	_ =	swait.ge [sflag:s29], $0x1  }
0xb6: {  	[sflag:s29] =	ssyncadd.s32 $0xFFFFFFFF  }
0xb7: {  	_ =	strace $0x90000048  }
0xb8: {  	_ =	sfence  }
0xb9: {  	s30 =	sld [smem:$0x0];
	_ =	sdelay $0x2  }
0xba: {  	s31 =	sshll.u32 s1, $0xD;
	s1 =	sshrl.u32 s1, $0x2  }
0xbb: {  	s3 =	sand.u32 $0x4000, s31;
	s1 =	sadd.s32 s1, s30  }
0xbc: {  	s0 =	sor.u32 s3, s0;
	s1 =	sshll.u32 s1, $0x11  }
0xbd: {  	s0 =	sor.u32 s1, s0  }
0xbe: {  	s0 =	sadd.s32 $0x8F2B, s0  }
0xbf: {  	[sflag:s0] =	ssyncadd.remote.s32 $0x1  }
0xc0: {  	_ =	sfence.sel $0xFFFF  }
0xc1: {  	[dreg:$0x0] =	wrdreg $0xFFFFFFFF;
	(pc) =	sbr.abs _section_cstart, $3  }
0xc2: {  	[dreg:$0x1] =	wrdreg $0xFFFFFFFF  }
0xc3: {  	_ =	task.clear_ibuf [dreg:s8], $0x2FFFF;
	_ =	strace $0x9FFFFFFF  }
0xc4: {  	(tm) =	ssettm $0x7FFFFFFF  }
0xc5: {  	_ =	shalt  }
tec
execute0_lowered:
.L_overlay_start_1:
0x0: {  	(tag) =	ssettag $0x1  }
0x1: {  	s1 =	rddreg [dreg:$0x0]  }
0x2: {  	s3 =	rddreg [dreg:$0x1];
	s2 =	srdreg.scid  }
0x3: {  	s0 =	stileid.u32;
	s6 =	rddreg [dreg:$0x2];
	s4 =	simm.s32 $0x0  }
0x4: {  	s12 =	simm.s32 $0xC800;
	s13 =	simm.s32 $0x1;
	s14 =	simm.s32 $0x2  }
0x5: {  	s15 =	simm.s32 $0xFA00;
	s16 =	simm.s32 $0x13A80;
	s17 =	simm.s32 $0x3  }
0x6: {  	s18 =	simm.s32 $0x4;
	s19 =	simm.s32 $0x80;
	s20 =	simm.s32 $0x400  }
0x7: {  	s21 =	simm.s32 $0x17B00;
	s22 =	simm.s32 $0x5;
	s23 =	simm.s32 $0x17F00  }
0x8: {  	s7 =	sand.u32 $0x1, s2;
	s5 =	sshll.u32 s0, $0x1;
	s2 =	rddreg [dreg:$0x3]  }
0x9: {  	[smem:$0x7FF] =	sst s4;
	s8 =	sshll.u32 s0, $0x8;
	p0 =	slt.u32 s0, $0xA  }
0xa: {  	s5 =	sor.u32 s7, s5;
	_ =	strace $0x80000047;
	s7 =	ssub.s32 $0x2, s7  }
0xb: {  	s9 =	sshll.u32 s5, $0x4;
	s29 =	smul.u32 $0xC80, s5;
	s30 =	sshrl.u32 s7, $0x1  }
0xc: {  	s31 =	smul.u32 $0x320, s5;
	s8 =	sor.u32 s8, s9;
	s11 =	ssub.s32 s7, s30  }
0xd: {  	v1 =	vlaneseq.u32;
	s8 =	sand.u32 $0xC70, s8;
	s7 =	sadd.s32 s1, s29;
	s11 =	smax.u32 s11, $0x1  }
0xe: {  	v1 =	vmul.u32 $0x401, v1;
	s10 =	sadd.s32 s8, s6;
	s6 =	simm.s32 $0x10;
	s8 =	sadd.s32 s3, s31  }
0xf: {  	v0 =	vimm.f32 $0.0e+00;
	v2 =	vimm.f32 $1.000000000e+00;
	s6 =	simm.s32 @!p0 $0xF;
	s9 =	sadd.s32 $0xC00, s10;
	s10 =	sadd.s32 $0x1C00, s10  }
.LBB2_1:
0x10: {  	s24 =	simm.s32 $0xFA20  }
0x11: {  	[tilespmem:s24+$0xFFFFFFF0] =	vst v0  }
0x12: {  	[tilespmem:s24+$0xFFFFFFE0] =	vst v0  }
0x13: {  	[tilespmem:s24+$0x0] =	vst v0  }
0x14: {  	[tilespmem:s24+$0x10] =	vst v0  }
0x15: {  	s25 =	simm.s32 $0x13AA0;
	[tilespmem:s24+$0x20] =	vst v0  }
0x16: {  	[tilespmem:s25+$0xFFFFFFE0] =	vst v0  }
0x17: {  	[tilespmem:s25+$0x20] =	vst v0  }
0x18: {  	[tilespmem:s25+$0x10] =	vst v0  }
0x19: {  	s26 =	simm.s32 $0x0;
	[tilespmem:s25+$0x0] =	vst v0  }
.LBB2_2:
0x1a: {  	s26 =	sadd.s32 $0x5, s26;
	[tilespmem:s25+$0xFFFFFFF0] =	vst v0;
	s24 =	sadd.s32 $0x50, s24;
	s25 =	sadd.s32 $0x50, s25  }
0x1b: {  	[tilespmem:s24+$0xFFFFFFF0] =	vst v0;
	p0 =	slt.u32 s26, $0x3FC  }
0x1c: {  	[tilespmem:s24+$0xFFFFFFE0] =	vst v0  }
0x1d: {  	[tilespmem:s25+$0xFFFFFFE0] =	vst v0  }
0x1e: {  	[tilespmem:s24+$0x0] =	vst v0  }
.Ltmp0:
0x1f: {  	[tilespmem:s24+$0x10] =	vst v0;
	(pc) =	sbr.rel @p0 .LBB2_2-.Ltmp0, $4  }
0x20: {  	[tilespmem:s24+$0x20] =	vst v0  }
0x21: {  	[tilespmem:s25+$0x20] =	vst v0  }
0x22: {  	[tilespmem:s25+$0x10] =	vst v0  }
0x23: {  	[tilespmem:s25+$0x0] =	vst v0  }
.Ltmp1:
0x24: {  	(pc) =	sbr.rel .LBB2_4-.Ltmp1, $4  }
0x25: {  	[tilespmem:s25+$0xFFFFFFF0] =	vst v0;
	s24 =	simm.s32 $0x0  }
0x26: {  	[tilespmem:s24], [sflag:$0x1] =	stream.linear.gather [hbm4b:s7+s24], $0x6400, $0x38;
	[tilespmem:$0x18300] =	vst v63  }
0x27: {  	_ = 	snop  }
0x28: {  	[tilespmem:s12], [sflag:$0x2] =	stream.linear.gather [hbm4b:s8+s24], $0x1900, $0x38;
	[tilespmem:$0x18300] =	vst v63  }
.LBB2_10:
0x29: {  	s24 =	sadd.s32 $0x1, s24  }
0x2a: {  	p0 =	sne.s32 s24, $0x8  }
.Ltmp2:
0x2b: {  	_ = 	snop;
	(pc) =	sbr.rel @!p0 .LBB2_11-.Ltmp2, $1  }
0x2c: {  	_ =	sdelay $0x3  }
.LBB2_4:
0x2d: {  	s25 =	sshllo.u32 s24, $0x1  }
0x2e: {  	p0 =	sge.u32 s25, s6  }
0x2f: {  	s25 =	sshll.u32 @!p0 s25, $0x5  }
0x30: {  	s25 =	sor.u32 @!p0 s5, s25  }
0x31: {  	s26 =	smul.u32 @!p0 $0xC80, s25  }
0x32: {  	s28 =	simm.s32 @!p0 $0x0  }
0x33: {  	s29 =	simm.s32 @!p0 $0x6400;
	s25 =	smul.u32 @!p0 $0x320, s25;
	s26 =	sadd.s32 @!p0 s1, s26  }
0x34: {  	[tilespmem:s29], [sflag:$0x3] =	stream.linear.gather @!p0 [hbm4b:s26+s28], $0x6400, $0x38;
	[tilespmem:$0x18300] =	vst v63  }
0x35: {  	s25 =	sadd.s32 @!p0 s3, s25;
	s26 =	simm.s32 @!p0 $0xE100  }
0x36: {  	[tilespmem:s26], [sflag:$0x4] =	stream.linear.gather @!p0 [hbm4b:s25+s28], $0x1900, $0x38;
	[tilespmem:$0x18300] =	vst v63  }
0x37: {  	_ =	swait.ge [sflag:s13], $0x6400  }
0x38: {  	[sflag:s13] =	ssyncset.done $0x0  }
0x39: {  	[sflag:s13] =	ssyncadd.s32 $0xFFFF9C00  }
0x3a: {  	_ =	swait.ge [sflag:s14], $0x1900  }
0x3b: {  	[sflag:s14] =	ssyncset.done $0x0  }
0x3c: {  	s31 =	simm.s32 $0xC0;
	[sflag:s14] =	ssyncadd.s32 $0xFFFFE700  }
0x3d: {  	v3 =	vld [tilespmem:s31+$0xA0]  }
0x3e: {  	v4 =	vld [tilespmem:s31+$0x20]  }
0x3f: {  	v5 =	vld [tilespmem:s31+$0xFFFFFFA0]  }
0x40: {  	v8 =	vld [tilespmem:s31+$0x50]  }
0x41: {  	v6 =	vld [tilespmem:s31+$0xFFFFFF50]  }
0x42: {  	v9 =	vld [tilespmem:s31+$0xFFFFFF40]  }
0x43: {  	v10 =	vld [tilespmem:s31+$0xFFFFFFC0]  }
0x44: {  	v11 =	vld [tilespmem:s31+$0xFFFFFF70]  }
0x45: {  	v12 =	vld [tilespmem:s31+$0xFFFFFFD0]  }
0x46: {  	v13 =	vld [tilespmem:s31+$0xFFFFFFE0];
	v4 =	vmul.f32 v4, v4;
	v5 =	vmul.f32 v5, v5  }
0x47: {  	v14 =	vld [tilespmem:s31+$0x70]  }
0x48: {  	v15 =	vld [tilespmem:s31+$0x0];
	v3 =	vmul.f32 v3, v3;
	v4 =	vadd.f32 v4, v5  }
0x49: {  	v5 =	vld [tilespmem:s31+$0xFFFFFF60]  }
0x4a: {  	v4 =	vadd.f32 v3, v4;
	v3 =	vld [tilespmem:s31+$0xFFFFFFF0]  }
0x4b: {  	v17 =	vld [tilespmem:s31+$0xFFFFFF80];
	v11 =	vmul.f32 v11, v11;
	v13 =	vmul.f32 v13, v13  }
0x4c: {  	v18 =	vld [tilespmem:s31+$0x40];
	v12 =	vmul.f32 v12, v12;
	v14 =	vmul.f32 v14, v14  }
0x4d: {  	v21 =	vld [tilespmem:s31+$0x60];
	v10 =	vmul.f32 v10, v10;
	v9 =	vmul.f32 v9, v9;
	v16 =	vshrl.u32 v4, $0x1  }
0x4e: {  	v15 =	vmul.f32 v15, v15;
	v5 =	vmul.f32 v5, v5;
	v19 =	vsub.s32 $0x5F3759DF, v16;
	v16 =	vld [tilespmem:s31+$0x80]  }
0x4f: {  	v34 =	vld [tilespmem:s31+$0xB0];
	v6 =	vmul.f32 v6, v6;
	v10 =	vadd.f32 v10, v9;
	v3 =	vmul.f32 v3, v3  }
0x50: {  	v7 =	vmul.f32 $5.000000000e-01, v4;
	v5 =	vadd.f32 v13, v5;
	v13 =	vmul.f32 v17, v17  }
0x51: {  	v8 =	vmul.f32 v8, v8;
	v12 =	vadd.f32 v12, v6;
	v3 =	vadd.f32 v3, v11  }
0x52: {  	v20 =	vmul.f32 v19, v7;
	v11 =	vmul.f32 v18, v18;
	v9 =	vadd.f32 v15, v13  }
0x53: {  	v13 =	vmul.f32 v21, v21;
	v16 =	vmul.f32 v16, v16;
	v6 =	vadd.f32 v14, v3  }
0x54: {  	v34 =	vmul.f32 v34, v34;
	v3 =	vadd.f32 v11, v10;
	v10 =	vadd.f32 v8, v12  }
0x55: {  	v11 =	vmul.f32 v19, v20;
	v14 =	vld [tilespmem:s31+$0x10];
	v5 =	vadd.f32 v13, v5;
	v9 =	vadd.f32 v16, v9  }
0x56: {  	v20 =	vld [tilespmem:s31+$0xFFFFFF90];
	v12 =	vshrl.u32 v3, $0x1;
	v13 =	vmul.f32 $5.000000000e-01, v3;
	v15 =	vshrl.u32 v10, $0x1  }
0x57: {  	v22 =	vmul.f32 $5.000000000e-01, v10;
	v16 =	vmul.f32 $5.000000000e-01, v5;
	v8 =	vshrl.u32 v9, $0x1  }
0x58: {  	v15 =	vsub.s32 $0x5F3759DF, v15;
	v25 =	vmul.f32 $5.000000000e-01, v9;
	v12 =	vsub.s32 $0x5F3759DF, v12  }
0x59: {  	v17 =	vmul.f32 v15, v22;
	v23 =	vsub.s32 $0x5F3759DF, v8;
	v26 =	vmul.f32 v12, v13  }
0x5a: {  	v11 =	vsub.f32 $1.500000000e+00, v11;
	v8 =	vld [tilespmem:s31+$0x90];
	v21 =	vmul.f32 v23, v25;
	v14 =	vmul.f32 v14, v14  }
0x5b: {  	v24 =	vshrl.u32 v6, $0x1;
	v29 =	vmul.f32 v20, v20;
	v27 =	vmul.f32 v15, v17  }
0x5c: {  	v17 =	vshrl.u32 v5, $0x1;
	v26 =	vmul.f32 v12, v26;
	v28 =	vmul.f32 v23, v21  }
0x5d: {  	v18 =	vsub.s32 $0x5F3759DF, v17;
	v17 =	vmul.f32 v19, v11;
	v21 =	vmul.f32 $5.000000000e-01, v6  }
0x5e: {  	v31 =	vld [tilespmem:s31+$0xFFFFFFB0];
	v14 =	vadd.f32 v14, v29;
	v11 =	vsub.f32 $1.500000000e+00, v27;
	v27 =	vmul.f32 v18, v16  }
0x5f: {  	v19 =	vld [tilespmem:s31+$0x30];
	v29 =	vsub.f32 $1.500000000e+00, v26;
	v26 =	vsub.s32 $0x5F3759DF, v24;
	v8 =	vmul.f32 v8, v8  }
0x60: {  	s26 =	simm.s32 $0xC840;
	v28 =	vsub.f32 $1.500000000e+00, v28;
	v32 =	vmul.f32 v26, v21;
	v20 =	vmul.f32 v15, v11  }
0x61: {  	v24 =	vld [tilespmem:s26+$0x0];
	v27 =	vmul.f32 v18, v27;
	v15 =	vadd.f32 v8, v14;
	v8 =	vmul.f32 v12, v29  }
0x62: {  	v11 =	vld [tilespmem:s26+$0x20];
	v23 =	vmul.f32 v23, v28;
	v33 =	vmul.f32 v26, v32  }
0x63: {  	v14 =	vld [tilespmem:s26+$0xFFFFFFC0];
	v22 =	vmul.f32 v20, v22;
	v30 =	vsub.f32 $1.500000000e+00, v27;
	v27 =	vmul.f32 v31, v31  }
0x64: {  	v12 =	vld [tilespmem:s26+$0xFFFFFFE0];
	v19 =	vmul.f32 v19, v19;
	v29 =	vmul.f32 v23, v25  }
0x65: {  	v31 =	vshrl.u32 v15, $0x1;
	v25 =	vmul.f32 $5.000000000e-01, v15;
	v28 =	vmul.f32 v22, v20;
	v22 =	vld [tilespmem:s26+$0x30]  }
0x66: {  	s30 =	simm.s32 $0x2C0;
	s31 =	sshll.u32 s24, $0x1;
	v33 =	vsub.f32 $1.500000000e+00, v33;
	v32 =	vadd.f32 v19, v27;
	v19 =	vld [tilespmem:s26+$0xFFFFFFD0];
	v31 =	vsub.s32 $0x5F3759DF, v31  }
0x67: {  	s29 =	simm.s32 $0xC840;
	s28 =	simm.s32 $0x0;
	s25 =	sadd.s32 $0x2, s31;
	v27 =	vld [tilespmem:s26+$0xFFFFFFF0];
	v29 =	vmul.f32 v29, v23;
	v35 =	vmul.f32 v31, v25;
	v28 =	vsub.f32 $1.500000000e+00, v28  }
.LBB2_5:
0x68: {  	v36 =	vld [tilespmem:s30+$0xA0];
	s28 =	sadd.s32 $0x8, s28;
	v37 =	vmul.f32 v8, v13;
	v14 =	vadd.s32 v1, v14;
	v30 =	vmul.f32 v18, v30;
	s26 =	sadd.s32 $0x80, s26  }
0x69: {  	v29 =	vsub.f32 $1.500000000e+00, v29;
	v7 =	vmul.f32 v17, v7;
	v13 =	vld [tilespmem:s30+$0x50];
	p1 =	slt.u32 s28, $0x188;
	v35 =	vmul.f32 v31, v35  }
0x6a: {  	v26 =	vmul.f32 v26, v33;
	v18 =	vadd.f32 v34, v32;
	v38 =	vld [tilespmem:s30+$0x40];
	v39 =	vmul.f32 v30, v16  }
0x6b: {  	v16 =	vmul.f32 v29, v23;
	v7 =	vmul.f32 v7, v17;
	v32 =	vld [tilespmem:s30+$0xFFFFFF50];
	v23 =	vsub.f32 $1.500000000e+00, v35  }
0x6c: {  	v33 =	vmul.f32 v26, v21;
	v21 =	vadd.s32 v1, v24;
	v24 =	vmul.f32 $5.000000000e-01, v18;
	v29 =	vld [tilespmem:s30+$0x20]  }
0x6d: {  	v20 =	vmul.f32 v28, v20;
	v16 =	vmul.f32 v16, v9;
	v9 =	vshrl.u32 v18, $0x1;
	v34 =	vld [tilespmem:s30+$0xFFFFFFA0]  }
0x6e: {  	v7 =	vsub.f32 $1.500000000e+00, v7;
	v23 =	vmul.f32 v31, v23;
	v9 =	vsub.s32 $0x5F3759DF, v9;
	v28 =	vld [tilespmem:s29+$0x10];
	s29 =	smov.u32 s26  }
0x6f: {  	v10 =	vmul.f32 v20, v10;
	v20 =	vadd.s32 v1, v22;
	v33 =	vmul.f32 v33, v26;
	v31 =	vld [tilespmem:s30+$0xFFFFFF40]  }
0x70: {  	v27 =	vadd.s32 v1, v27;
	v7 =	vmul.f32 v7, v17;
	v35 =	vmul.f32 v9, v24;
	v22 =	vld [tilespmem:s30+$0xFFFFFFC0]  }
0x71: {  	v40 =	vadd.s32 v1, v11;
	v36 =	vmul.f32 v36, v36;
	v17 =	vld [tilespmem:s30+$0x10];
	v29 =	vmul.f32 v29, v29  }
0x72: {  	v25 =	vmul.f32 v23, v25;
	v11 =	vld [tilespmem:s30+$0x70];
	v34 =	vmul.f32 v34, v34  }
0x73: {  	v39 =	vmul.f32 v39, v30;
	v33 =	vsub.f32 $1.500000000e+00, v33;
	v41 =	vld [tilespmem:s30+$0xFFFFFF70];
	v28 =	vadd.s32 v1, v28  }
0x74: {  	v25 =	vmul.f32 v25, v23;
	v42 =	vld [tilespmem:s30+$0xFFFFFFD0];
	v29 =	vadd.f32 v29, v34;
	v34 =	vmul.f32 v9, v35  }
0x75: {  	v39 =	vsub.f32 $1.500000000e+00, v39;
	v7 =	vmul.f32 v7, v4;
	v26 =	vmul.f32 v33, v26;
	v35 =	vld [tilespmem:s30+$0xFFFFFF60]  }
0x76: {  	v25 =	vsub.f32 $1.500000000e+00, v25;
	v33 =	vld [tilespmem:s30+$0xFFFFFFE0];
	v4 =	vadd.f32 v36, v29;
	v29 =	vmul.f32 v37, v8  }
0x77: {  	v30 =	vmul.f32 v39, v30;
	v6 =	vmul.f32 v26, v6;
	v26 =	vsub.f32 $1.500000000e+00, v34;
	[tilespmem:v40+s15+$0x0] =	vst.idx.add.f32.msk $0xffff, v7  }
0x78: {  	v23 =	vmul.f32 v25, v23;
	v34 =	vld [tilespmem:s30+$0xFFFFFFF0];
	v36 =	vshrl.u32 v4, $0x1;
	v7 =	vmul.f32 $5.000000000e-01, v4  }
0x79: {  	v30 =	vmul.f32 v30, v5;
	v26 =	vmul.f32 v9, v26;
	v25 =	vld [tilespmem:s30+$0x0];
	v36 =	vsub.s32 $0x5F3759DF, v36  }
0x7a: {  	v19 =	vadd.s32 v1, v19;
	v15 =	vmul.f32 v23, v15;
	v5 =	vmul.f32 v41, v41;
	v9 =	vld [tilespmem:s30+$0x80]  }
0x7b: {  	v12 =	vadd.s32 v1, v12;
	v23 =	vmul.f32 v35, v35;
	v33 =	vmul.f32 v33, v33;
	v35 =	vld [tilespmem:s30+$0xFFFFFF80]  }
0x7c: {  	v29 =	vsub.f32 $1.500000000e+00, v29;
	v37 =	vmul.f32 v42, v42;
	v39 =	vmul.f32 v36, v7;
	[tilespmem:v28+s15+$0x0] =	vst.idx.add.f32.msk $0xffff, v15  }
0x7d: {  	v15 =	vld [tilespmem:s30+$0x60];
	v23 =	vadd.f32 v33, v23;
	v33 =	vmul.f32 v34, v34;
	v34 =	vmul.f32 v11, v11  }
0x7e: {  	v22 =	vmul.f32 v22, v22;
	v25 =	vmul.f32 v25, v25;
	[tilespmem:v27+s15+$0x0] =	vst.idx.add.f32.msk $0xffff, v6  }
0x7f: {  	v6 =	vmul.f32 v31, v31;
	v9 =	vmul.f32 v9, v9;
	[tilespmem:v28+s16+$0x0] =	vst.idx.add.f32.msk $0xffff, v2  }
0x80: {  	v28 =	vmul.f32 v32, v32;
	v5 =	vadd.f32 v33, v5;
	v31 =	vmul.f32 v35, v35;
	v11 =	vld [tilespmem:s26+$0x20]  }
0x81: {  	v22 =	vadd.f32 v22, v6;
	[tilespmem:v19+s15+$0x0] =	vst.idx.add.f32.msk $0xffff, v10;
	v10 =	vmul.f32 v26, v24  }
0x82: {  	v24 =	vmul.f32 v38, v38;
	v25 =	vadd.f32 v25, v31;
	[tilespmem:v19+s16+$0x0] =	vst.idx.add.f32.msk $0xffff, v2  }
0x83: {  	v6 =	vadd.f32 v34, v5;
	v19 =	vadd.f32 v37, v28;
	v28 =	vld [tilespmem:s30+$0x30];
	v5 =	vmul.f32 v10, v26  }
0x84: {  	v10 =	vmul.f32 v13, v13;
	v13 =	vmul.f32 v15, v15;
	v9 =	vadd.f32 v9, v25;
	v15 =	vld [tilespmem:s30+$0xFFFFFF90]  }
0x85: {  	v22 =	vadd.f32 v24, v22;
	v25 =	vmul.f32 v36, v39;
	v24 =	vld [tilespmem:s30+$0x90];
	v31 =	vsub.f32 $1.500000000e+00, v5  }
0x86: {  	v10 =	vadd.f32 v10, v19;
	v5 =	vadd.f32 v13, v23;
	v19 =	vshrl.u32 v9, $0x1;
	[tilespmem:v27+s16+$0x0] =	vst.idx.add.f32.msk $0xffff, v2  }
0x87: {  	v8 =	vmul.f32 v29, v8;
	v23 =	vshrl.u32 v22, $0x1;
	v25 =	vsub.f32 $1.500000000e+00, v25;
	[tilespmem:v40+s16+$0x0] =	vst.idx.add.f32.msk $0xffff, v2  }
0x88: {  	v13 =	vmul.f32 $5.000000000e-01, v22;
	v27 =	vshrl.u32 v10, $0x1;
	v26 =	vmul.f32 v31, v26;
	[tilespmem:v21+s15+$0x0] =	vst.idx.add.f32.msk $0xffff, v16  }
0x89: {  	v29 =	vmul.f32 $5.000000000e-01, v10;
	v27 =	vsub.s32 $0x5F3759DF, v27;
	v16 =	vmul.f32 $5.000000000e-01, v5;
	[tilespmem:v21+s16+$0x0] =	vst.idx.add.f32.msk $0xffff, v2  }
0x8a: {  	v8 =	vmul.f32 v8, v3;
	v3 =	vmovc v22;
	v23 =	vsub.s32 $0x5F3759DF, v23;
	v31 =	vmul.f32 $5.000000000e-01, v9;
	v32 =	vld [tilespmem:s30+$0xFFFFFFB0]  }
0x8b: {  	v19 =	vsub.s32 $0x5F3759DF, v19;
	v21 =	vmul.f32 v27, v29;
	v18 =	vmul.f32 v26, v18;
	[tilespmem:v12+s15+$0x0] =	vst.idx.add.f32.msk $0xffff, v30  }
0x8c: {  	v22 =	vshrl.u32 v6, $0x1;
	v26 =	vmul.f32 v19, v31;
	v30 =	vmul.f32 v17, v17;
	[tilespmem:v14+s15+$0x0] =	vst.idx.add.f32.msk $0xffff, v8  }
0x8d: {  	v21 =	vmul.f32 v27, v21;
	v17 =	vshrl.u32 v5, $0x1;
	v8 =	vmul.f32 v23, v13;
	[tilespmem:v20+s15+$0x0] =	vst.idx.add.f32.msk $0xffff, v18  }
0x8e: {  	v26 =	vmul.f32 v19, v26;
	v18 =	vsub.s32 $0x5F3759DF, v17;
	v17 =	vmul.f32 v36, v25;
	[tilespmem:v20+s16+$0x0] =	vst.idx.add.f32.msk $0xffff, v2  }
0x8f: {  	v15 =	vmul.f32 v15, v15;
	v20 =	vsub.f32 $1.500000000e+00, v21;
	v25 =	vmul.f32 v18, v16;
	[tilespmem:v14+s16+$0x0] =	vst.idx.add.f32.msk $0xffff, v2  }
0x90: {  	v8 =	vmul.f32 v23, v8;
	v21 =	vmul.f32 $5.000000000e-01, v6;
	v14 =	vsub.f32 $1.500000000e+00, v26;
	[tilespmem:v12+s16+$0x0] =	vst.idx.add.f32.msk $0xffff, v2  }
0x91: {  	v20 =	vmul.f32 v27, v20;
	v12 =	vadd.f32 v30, v15;
	v15 =	vmul.f32 v24, v24  }
0x92: {  	v26 =	vsub.s32 $0x5F3759DF, v22;
	v8 =	vsub.f32 $1.500000000e+00, v8;
	v24 =	vmul.f32 v18, v25  }
0x93: {  	v25 =	vmul.f32 v26, v21;
	v22 =	vmul.f32 v20, v29;
	v15 =	vadd.f32 v15, v12;
	v34 =	vld [tilespmem:s30+$0xB0]  }
0x94: {  	v8 =	vmul.f32 v23, v8;
	v30 =	vsub.f32 $1.500000000e+00, v24;
	v23 =	vmul.f32 v19, v14;
	v12 =	vld [tilespmem:s26+$0xFFFFFFE0]  }
.Ltmp3:
0x95: {  	v28 =	vmul.f32 v28, v28;
	v19 =	vmul.f32 v32, v32;
	v27 =	vshrl.u32 v15, $0x1;
	v14 =	vld [tilespmem:s26+$0xFFFFFFC0];
	(pc) =	sbr.rel @p1 .LBB2_5-.Ltmp3, $4  }
0x96: {  	v29 =	vmul.f32 v22, v20;
	v31 =	vmul.f32 v23, v31;
	v24 =	vld [tilespmem:s26+$0x0]  }
0x97: {  	v33 =	vmul.f32 v26, v25;
	v25 =	vmul.f32 $5.000000000e-01, v15;
	v32 =	vadd.f32 v28, v19;
	v22 =	vld [tilespmem:s26+$0x30]  }
0x98: {  	v28 =	vsub.f32 $1.500000000e+00, v29;
	v29 =	vmul.f32 v31, v23;
	v31 =	vsub.s32 $0x5F3759DF, v27;
	v19 =	vld [tilespmem:s26+$0xFFFFFFD0]  }
0x99: {  	s30 =	sadd.s32 $0x200, s30;
	v33 =	vsub.f32 $1.500000000e+00, v33;
	v35 =	vmul.f32 v31, v25;
	v34 =	vmul.f32 v34, v34;
	v27 =	vld [tilespmem:s26+$0xFFFFFFF0]  }
0x9a: {  	v7 =	vmul.f32 v17, v7  }
0x9b: {  	v18 =	vmul.f32 v18, v30;
	v20 =	vmul.f32 v28, v20  }
0x9c: {  	v11 =	vadd.s32 v1, v11;
	v56 =	vmul.f32 v8, v13;
	v35 =	vmul.f32 v31, v35  }
0x9d: {  	v57 =	vsub.f32 $1.500000000e+00, v29;
	v61 =	vadd.s32 v1, v14;
	v47 =	vadd.f32 v34, v32  }
0x9e: {  	v26 =	vmul.f32 v26, v33;
	v7 =	vmul.f32 v7, v17;
	v35 =	vsub.f32 $1.500000000e+00, v35  }
0x9f: {  	v10 =	vmul.f32 v20, v10;
	v49 =	vmul.f32 $5.000000000e-01, v47;
	v34 =	vshrl.u32 v47, $0x1  }
0xa0: {  	v48 =	vld [tilespmem:s29+$0x10];
	v13 =	vmul.f32 v57, v23;
	v34 =	vsub.s32 $0x5F3759DF, v34;
	v46 =	vmul.f32 v31, v35  }
0xa1: {  	v60 =	vadd.s32 v1, v24;
	v21 =	vmul.f32 v26, v21;
	v50 =	vmul.f32 v34, v49  }
0xa2: {  	v7 =	vsub.f32 $1.500000000e+00, v7;
	v9 =	vmul.f32 v13, v9;
	v25 =	vmul.f32 v46, v25  }
0xa3: {  	v19 =	vadd.s32 v1, v19;
	v21 =	vmul.f32 v21, v26;
	v53 =	vmul.f32 v34, v50  }
0xa4: {  	v27 =	vadd.s32 v1, v27;
	v7 =	vmul.f32 v7, v17;
	v25 =	vmul.f32 v25, v46  }
0xa5: {  	v52 =	vadd.s32 v1, v48;
	v21 =	vsub.f32 $1.500000000e+00, v21;
	v54 =	vsub.f32 $1.500000000e+00, v53  }
0xa6: {  	[tilespmem:v60+s15+$0x0] =	vst.idx.add.f32.msk $0xffff, v9;
	v4 =	vmul.f32 v7, v4;
	v7 =	vmul.f32 v56, v8;
	v51 =	vsub.f32 $1.500000000e+00, v25  }
0xa7: {  	[tilespmem:v60+s16+$0x0] =	vst.idx.add.f32.msk $0xffff, v2;
	v21 =	vmul.f32 v21, v26;
	v55 =	vmul.f32 v34, v54  }
0xa8: {  	v16 =	vmul.f32 v18, v16;
	[tilespmem:v19+s15+$0x0] =	vst.idx.add.f32.msk $0xffff, v10;
	v17 =	vmul.f32 v51, v46  }
0xa9: {  	[tilespmem:v19+s16+$0x0] =	vst.idx.add.f32.msk $0xffff, v2;
	v7 =	vsub.f32 $1.500000000e+00, v7;
	v6 =	vmul.f32 v21, v6;
	v59 =	vmul.f32 v55, v49  }
0xaa: {  	v58 =	vmul.f32 v16, v18;
	[tilespmem:v11+s15+$0x0] =	vst.idx.add.f32.msk $0xffff, v4;
	v15 =	vmul.f32 v17, v15  }
0xab: {  	v7 =	vmul.f32 v7, v8;
	[tilespmem:v27+s15+$0x0] =	vst.idx.add.f32.msk $0xffff, v6;
	v6 =	vmul.f32 v59, v55  }
0xac: {  	[tilespmem:v52+s15+$0x0] =	vst.idx.add.f32.msk $0xffff, v15;
	v15 =	vsub.f32 $1.500000000e+00, v58  }
0xad: {  	v12 =	vadd.s32 v1, v12;
	[tilespmem:v11+s16+$0x0] =	vst.idx.add.f32.msk $0xffff, v2;
	v3 =	vmul.f32 v7, v3;
	v6 =	vsub.f32 $1.500000000e+00, v6  }
0xae: {  	v63 =	vadd.s32 v1, v22;
	[tilespmem:v27+s16+$0x0] =	vst.idx.add.f32.msk $0xffff, v2;
	v62 =	vmul.f32 v15, v18  }
0xaf: {  	[tilespmem:v61+s15+$0x0] =	vst.idx.add.f32.msk $0xffff, v3;
	v4 =	vmul.f32 v6, v55  }
0xb0: {  	p1 =	sge.u32 s25, s6;
	[tilespmem:v61+s16+$0x0] =	vst.idx.add.f32.msk $0xffff, v2;
	v5 =	vmul.f32 v62, v5  }
0xb1: {  	s25 =	sshll.u32 @!p1 s25, $0x5;
	[tilespmem:v52+s16+$0x0] =	vst.idx.add.f32.msk $0xffff, v2;
	v4 =	vmul.f32 v4, v47  }
0xb2: {  	s25 =	sor.u32 @!p1 s5, s25;
	[tilespmem:v12+s15+$0x0] =	vst.idx.add.f32.msk $0xffff, v5  }
0xb3: {  	s26 =	smul.u32 @!p1 $0xC80, s25;
	[tilespmem:v63+s15+$0x0] =	vst.idx.add.f32.msk $0xffff, v4  }
.Ltmp4:
0xb4: {  	[tilespmem:v63+s16+$0x0] =	vst.idx.add.f32.msk $0xffff, v2;
	(pc) =	sbr.rel @p0 .LBB2_10-.Ltmp4, $4  }
0xb5: {  	s28 =	simm.s32 @!p1 $0x0;
	s25 =	smul.u32 @!p1 $0x320, s25;
	s26 =	sadd.s32 @!p1 s1, s26;
	[tilespmem:v12+s16+$0x0] =	vst.idx.add.f32.msk $0xffff, v2  }
0xb6: {  	[tilespmem:s28], [sflag:$0x1] =	stream.linear.gather @!p1 [hbm4b:s26+s28], $0x6400, $0x38;
	[tilespmem:$0x18300] =	vst v63  }
0xb7: {  	s25 =	sadd.s32 @!p1 s3, s25;
	s26 =	simm.s32 @!p1 $0xC800  }
0xb8: {  	[tilespmem:s26], [sflag:$0x2] =	stream.linear.gather @!p1 [hbm4b:s25+s28], $0x1900, $0x38;
	[tilespmem:$0x18300] =	vst v63  }
0xb9: {  	_ =	swait.ge [sflag:s17], $0x6400  }
0xba: {  	[sflag:s17] =	ssyncset.done $0x0  }
0xbb: {  	[sflag:s17] =	ssyncadd.s32 $0xFFFF9C00  }
0xbc: {  	_ =	swait.ge [sflag:s18], $0x1900  }
0xbd: {  	[sflag:s18] =	ssyncset.done $0x0  }
0xbe: {  	s26 =	simm.s32 $0x64C0;
	[sflag:s18] =	ssyncadd.s32 $0xFFFFE700  }
0xbf: {  	v3 =	vld [tilespmem:s26+$0xA0]  }
0xc0: {  	v4 =	vld [tilespmem:s26+$0x20]  }
0xc1: {  	v5 =	vld [tilespmem:s26+$0xFFFFFFA0]  }
0xc2: {  	v8 =	vld [tilespmem:s26+$0x50]  }
0xc3: {  	v6 =	vld [tilespmem:s26+$0xFFFFFF50]  }
0xc4: {  	v9 =	vld [tilespmem:s26+$0xFFFFFF40]  }
0xc5: {  	v10 =	vld [tilespmem:s26+$0xFFFFFFC0]  }
0xc6: {  	v11 =	vld [tilespmem:s26+$0xFFFFFF70]  }
0xc7: {  	v12 =	vld [tilespmem:s26+$0xFFFFFFD0]  }
0xc8: {  	v13 =	vld [tilespmem:s26+$0xFFFFFFE0];
	v4 =	vmul.f32 v4, v4;
	v5 =	vmul.f32 v5, v5  }
0xc9: {  	v14 =	vld [tilespmem:s26+$0x70]  }
0xca: {  	v15 =	vld [tilespmem:s26+$0x0];
	v3 =	vmul.f32 v3, v3;
	v4 =	vadd.f32 v4, v5  }
0xcb: {  	v5 =	vld [tilespmem:s26+$0xFFFFFF60]  }
0xcc: {  	v4 =	vadd.f32 v3, v4;
	v3 =	vld [tilespmem:s26+$0xFFFFFFF0]  }
0xcd: {  	v17 =	vld [tilespmem:s26+$0xFFFFFF80];
	v11 =	vmul.f32 v11, v11;
	v13 =	vmul.f32 v13, v13  }
0xce: {  	v18 =	vld [tilespmem:s26+$0x40];
	v12 =	vmul.f32 v12, v12;
	v14 =	vmul.f32 v14, v14  }
0xcf: {  	v21 =	vld [tilespmem:s26+$0x60];
	v10 =	vmul.f32 v10, v10;
	v9 =	vmul.f32 v9, v9;
	v16 =	vshrl.u32 v4, $0x1  }
0xd0: {  	v15 =	vmul.f32 v15, v15;
	v5 =	vmul.f32 v5, v5;
	v19 =	vsub.s32 $0x5F3759DF, v16;
	v16 =	vld [tilespmem:s26+$0x80]  }
0xd1: {  	v34 =	vld [tilespmem:s26+$0xB0];
	v6 =	vmul.f32 v6, v6;
	v10 =	vadd.f32 v10, v9;
	v3 =	vmul.f32 v3, v3  }
0xd2: {  	v7 =	vmul.f32 $5.000000000e-01, v4;
	v5 =	vadd.f32 v13, v5;
	v13 =	vmul.f32 v17, v17  }
0xd3: {  	v8 =	vmul.f32 v8, v8;
	v12 =	vadd.f32 v12, v6;
	v3 =	vadd.f32 v3, v11  }
0xd4: {  	v20 =	vmul.f32 v19, v7;
	v11 =	vmul.f32 v18, v18;
	v9 =	vadd.f32 v15, v13  }
0xd5: {  	v13 =	vmul.f32 v21, v21;
	v16 =	vmul.f32 v16, v16;
	v6 =	vadd.f32 v14, v3  }
0xd6: {  	v34 =	vmul.f32 v34, v34;
	v3 =	vadd.f32 v11, v10;
	v10 =	vadd.f32 v8, v12  }
0xd7: {  	v11 =	vmul.f32 v19, v20;
	v14 =	vld [tilespmem:s26+$0x10];
	v5 =	vadd.f32 v13, v5;
	v9 =	vadd.f32 v16, v9  }
0xd8: {  	v20 =	vld [tilespmem:s26+$0xFFFFFF90];
	v12 =	vshrl.u32 v3, $0x1;
	v13 =	vmul.f32 $5.000000000e-01, v3;
	v15 =	vshrl.u32 v10, $0x1  }
0xd9: {  	v22 =	vmul.f32 $5.000000000e-01, v10;
	v16 =	vmul.f32 $5.000000000e-01, v5;
	v8 =	vshrl.u32 v9, $0x1  }
0xda: {  	v15 =	vsub.s32 $0x5F3759DF, v15;
	v25 =	vmul.f32 $5.000000000e-01, v9;
	v12 =	vsub.s32 $0x5F3759DF, v12  }
0xdb: {  	v17 =	vmul.f32 v15, v22;
	v23 =	vsub.s32 $0x5F3759DF, v8;
	v26 =	vmul.f32 v12, v13  }
0xdc: {  	v11 =	vsub.f32 $1.500000000e+00, v11;
	v8 =	vld [tilespmem:s26+$0x90];
	v21 =	vmul.f32 v23, v25;
	v14 =	vmul.f32 v14, v14  }
0xdd: {  	v24 =	vshrl.u32 v6, $0x1;
	v29 =	vmul.f32 v20, v20;
	v27 =	vmul.f32 v15, v17  }
0xde: {  	v17 =	vshrl.u32 v5, $0x1;
	v26 =	vmul.f32 v12, v26;
	v28 =	vmul.f32 v23, v21  }
0xdf: {  	v18 =	vsub.s32 $0x5F3759DF, v17;
	v17 =	vmul.f32 v19, v11;
	v21 =	vmul.f32 $5.000000000e-01, v6  }
0xe0: {  	v31 =	vld [tilespmem:s26+$0xFFFFFFB0];
	v14 =	vadd.f32 v14, v29;
	v11 =	vsub.f32 $1.500000000e+00, v27;
	v27 =	vmul.f32 v18, v16  }
0xe1: {  	v19 =	vld [tilespmem:s26+$0x30];
	v29 =	vsub.f32 $1.500000000e+00, v26;
	v26 =	vsub.s32 $0x5F3759DF, v24;
	v8 =	vmul.f32 v8, v8  }
0xe2: {  	s25 =	simm.s32 $0xE140;
	v28 =	vsub.f32 $1.500000000e+00, v28;
	v32 =	vmul.f32 v26, v21;
	v20 =	vmul.f32 v15, v11  }
0xe3: {  	v24 =	vld [tilespmem:s25+$0x0];
	v27 =	vmul.f32 v18, v27;
	v15 =	vadd.f32 v8, v14;
	v8 =	vmul.f32 v12, v29  }
0xe4: {  	v11 =	vld [tilespmem:s25+$0x20];
	v23 =	vmul.f32 v23, v28;
	v33 =	vmul.f32 v26, v32  }
0xe5: {  	v14 =	vld [tilespmem:s25+$0xFFFFFFC0];
	v22 =	vmul.f32 v20, v22;
	v30 =	vsub.f32 $1.500000000e+00, v27;
	v27 =	vmul.f32 v31, v31  }
0xe6: {  	v12 =	vld [tilespmem:s25+$0xFFFFFFE0];
	v19 =	vmul.f32 v19, v19;
	v29 =	vmul.f32 v23, v25  }
0xe7: {  	v31 =	vshrl.u32 v15, $0x1;
	v25 =	vmul.f32 $5.000000000e-01, v15;
	v28 =	vmul.f32 v22, v20;
	v22 =	vld [tilespmem:s25+$0x30]  }
0xe8: {  	v33 =	vsub.f32 $1.500000000e+00, v33;
	v32 =	vadd.f32 v19, v27;
	v19 =	vld [tilespmem:s25+$0xFFFFFFD0];
	v31 =	vsub.s32 $0x5F3759DF, v31  }
0xe9: {  	s29 =	simm.s32 $0x66C0;
	s28 =	simm.s32 $0xE140;
	s26 =	simm.s32 $0x0;
	v27 =	vld [tilespmem:s25+$0xFFFFFFF0];
	v29 =	vmul.f32 v29, v23;
	v35 =	vmul.f32 v31, v25;
	v28 =	vsub.f32 $1.500000000e+00, v28  }
.LBB2_8:
0xea: {  	v36 =	vld [tilespmem:s29+$0xA0];
	s26 =	sadd.s32 $0x8, s26;
	v37 =	vmul.f32 v8, v13;
	v14 =	vadd.s32 v1, v14;
	v30 =	vmul.f32 v18, v30;
	s25 =	sadd.s32 $0x80, s25  }
0xeb: {  	v29 =	vsub.f32 $1.500000000e+00, v29;
	v7 =	vmul.f32 v17, v7;
	v13 =	vld [tilespmem:s29+$0x50];
	p0 =	slt.u32 s26, $0x188;
	v35 =	vmul.f32 v31, v35  }
0xec: {  	v26 =	vmul.f32 v26, v33;
	v18 =	vadd.f32 v34, v32;
	v38 =	vld [tilespmem:s29+$0x40];
	v39 =	vmul.f32 v30, v16  }
0xed: {  	v16 =	vmul.f32 v29, v23;
	v7 =	vmul.f32 v7, v17;
	v32 =	vld [tilespmem:s29+$0xFFFFFF50];
	v23 =	vsub.f32 $1.500000000e+00, v35  }
0xee: {  	v33 =	vmul.f32 v26, v21;
	v21 =	vadd.s32 v1, v24;
	v24 =	vmul.f32 $5.000000000e-01, v18;
	v29 =	vld [tilespmem:s29+$0x20]  }
0xef: {  	v20 =	vmul.f32 v28, v20;
	v16 =	vmul.f32 v16, v9;
	v9 =	vshrl.u32 v18, $0x1;
	v34 =	vld [tilespmem:s29+$0xFFFFFFA0]  }
0xf0: {  	v7 =	vsub.f32 $1.500000000e+00, v7;
	v23 =	vmul.f32 v31, v23;
	v9 =	vsub.s32 $0x5F3759DF, v9;
	v28 =	vld [tilespmem:s28+$0x10];
	s28 =	smov.u32 s25  }
0xf1: {  	v10 =	vmul.f32 v20, v10;
	v20 =	vadd.s32 v1, v22;
	v33 =	vmul.f32 v33, v26;
	v31 =	vld [tilespmem:s29+$0xFFFFFF40]  }
0xf2: {  	v27 =	vadd.s32 v1, v27;
	v7 =	vmul.f32 v7, v17;
	v35 =	vmul.f32 v9, v24;
	v22 =	vld [tilespmem:s29+$0xFFFFFFC0]  }
0xf3: {  	v40 =	vadd.s32 v1, v11;
	v36 =	vmul.f32 v36, v36;
	v17 =	vld [tilespmem:s29+$0x10];
	v29 =	vmul.f32 v29, v29  }
0xf4: {  	v25 =	vmul.f32 v23, v25;
	v11 =	vld [tilespmem:s29+$0x70];
	v34 =	vmul.f32 v34, v34  }
0xf5: {  	v39 =	vmul.f32 v39, v30;
	v33 =	vsub.f32 $1.500000000e+00, v33;
	v41 =	vld [tilespmem:s29+$0xFFFFFF70];
	v28 =	vadd.s32 v1, v28  }
0xf6: {  	v25 =	vmul.f32 v25, v23;
	v42 =	vld [tilespmem:s29+$0xFFFFFFD0];
	v29 =	vadd.f32 v29, v34;
	v34 =	vmul.f32 v9, v35  }
0xf7: {  	v39 =	vsub.f32 $1.500000000e+00, v39;
	v7 =	vmul.f32 v7, v4;
	v26 =	vmul.f32 v33, v26;
	v35 =	vld [tilespmem:s29+$0xFFFFFF60]  }
0xf8: {  	v25 =	vsub.f32 $1.500000000e+00, v25;
	v33 =	vld [tilespmem:s29+$0xFFFFFFE0];
	v4 =	vadd.f32 v36, v29;
	v29 =	vmul.f32 v37, v8  }
0xf9: {  	v30 =	vmul.f32 v39, v30;
	v6 =	vmul.f32 v26, v6;
	v26 =	vsub.f32 $1.500000000e+00, v34;
	[tilespmem:v40+s15+$0x0] =	vst.idx.add.f32.msk $0xffff, v7  }
0xfa: {  	v23 =	vmul.f32 v25, v23;
	v34 =	vld [tilespmem:s29+$0xFFFFFFF0];
	v36 =	vshrl.u32 v4, $0x1;
	v7 =	vmul.f32 $5.000000000e-01, v4  }
0xfb: {  	v30 =	vmul.f32 v30, v5;
	v26 =	vmul.f32 v9, v26;
	v25 =	vld [tilespmem:s29+$0x0];
	v36 =	vsub.s32 $0x5F3759DF, v36  }
0xfc: {  	v19 =	vadd.s32 v1, v19;
	v15 =	vmul.f32 v23, v15;
	v5 =	vmul.f32 v41, v41;
	v9 =	vld [tilespmem:s29+$0x80]  }
0xfd: {  	v12 =	vadd.s32 v1, v12;
	v23 =	vmul.f32 v35, v35;
	v33 =	vmul.f32 v33, v33;
	v35 =	vld [tilespmem:s29+$0xFFFFFF80]  }
0xfe: {  	v29 =	vsub.f32 $1.500000000e+00, v29;
	v37 =	vmul.f32 v42, v42;
	v39 =	vmul.f32 v36, v7;
	[tilespmem:v28+s15+$0x0] =	vst.idx.add.f32.msk $0xffff, v15  }
0xff: {  	v15 =	vld [tilespmem:s29+$0x60];
	v23 =	vadd.f32 v33, v23;
	v33 =	vmul.f32 v34, v34;
	v34 =	vmul.f32 v11, v11  }
0x100: {  	v22 =	vmul.f32 v22, v22;
	v25 =	vmul.f32 v25, v25;
	[tilespmem:v27+s15+$0x0] =	vst.idx.add.f32.msk $0xffff, v6  }
0x101: {  	v6 =	vmul.f32 v31, v31;
	v9 =	vmul.f32 v9, v9;
	[tilespmem:v28+s16+$0x0] =	vst.idx.add.f32.msk $0xffff, v2  }
0x102: {  	v28 =	vmul.f32 v32, v32;
	v5 =	vadd.f32 v33, v5;
	v31 =	vmul.f32 v35, v35;
	v11 =	vld [tilespmem:s25+$0x20]  }
0x103: {  	v22 =	vadd.f32 v22, v6;
	[tilespmem:v19+s15+$0x0] =	vst.idx.add.f32.msk $0xffff, v10;
	v10 =	vmul.f32 v26, v24  }
0x104: {  	v24 =	vmul.f32 v38, v38;
	v25 =	vadd.f32 v25, v31;
	[tilespmem:v19+s16+$0x0] =	vst.idx.add.f32.msk $0xffff, v2  }
0x105: {  	v6 =	vadd.f32 v34, v5;
	v19 =	vadd.f32 v37, v28;
	v28 =	vld [tilespmem:s29+$0x30];
	v5 =	vmul.f32 v10, v26  }
0x106: {  	v10 =	vmul.f32 v13, v13;
	v13 =	vmul.f32 v15, v15;
	v9 =	vadd.f32 v9, v25;
	v15 =	vld [tilespmem:s29+$0xFFFFFF90]  }
0x107: {  	v22 =	vadd.f32 v24, v22;
	v25 =	vmul.f32 v36, v39;
	v24 =	vld [tilespmem:s29+$0x90];
	v31 =	vsub.f32 $1.500000000e+00, v5  }
0x108: {  	v10 =	vadd.f32 v10, v19;
	v5 =	vadd.f32 v13, v23;
	v19 =	vshrl.u32 v9, $0x1;
	[tilespmem:v27+s16+$0x0] =	vst.idx.add.f32.msk $0xffff, v2  }
0x109: {  	v8 =	vmul.f32 v29, v8;
	v23 =	vshrl.u32 v22, $0x1;
	v25 =	vsub.f32 $1.500000000e+00, v25;
	[tilespmem:v40+s16+$0x0] =	vst.idx.add.f32.msk $0xffff, v2  }
0x10a: {  	v13 =	vmul.f32 $5.000000000e-01, v22;
	v27 =	vshrl.u32 v10, $0x1;
	v26 =	vmul.f32 v31, v26;
	[tilespmem:v21+s15+$0x0] =	vst.idx.add.f32.msk $0xffff, v16  }
0x10b: {  	v29 =	vmul.f32 $5.000000000e-01, v10;
	v27 =	vsub.s32 $0x5F3759DF, v27;
	v16 =	vmul.f32 $5.000000000e-01, v5;
	[tilespmem:v21+s16+$0x0] =	vst.idx.add.f32.msk $0xffff, v2  }
0x10c: {  	v8 =	vmul.f32 v8, v3;
	v3 =	vmovc v22;
	v23 =	vsub.s32 $0x5F3759DF, v23;
	v31 =	vmul.f32 $5.000000000e-01, v9;
	v32 =	vld [tilespmem:s29+$0xFFFFFFB0]  }
0x10d: {  	v19 =	vsub.s32 $0x5F3759DF, v19;
	v21 =	vmul.f32 v27, v29;
	v18 =	vmul.f32 v26, v18;
	[tilespmem:v12+s15+$0x0] =	vst.idx.add.f32.msk $0xffff, v30  }
0x10e: {  	v22 =	vshrl.u32 v6, $0x1;
	v26 =	vmul.f32 v19, v31;
	v30 =	vmul.f32 v17, v17;
	[tilespmem:v14+s15+$0x0] =	vst.idx.add.f32.msk $0xffff, v8  }
0x10f: {  	v21 =	vmul.f32 v27, v21;
	v17 =	vshrl.u32 v5, $0x1;
	v8 =	vmul.f32 v23, v13;
	[tilespmem:v20+s15+$0x0] =	vst.idx.add.f32.msk $0xffff, v18  }
0x110: {  	v26 =	vmul.f32 v19, v26;
	v18 =	vsub.s32 $0x5F3759DF, v17;
	v17 =	vmul.f32 v36, v25;
	[tilespmem:v20+s16+$0x0] =	vst.idx.add.f32.msk $0xffff, v2  }
0x111: {  	v15 =	vmul.f32 v15, v15;
	v20 =	vsub.f32 $1.500000000e+00, v21;
	v25 =	vmul.f32 v18, v16;
	[tilespmem:v14+s16+$0x0] =	vst.idx.add.f32.msk $0xffff, v2  }
0x112: {  	v8 =	vmul.f32 v23, v8;
	v21 =	vmul.f32 $5.000000000e-01, v6;
	v14 =	vsub.f32 $1.500000000e+00, v26;
	[tilespmem:v12+s16+$0x0] =	vst.idx.add.f32.msk $0xffff, v2  }
0x113: {  	v20 =	vmul.f32 v27, v20;
	v12 =	vadd.f32 v30, v15;
	v15 =	vmul.f32 v24, v24  }
0x114: {  	v26 =	vsub.s32 $0x5F3759DF, v22;
	v8 =	vsub.f32 $1.500000000e+00, v8;
	v24 =	vmul.f32 v18, v25  }
0x115: {  	v25 =	vmul.f32 v26, v21;
	v22 =	vmul.f32 v20, v29;
	v15 =	vadd.f32 v15, v12;
	v34 =	vld [tilespmem:s29+$0xB0]  }
0x116: {  	v8 =	vmul.f32 v23, v8;
	v30 =	vsub.f32 $1.500000000e+00, v24;
	v23 =	vmul.f32 v19, v14;
	v12 =	vld [tilespmem:s25+$0xFFFFFFE0]  }
.Ltmp5:
0x117: {  	v28 =	vmul.f32 v28, v28;
	v19 =	vmul.f32 v32, v32;
	v27 =	vshrl.u32 v15, $0x1;
	v14 =	vld [tilespmem:s25+$0xFFFFFFC0];
	(pc) =	sbr.rel @p0 .LBB2_8-.Ltmp5, $4  }
0x118: {  	v29 =	vmul.f32 v22, v20;
	v31 =	vmul.f32 v23, v31;
	v24 =	vld [tilespmem:s25+$0x0]  }
0x119: {  	v33 =	vmul.f32 v26, v25;
	v25 =	vmul.f32 $5.000000000e-01, v15;
	v32 =	vadd.f32 v28, v19;
	v22 =	vld [tilespmem:s25+$0x30]  }
0x11a: {  	v28 =	vsub.f32 $1.500000000e+00, v29;
	v29 =	vmul.f32 v31, v23;
	v31 =	vsub.s32 $0x5F3759DF, v27;
	v19 =	vld [tilespmem:s25+$0xFFFFFFD0]  }
0x11b: {  	s29 =	sadd.s32 $0x200, s29;
	v33 =	vsub.f32 $1.500000000e+00, v33;
	v35 =	vmul.f32 v31, v25;
	v34 =	vmul.f32 v34, v34;
	v27 =	vld [tilespmem:s25+$0xFFFFFFF0]  }
0x11c: {  	v7 =	vmul.f32 v17, v7  }
0x11d: {  	v18 =	vmul.f32 v18, v30;
	v20 =	vmul.f32 v28, v20  }
0x11e: {  	v11 =	vadd.s32 v1, v11;
	v56 =	vmul.f32 v8, v13;
	v35 =	vmul.f32 v31, v35  }
0x11f: {  	v57 =	vsub.f32 $1.500000000e+00, v29;
	v61 =	vadd.s32 v1, v14;
	v47 =	vadd.f32 v34, v32  }
0x120: {  	v26 =	vmul.f32 v26, v33;
	v7 =	vmul.f32 v7, v17;
	v35 =	vsub.f32 $1.500000000e+00, v35  }
0x121: {  	v10 =	vmul.f32 v20, v10;
	v49 =	vmul.f32 $5.000000000e-01, v47;
	v34 =	vshrl.u32 v47, $0x1  }
0x122: {  	v48 =	vld [tilespmem:s28+$0x10];
	v13 =	vmul.f32 v57, v23;
	v34 =	vsub.s32 $0x5F3759DF, v34;
	v46 =	vmul.f32 v31, v35  }
0x123: {  	v60 =	vadd.s32 v1, v24;
	v21 =	vmul.f32 v26, v21;
	v50 =	vmul.f32 v34, v49  }
0x124: {  	v7 =	vsub.f32 $1.500000000e+00, v7;
	v9 =	vmul.f32 v13, v9;
	v25 =	vmul.f32 v46, v25  }
0x125: {  	v19 =	vadd.s32 v1, v19;
	v21 =	vmul.f32 v21, v26;
	v53 =	vmul.f32 v34, v50  }
0x126: {  	v27 =	vadd.s32 v1, v27;
	v7 =	vmul.f32 v7, v17;
	v25 =	vmul.f32 v25, v46  }
0x127: {  	v52 =	vadd.s32 v1, v48;
	v21 =	vsub.f32 $1.500000000e+00, v21;
	v54 =	vsub.f32 $1.500000000e+00, v53  }
0x128: {  	[tilespmem:v60+s15+$0x0] =	vst.idx.add.f32.msk $0xffff, v9;
	v4 =	vmul.f32 v7, v4;
	v7 =	vmul.f32 v56, v8;
	v51 =	vsub.f32 $1.500000000e+00, v25  }
0x129: {  	[tilespmem:v60+s16+$0x0] =	vst.idx.add.f32.msk $0xffff, v2;
	v21 =	vmul.f32 v21, v26;
	v55 =	vmul.f32 v34, v54  }
0x12a: {  	v16 =	vmul.f32 v18, v16;
	[tilespmem:v19+s15+$0x0] =	vst.idx.add.f32.msk $0xffff, v10;
	v17 =	vmul.f32 v51, v46  }
0x12b: {  	[tilespmem:v19+s16+$0x0] =	vst.idx.add.f32.msk $0xffff, v2;
	v7 =	vsub.f32 $1.500000000e+00, v7;
	v6 =	vmul.f32 v21, v6;
	v59 =	vmul.f32 v55, v49  }
0x12c: {  	v58 =	vmul.f32 v16, v18;
	[tilespmem:v11+s15+$0x0] =	vst.idx.add.f32.msk $0xffff, v4;
	v15 =	vmul.f32 v17, v15  }
0x12d: {  	v7 =	vmul.f32 v7, v8;
	[tilespmem:v27+s15+$0x0] =	vst.idx.add.f32.msk $0xffff, v6;
	v6 =	vmul.f32 v59, v55  }
0x12e: {  	[tilespmem:v52+s15+$0x0] =	vst.idx.add.f32.msk $0xffff, v15;
	v15 =	vsub.f32 $1.500000000e+00, v58  }
0x12f: {  	v12 =	vadd.s32 v1, v12;
	[tilespmem:v11+s16+$0x0] =	vst.idx.add.f32.msk $0xffff, v2;
	v3 =	vmul.f32 v7, v3;
	v6 =	vsub.f32 $1.500000000e+00, v6  }
0x130: {  	v63 =	vadd.s32 v1, v22;
	[tilespmem:v27+s16+$0x0] =	vst.idx.add.f32.msk $0xffff, v2;
	v62 =	vmul.f32 v15, v18  }
0x131: {  	[tilespmem:v61+s15+$0x0] =	vst.idx.add.f32.msk $0xffff, v3;
	v4 =	vmul.f32 v6, v55  }
0x132: {  	[tilespmem:v61+s16+$0x0] =	vst.idx.add.f32.msk $0xffff, v2;
	v5 =	vmul.f32 v62, v5  }
.Ltmp6:
0x133: {  	[tilespmem:v52+s16+$0x0] =	vst.idx.add.f32.msk $0xffff, v2;
	v4 =	vmul.f32 v4, v47;
	(pc) =	sbr.rel .LBB2_10-.Ltmp6, $4  }
0x134: {  	[tilespmem:v12+s15+$0x0] =	vst.idx.add.f32.msk $0xffff, v5  }
0x135: {  	[tilespmem:v63+s15+$0x0] =	vst.idx.add.f32.msk $0xffff, v4  }
0x136: {  	[tilespmem:v63+s16+$0x0] =	vst.idx.add.f32.msk $0xffff, v2  }
0x137: {  	[tilespmem:v12+s16+$0x0] =	vst.idx.add.f32.msk $0xffff, v2  }
.LBB2_11:
0x138: {  	s24 =	simm.s32 $0x0  }
0x139: {  	v3 =	vld [tilespmem:s24+$0x13A80]  }
0x13a: {  	v4 =	vld [tilespmem:s24+$0x13E81]  }
0x13b: {  	v5 =	vld [tilespmem:s24+$0xFA00]  }
0x13c: {  	v6 =	vld [tilespmem:s24+$0x14282]  }
0x13d: {  	v7 =	vld [tilespmem:s24+$0xFE01]  }
0x13e: {  	v8 =	vld [tilespmem:s24+$0x14683]  }
0x13f: {  	v3 =	vadd.f32 v4, v3;
	v4 =	vld [tilespmem:s24+$0x10202]  }
0x140: {  	v9 =	vld [tilespmem:s24+$0x14A84]  }
0x141: {  	v3 =	vadd.f32 v6, v3;
	v6 =	vld [tilespmem:s24+$0x10603]  }
0x142: {  	v10 =	vld [tilespmem:s24+$0x14E85];
	v5 =	vadd.f32 v7, v5  }
0x143: {  	v7 =	vld [tilespmem:s24+$0x10A04];
	v3 =	vadd.f32 v8, v3  }
0x144: {  	v8 =	vld [tilespmem:s24+$0x15286];
	v4 =	vadd.f32 v4, v5  }
0x145: {  	v5 =	vld [tilespmem:s24+$0x10E05];
	v3 =	vadd.f32 v9, v3  }
0x146: {  	v9 =	vld [tilespmem:s24+$0x15687];
	v4 =	vadd.f32 v6, v4  }
0x147: {  	v6 =	vld [tilespmem:s24+$0x11206];
	v3 =	vadd.f32 v10, v3  }
0x148: {  	v10 =	vld [tilespmem:s24+$0x15A88];
	v4 =	vadd.f32 v7, v4  }
0x149: {  	v7 =	vld [tilespmem:s24+$0x11607];
	v3 =	vadd.f32 v8, v3  }
0x14a: {  	v8 =	vld [tilespmem:s24+$0x15E89];
	v4 =	vadd.f32 v5, v4  }
0x14b: {  	v5 =	vld [tilespmem:s24+$0x11A08];
	v3 =	vadd.f32 v9, v3  }
0x14c: {  	v9 =	vld [tilespmem:s24+$0x1628A];
	v4 =	vadd.f32 v6, v4  }
0x14d: {  	v6 =	vld [tilespmem:s24+$0x11E09];
	v3 =	vadd.f32 v10, v3  }
0x14e: {  	v10 =	vld [tilespmem:s24+$0x1668B];
	v4 =	vadd.f32 v7, v4  }
0x14f: {  	v7 =	vld [tilespmem:s24+$0x1220A];
	v3 =	vadd.f32 v8, v3  }
0x150: {  	v8 =	vld [tilespmem:s24+$0x16A8C];
	v4 =	vadd.f32 v5, v4  }
0x151: {  	v3 =	vadd.f32 v9, v3;
	v9 =	vld [tilespmem:s24+$0x1260B]  }
0x152: {  	v11 =	vld [tilespmem:s24+$0x16E8D];
	v4 =	vadd.f32 v6, v4  }
0x153: {  	v3 =	vadd.f32 v10, v3;
	v10 =	vld [tilespmem:s24+$0x12A0C]  }
0x154: {  	v12 =	vld [tilespmem:s24+$0x1728E];
	v4 =	vadd.f32 v7, v4  }
0x155: {  	v5 =	vld [tilespmem:s24+$0x12E0D];
	v3 =	vadd.f32 v8, v3  }
0x156: {  	v6 =	vld [tilespmem:s24+$0x1768F];
	v8 =	vadd.f32 v9, v4  }
0x157: {  	v7 =	vld [tilespmem:s24+$0x1320E];
	v9 =	vadd.f32 v11, v3  }
0x158: {  	s25 =	simm.s32 $0x10;
	v4 =	vld [tilespmem:s24+$0x1360F];
	v8 =	vadd.f32 v10, v8  }
0x159: {  	s26 =	simm.s32 $0x80;
	v3 =	vld [tilespmem:s25+$0x13A80];
	v9 =	vadd.f32 v12, v9  }
.LBB2_12:
0x15a: {  	p0 =	sne.s32 s26, $0xFC0;
	v10 =	vld [tilespmem:s25+$0x13E81];
	v5 =	vadd.f32 v5, v8  }
0x15b: {  	v8 =	vld [tilespmem:s25+$0xFA00];
	v6 =	vadd.f32 v6, v9  }
0x15c: {  	v9 =	vld [tilespmem:s25+$0x14282];
	v5 =	vadd.f32 v7, v5  }
0x15d: {  	v7 =	vld [tilespmem:s25+$0xFE01];
	[tilespmem:s24+$0x17F00] =	vst v6  }
0x15e: {  	v6 =	vld [tilespmem:s25+$0x14683];
	v4 =	vadd.f32 v4, v5  }
0x15f: {  	v3 =	vadd.f32 v10, v3;
	v5 =	vld [tilespmem:s25+$0x10202]  }
0x160: {  	v10 =	vld [tilespmem:s25+$0x14A84];
	[tilespmem:s24+$0x17B00] =	vst v4;
	s24 =	smov.u32 s25  }
0x161: {  	v3 =	vadd.f32 v9, v3;
	v4 =	vld [tilespmem:s24+$0x10603]  }
0x162: {  	v7 =	vadd.f32 v7, v8;
	v8 =	vld [tilespmem:s24+$0x14E85]  }
0x163: {  	v3 =	vadd.f32 v6, v3;
	v6 =	vld [tilespmem:s24+$0x10A04]  }
0x164: {  	v5 =	vadd.f32 v5, v7;
	v7 =	vld [tilespmem:s24+$0x15286]  }
0x165: {  	v3 =	vadd.f32 v10, v3;
	v9 =	vld [tilespmem:s24+$0x10E05]  }
0x166: {  	v4 =	vadd.f32 v4, v5;
	v5 =	vld [tilespmem:s24+$0x15687]  }
0x167: {  	v3 =	vadd.f32 v8, v3;
	v8 =	vld [tilespmem:s24+$0x11206]  }
0x168: {  	v4 =	vadd.f32 v6, v4;
	v6 =	vld [tilespmem:s24+$0x15A88]  }
0x169: {  	v3 =	vadd.f32 v7, v3;
	v7 =	vld [tilespmem:s24+$0x11607]  }
0x16a: {  	v4 =	vadd.f32 v9, v4;
	v9 =	vld [tilespmem:s24+$0x15E89]  }
0x16b: {  	v3 =	vadd.f32 v5, v3;
	v5 =	vld [tilespmem:s24+$0x11A08]  }
0x16c: {  	v4 =	vadd.f32 v8, v4;
	v8 =	vld [tilespmem:s24+$0x1628A]  }
0x16d: {  	v3 =	vadd.f32 v6, v3;
	v6 =	vld [tilespmem:s24+$0x11E09]  }
0x16e: {  	v4 =	vadd.f32 v7, v4;
	v7 =	vld [tilespmem:s24+$0x1668B]  }
0x16f: {  	v3 =	vadd.f32 v9, v3;
	v9 =	vld [tilespmem:s24+$0x1220A]  }
0x170: {  	v4 =	vadd.f32 v5, v4;
	v5 =	vld [tilespmem:s24+$0x16A8C]  }
0x171: {  	v3 =	vadd.f32 v8, v3;
	v8 =	vld [tilespmem:s24+$0x1260B]  }
0x172: {  	v4 =	vadd.f32 v6, v4;
	v10 =	vld [tilespmem:s24+$0x16E8D]  }
0x173: {  	v3 =	vadd.f32 v7, v3;
	v11 =	vld [tilespmem:s24+$0x12A0C]  }
0x174: {  	v4 =	vadd.f32 v9, v4;
	v9 =	vld [tilespmem:s24+$0x1728E]  }
.Ltmp7:
0x175: {  	v3 =	vadd.f32 v5, v3;
	v5 =	vld [tilespmem:s24+$0x12E0D];
	(pc) =	sbr.rel @p0 .LBB2_12-.Ltmp7, $4  }
0x176: {  	v4 =	vadd.f32 v8, v4;
	v6 =	vld [tilespmem:s24+$0x1768F]  }
0x177: {  	v10 =	vadd.f32 v10, v3;
	v7 =	vld [tilespmem:s24+$0x1320E]  }
0x178: {  	s25 =	sshra.s32 s26, $0x2;
	v8 =	vadd.f32 v11, v4;
	v4 =	vld [tilespmem:s24+$0x1360F]  }
0x179: {  	s26 =	sadd.s32 $0x40, s26;
	v3 =	vld [tilespmem:s25+$0x13A80];
	v9 =	vadd.f32 v9, v10  }
0x17a: {  	v10 =	vld [tilespmem:s25+$0x13E81];
	v5 =	vadd.f32 v5, v8  }
0x17b: {  	v11 =	vld [tilespmem:s25+$0xFA00];
	v6 =	vadd.f32 v6, v9  }
0x17c: {  	v37 =	vld [tilespmem:s25+$0x14282];
	v5 =	vadd.f32 v7, v5  }
0x17d: {  	v38 =	vld [tilespmem:s25+$0xFE01];
	[tilespmem:s24+$0x17F00] =	vst v6  }
0x17e: {  	v6 =	vld [tilespmem:s25+$0x14683];
	v4 =	vadd.f32 v4, v5  }
0x17f: {  	v39 =	vld [tilespmem:s25+$0x10202]  }
0x180: {  	v40 =	vld [tilespmem:s25+$0x14A84];
	[tilespmem:s24+$0x17B00] =	vst v4  }
0x181: {  	v3 =	vadd.f32 v10, v3;
	v4 =	vld [tilespmem:s25+$0x10603]  }
0x182: {  	v9 =	vadd.f32 v38, v11  }
0x183: {  	v3 =	vadd.f32 v37, v3;
	v41 =	vld [tilespmem:s25+$0x10A04]  }
0x184: {  	v42 =	vld [tilespmem:s25+$0x14E85];
	v5 =	vadd.f32 v39, v9  }
0x185: {  	v43 =	vld [tilespmem:s25+$0x10E05];
	v3 =	vadd.f32 v6, v3  }
0x186: {  	v44 =	vld [tilespmem:s25+$0x15286];
	v4 =	vadd.f32 v4, v5  }
0x187: {  	v45 =	vld [tilespmem:s25+$0x11206];
	v3 =	vadd.f32 v40, v3  }
0x188: {  	v46 =	vld [tilespmem:s25+$0x15687];
	v4 =	vadd.f32 v41, v4  }
0x189: {  	v47 =	vld [tilespmem:s25+$0x11607];
	v3 =	vadd.f32 v42, v3  }
0x18a: {  	v48 =	vld [tilespmem:s25+$0x15A88];
	v4 =	vadd.f32 v43, v4  }
0x18b: {  	v49 =	vld [tilespmem:s25+$0x11A08];
	v3 =	vadd.f32 v44, v3  }
0x18c: {  	v50 =	vld [tilespmem:s25+$0x15E89];
	v4 =	vadd.f32 v45, v4  }
0x18d: {  	v51 =	vld [tilespmem:s25+$0x11E09];
	v3 =	vadd.f32 v46, v3  }
0x18e: {  	v52 =	vld [tilespmem:s25+$0x1628A];
	v4 =	vadd.f32 v47, v4  }
0x18f: {  	v53 =	vld [tilespmem:s25+$0x1220A];
	v3 =	vadd.f32 v48, v3  }
0x190: {  	v54 =	vld [tilespmem:s25+$0x1668B];
	v4 =	vadd.f32 v49, v4  }
0x191: {  	v55 =	vld [tilespmem:s25+$0x1260B];
	v3 =	vadd.f32 v50, v3  }
0x192: {  	v56 =	vld [tilespmem:s25+$0x16A8C];
	v4 =	vadd.f32 v51, v4  }
0x193: {  	v57 =	vld [tilespmem:s25+$0x12A0C];
	v3 =	vadd.f32 v52, v3  }
0x194: {  	v58 =	vld [tilespmem:s25+$0x16E8D];
	v4 =	vadd.f32 v53, v4  }
0x195: {  	v59 =	vld [tilespmem:s25+$0x12E0D];
	v3 =	vadd.f32 v54, v3  }
0x196: {  	v60 =	vld [tilespmem:s25+$0x1728E];
	v4 =	vadd.f32 v55, v4  }
0x197: {  	v61 =	vld [tilespmem:s25+$0x1320E];
	v3 =	vadd.f32 v56, v3  }
0x198: {  	v62 =	vld [tilespmem:s25+$0x1768F];
	v4 =	vadd.f32 v57, v4  }
0x199: {  	v63 =	vld [tilespmem:s25+$0x1360F];
	v3 =	vadd.f32 v58, v3  }
0x19a: {  	v4 =	vadd.f32 v59, v4  }
0x19b: {  	v3 =	vadd.f32 v60, v3  }
0x19c: {  	v4 =	vadd.f32 v61, v4  }
0x19d: {  	v3 =	vadd.f32 v62, v3  }
0x19e: {  	v4 =	vadd.f32 v63, v4  }
0x19f: {  	[tilespmem:s25+$0x17F00] =	vst v3  }
0x1a0: {  	[tilespmem:s25+$0x17B00] =	vst v4  }
0x1a1: {  	[hbm4b:s9+s19] =	stream.strided.scatter [tilespmem:s21], [sflag:$0x5], $0x400, s20, s19, $0x38;
	[tilespmem:$0x18300] =	vst v63  }
0x1a2: {  	s4 =	sadd.s32 $0x1, s4;
	_ =	swait.ge [sflag:s22], $0x400  }
0x1a3: {  	p0 =	sne.s32 s4, s11;
	[sflag:s22] =	ssyncset.done $0x0  }
.Ltmp8:
0x1a4: {  	[sflag:s22] =	ssyncadd.s32 $0xFFFFFC00;
	(pc) =	sbr.rel @p0 .LBB2_1-.Ltmp8, $4  }
0x1a5: {  	[hbm4b:s10+s19] =	stream.strided.scatter [tilespmem:s23], [sflag:$0x5], $0x400, s20, s19, $0x38;
	[tilespmem:$0x18300] =	vst v63  }
0x1a6: {  	_ =	swait.ge [sflag:s22], $0x400  }
0x1a7: {  	[sflag:s22] =	ssyncset.done $0x0  }
0x1a8: {  	[sflag:s22] =	ssyncadd.s32 $0xFFFFFC00  }
0x1a9: {  	_ =	sfence.sel $0x180000  }
0x1aa: {  	[bflag:$0x0] =	sbarrier.arrive $0xFFFF  }
0x1ab: {  	p0 =	sne.s32 s0, $0x0;
	_ =	strace $0x90000047  }
0x1ac: {  	s0 =	sadd.s32 @!p0 $0x100000, s2;
	[bflag:$0x2] =	sbarrier.arrive $0xFFFF  }
0x1ad: {  	[sflag:s0] =	ssyncadd.tile.s32 @!p0 $0x1;
	_ =	shalt  }
.Lfunc_end2:
_tile_overlayer_lowered:
.L_overlay_start_2:
0x1ae: {  	(tag) =	ssettag $0x2  }
0x1af: {  	s0 =	rddreg [dreg:$0x0];
	s2 =	stileid.u32  }
0x1b0: {  	s1 =	rddreg [dreg:$0x1];
	p0 =	sne.s32 s2, $0x0  }
0x1b1: {  	s3 =	rddreg [dreg:$0x2];
	[bflag:$0x3] =	sbarrier.arrive $0xFFFF;
	s2 =	simm.s32 @!p0 $0x1C05  }
0x1b2: {  	[timem:s3], [sflag:s2] =	dma.local @!p0 [hbm:s0], s1  }
0x1b3: {  	s0 =	simm.s32 @!p0 $0x5  }
0x1b4: {  	_ =	swait.ge @!p0 [sflag:s0], s1  }
0x1b5: {  	s1 =	ssub.s32 @!p0 $0x0, s1;
	[sflag:s0] =	ssyncset.done @!p0 $0x0  }
0x1b6: {  	[sflag:s0] =	ssyncadd.s32 @!p0 s1  }
0x1b7: {  	[bflag:$0x3] =	sbarrier.arrive $0xFFFF  }
0x1b8: {  	_ =	shalt  }

// kernel: kernel.7.cloned.1.call-start
scs
__scs_entry_jumppad:
0x0: {  	(pc) =	sbr.rel $0x88, $3  }
0x1: {  	(tag) =	ssettag $0x0;
	lr =	simm.s32 $0x1  }
0x2: {  	[smem:$0x3F9E] =	sst lr;
	_ =	strace $0xD0000000  }
0x3: {  	_ = 	snop  }
0x4: {  	_ = 	snop  }
0x5: {  	_ = 	snop  }
0x6: {  	_ = 	snop  }
0x7: {  	_ = 	snop  }
__scs_overlays_trampoline_lowered:
0x8: {  	[smem:$0x3FAD] =	sst s0  }
0x9: {  	[smem:$0x3FAE] =	sst s1  }
0xa: {  	[smem:$0x3FAF] =	sst s2  }
0xb: {  	[smem:$0x3FB0] =	sst s3  }
0xc: {  	[smem:$0x3FB1] =	sst s4  }
0xd: {  	[smem:$0x3FB2] =	sst s5  }
0xe: {  	[smem:$0x3FB3] =	sst s6  }
0xf: {  	[smem:$0x3FB4] =	sst s7  }
0x10: {  	[smem:$0x3FB5] =	sst s8  }
0x11: {  	[smem:$0x3FB6] =	sst s9;
	s0 =	simm.s32 @!p0 $0x0  }
0x12: {  	s1 =	sld [smem:$0x3F9C];
	s0 =	simm.s32 @p0 $0x1  }
0x13: {  	[smem:$0x3FB7] =	sst s0;
	s0 =	simm.s32 @!p1 $0x0  }
0x14: {  	s2 =	sld [smem:$0x3F9B];
	s0 =	simm.s32 @p1 $0x1  }
0x15: {  	[smem:$0x3FB8] =	sst s0;
	s0 =	simm.s32 @!p2 $0x0  }
0x16: {  	s3 =	sld [smem:$0x3FDB];
	s0 =	simm.s32 @p2 $0x1  }
0x17: {  	s4 =	simm.s32 $0x1BF5;
	[smem:$0x3FBA] =	sst s0  }
0x18: {  	s0 =	sld [smem:$0x3F9D];
	_ =	swait.ge [sflag:s4], $0x0  }
0x19: {  	s7 =	sld [smem:$0x3F9E]  }
0x1a: {  	s8 =	sadd.s32 $0xFFFFE003, lr  }
0x1b: {  	s9 =	sadd.s32 $0xFFFFFEF7, lr;
	s5 =	simm.s32 $0xFFFFFFFF;
	p2 =	slt.u32 s8, $0xFFFFF086  }
0x1c: {  	p1 =	slt.u32 s9, $0xF7A;
	s5 =	simm.s32 @!p2 $0x0  }
0x1d: {  	s5 =	simm.s32 @p1 $0x1;
	p0 =	seq.s32 s7, s2  }
0x1e: {  	s7 =	smul.u32 @!p0 $0xF7A, s2;
	p2 =	seq.s32 @!p0 s5, $0x0  }
0x1f: {  	s9 =	smul.u32 $0xF7A, s1;
	s8 =	simm.s32 @!p0 $0x1BF5;
	p2 =	por !p2, p0  }
0x20: {  	[sflag:s8] =	ssyncset.s32 @!p0 $0xFFFFF086;
	s6 =	sadd.s32 @!p0 s3, s7;
	s7 =	simm.s32 @!p0 $0x108  }
0x21: {  	s3 =	sadd.s32 s3, s9;
	s6 =	sadd.s32 @!p0 $0x88, s6;
	s7 =	simm.s32 @p2 $0x1082  }
0x22: {  	[simem:s7], [sflag:s8] =	dma.local @!p0 [hbm:s6], $0xF7A  }
0x23: {  	s9 =	sor.u32 $0xD0000000, s2;
	s6 =	simm.s32 $0x108;
	_ =	swait.ge @!p0 [sflag:s8], $0x0  }
0x24: {  	s3 =	sadd.s32 $0x88, s3;
	s6 =	simm.s32 @!p1 $0x1082;
	[sflag:s4] =	ssyncset.s32 $0xFFFFF086  }
0x25: {  	[simem:s6], [sflag:s4] =	dma.local [hbm:s3], $0xF7A  }
0x26: {  	[smem:$0x3F9E] =	sst s1;
	(tag) =	ssettag s2;
	_ =	strace s9  }
0x27: {  	s1 =	sld [smem:$0x3FAE]  }
0x28: {  	s2 =	sld [smem:$0x3FAF]  }
0x29: {  	s4 =	sld [smem:$0x3FB1]  }
0x2a: {  	p0 =	seq.s32 s5, $0x0;
	s5 =	sld [smem:$0x3FB2]  }
0x2b: {  	s6 =	sld [smem:$0x3FB3]  }
0x2c: {  	s7 =	sld [smem:$0x3FB4]  }
0x2d: {  	s3 =	simm.s32 $0x108;
	s8 =	sld [smem:$0x3FB5]  }
0x2e: {  	s3 =	simm.s32 @!p0 $0x1082;
	s9 =	sld [smem:$0x3FB6]  }
0x2f: {  	lr =	sadd.s32 s0, s3;
	s0 =	sld [smem:$0x3FAD]  }
0x30: {  	s3 =	sld [smem:$0x3FB0]  }
0x31: {  	[smem:$0x3FB9] =	sst s10  }
0x32: {  	s10 =	sld [smem:$0x3FB7];
	_ =	sdelay $0x3  }
0x33: {  	p0 =	seq.s32 s10, $0x1;
	s10 =	sld [smem:$0x3FB9];
	_ =	sdelay $0x3  }
0x34: {  	[smem:$0x3FB9] =	sst s10  }
0x35: {  	s10 =	sld [smem:$0x3FB8];
	_ =	sdelay $0x3  }
0x36: {  	p1 =	seq.s32 s10, $0x1;
	s10 =	sld [smem:$0x3FB9];
	_ =	sdelay $0x3  }
0x37: {  	[smem:$0x3FB9] =	sst s10  }
0x38: {  	s10 =	sld [smem:$0x3FBA]  }
0x39: {  	_ = 	snop;
	(pc) =	sbr.ind lr, $3  }
0x3a: {  	_ = 	snop  }
0x3b: {  	_ = 	snop  }
0x3c: {  	p2 =	seq.s32 s10, $0x1;
	s10 =	sld [smem:$0x3FB9]  }
0x3d: {  	_ =	shalt  }
0x3e: {  	_ =	shalt  }
0x3f: {  	_ =	shalt  }
0x40: {  	_ =	shalt  }
0x41: {  	_ =	shalt  }
0x42: {  	_ =	shalt  }
0x43: {  	_ =	shalt  }
0x44: {  	_ =	shalt  }
0x45: {  	_ =	shalt  }
0x46: {  	_ =	shalt  }
0x47: {  	_ =	shalt  }
0x48: {  	_ =	shalt  }
0x49: {  	_ =	shalt  }
0x4a: {  	_ =	shalt  }
0x4b: {  	_ =	shalt  }
0x4c: {  	_ =	shalt  }
0x4d: {  	_ =	shalt  }
0x4e: {  	_ =	shalt  }
0x4f: {  	_ =	shalt  }
0x50: {  	_ =	shalt  }
0x51: {  	_ =	shalt  }
0x52: {  	_ =	shalt  }
0x53: {  	_ =	shalt  }
0x54: {  	_ =	shalt  }
0x55: {  	_ =	shalt  }
0x56: {  	_ =	shalt  }
0x57: {  	_ =	shalt  }
0x58: {  	_ =	shalt  }
0x59: {  	_ =	shalt  }
0x5a: {  	_ =	shalt  }
0x5b: {  	_ =	shalt  }
0x5c: {  	_ =	shalt  }
0x5d: {  	_ =	shalt  }
0x5e: {  	_ =	shalt  }
0x5f: {  	_ =	shalt  }
0x60: {  	_ =	shalt  }
0x61: {  	_ =	shalt  }
0x62: {  	_ =	shalt  }
0x63: {  	_ =	shalt  }
0x64: {  	_ =	shalt  }
0x65: {  	_ =	shalt  }
0x66: {  	_ =	shalt  }
0x67: {  	_ =	shalt  }
0x68: {  	_ =	shalt  }
0x69: {  	_ =	shalt  }
0x6a: {  	_ =	shalt  }
0x6b: {  	_ =	shalt  }
0x6c: {  	_ =	shalt  }
0x6d: {  	_ =	shalt  }
0x6e: {  	_ =	shalt  }
0x6f: {  	_ =	shalt  }
0x70: {  	_ =	shalt  }
0x71: {  	_ =	shalt  }
0x72: {  	_ =	shalt  }
0x73: {  	_ =	shalt  }
0x74: {  	_ =	shalt  }
0x75: {  	_ =	shalt  }
0x76: {  	_ =	shalt  }
0x77: {  	_ =	shalt  }
0x78: {  	_ =	shalt  }
0x79: {  	_ =	shalt  }
0x7a: {  	_ =	shalt  }
0x7b: {  	_ =	shalt  }
0x7c: {  	_ =	shalt  }
0x7d: {  	_ =	shalt  }
0x7e: {  	_ =	shalt  }
0x7f: {  	_ =	shalt  }
0x80: {  	_ =	shalt  }
0x81: {  	_ =	shalt  }
0x82: {  	_ =	shalt  }
0x83: {  	_ =	shalt  }
0x84: {  	_ =	shalt  }
0x85: {  	_ =	shalt  }
0x86: {  	_ =	shalt  }
0x87: {  	_ =	shalt  }
.Lfunc_end0:
.L_simem_size_0:
called_computation.1_lowered:
.L_overlay_start_0:
0x88: {  	s2 =	sld [smem:$0x3FD9]  }
0x89: {  	s3 =	sld [smem:$0x3FFE];
	_ =	sdelay $0x1  }
0x8a: {  	s1 =	srdreg.scid  }
0x8b: {  	s0 =	sand.u32 $0x1, s1  }
0x8c: {  	s17 =	sshll.u32 s0, $0xA;
	s2 =	sadd.s32 s3, s2  }
0x8d: {  	s2 =	sadd.s32 s2, s17  }
0x8e: {  	[smem:$0x3FC5] =	sst s2  }
0x8f: {  	_ = 	snop  }
0x90: {  	s2 =	sld [smem:$0x3FC9]  }
0x91: {  	s18 =	sld [smem:$0x3FC8]  }
0x92: {  	s4 =	sld [smem:$0x3FD0];
	(tm) =	ssettm $0x1  }
0x93: {  	s5 =	sld [smem:$0x3FFB];
	_ =	sdelay $0x3  }
0x94: {  	_ =	strace s5  }
0x95: {  	s5 =	sld [smem:$0x3FFC];
	_ =	sdelay $0x3  }
0x96: {  	_ =	strace s5  }
0x97: {  	s5 =	sld [smem:$0x3FFD];
	_ =	sdelay $0x3  }
0x98: {  	_ =	strace s5  }
0x99: {  	_ =	strace $0x8FFFFFFF  }
0x9a: {  	s19 =	sld [smem:$0x3FDB];
	_ =	sdelay $0x1  }
0x9b: {  	s6 =	simm.s32 $_scs_section_size  }
0x9c: {  	s7 =	simm.s32 $_size__tile_overlayer_lowered;
	s8 =	simm.s32 $_tile_overlayer_lowered  }
0x9d: {  	s22 =	simm.s32 $0x1BFF;
	s21 =	sshll.u32 s8, $0x1;
	s5 =	sadd.s32 s6, s19  }
0x9e: {  	s9 =	simm.s32 $0x0;
	s20 =	sshll.u32 s7, $0x1;
	s7 =	sadd.s32 s21, s5  }
0x9f: {  	[timem:s9], [sflag:s22] =	dma.local [hbm:s7], s20  }
0xa0: {  	_ =	swait.ge [sflag:s22], s20  }
0xa1: {  	s6 =	ssub.s32 $0x0, s20;
	[sflag:s22] =	ssyncset.done $0x0  }
0xa2: {  	[sflag:s22] =	ssyncadd.s32 s6;
	_ =	sdelay $0x1  }
0xa3: {  	s23 =	simm.s32 $0x1B8B  }
0xa4: {  	_ =	swait.ge [sflag:s23], $0x1  }
0xa5: {  	[sflag:s23] =	ssyncset.done $0x0  }
0xa6: {  	s25 =	simm.s32 $0x1B8E;
	s24 =	sld [smem:$0x3FFE];
	[sflag:s23] =	ssyncadd.s32 $0xFFFFFFFF  }
0xa7: {  	s26 =	simm.s32 $execute0_lowered;
	[smem:$0x3FD2] =	sst s25  }
0xa8: {  	s7 =	sshll.u32 s26, $0x1;
	_ =	strace $0x80000049;
	[dreg:$0x1] =	wrdreg $0xFFFFFFFF  }
0xa9: {  	s28 =	simm.s32 $_size_execute0_lowered;
	s5 =	sadd.s32 s5, s7;
	[dreg:$0x0] =	wrdreg $0x0  }
0xaa: {  	s7 =	sshll.u32 s28, $0x1;
	[dreg:$0x2] =	wrdreg s5  }
0xab: {  	[dreg:$0x3] =	wrdreg s7  }
0xac: {  	[dreg:$0x4] =	wrdreg $0xC0  }
0xad: {  	_ =	task [dreg:s9], $0x5FFFF  }
0xae: {  	[dreg:$0x1] =	wrdreg $0xFFFFFFFF  }
0xaf: {  	[dreg:$0x0] =	wrdreg $0x60  }
0xb0: {  	[dreg:$0x2] =	wrdreg s2  }
0xb1: {  	[dreg:$0x3] =	wrdreg s18  }
0xb2: {  	[dreg:$0x4] =	wrdreg s24  }
0xb3: {  	[dreg:$0x5] =	wrdreg s4  }
0xb4: {  	[dreg:$0x6] =	wrdreg $0x9  }
0xb5: {  	_ =	task.clear_ibuf [dreg:s9], $0x7FFFF;
	_ =	strace $0x90000049  }
0xb6: {  	s29 =	simm.s32 $0x9;
	_ =	strace $0x8000004B  }
0xb7: {  	_ =	swait.ge [sflag:s29], $0x1  }
0xb8: {  	[sflag:s29] =	ssyncadd.s32 $0xFFFFFFFF  }
0xb9: {  	_ =	strace $0x9000004B  }
0xba: {  	_ =	sfence  }
0xbb: {  	s30 =	sld [smem:$0x0];
	_ =	sdelay $0x2  }
0xbc: {  	s31 =	sshll.u32 s1, $0xD;
	s1 =	sshrl.u32 s1, $0x2  }
0xbd: {  	s3 =	sand.u32 $0x4000, s31;
	s1 =	sadd.s32 s1, s30  }
0xbe: {  	s0 =	sor.u32 s3, s0;
	s1 =	sshll.u32 s1, $0x11  }
0xbf: {  	s0 =	sor.u32 s1, s0  }
0xc0: {  	s0 =	sadd.s32 $0x8F2B, s0  }
0xc1: {  	[sflag:s0] =	ssyncadd.remote.s32 $0x1  }
0xc2: {  	_ =	sfence.sel $0xFFFF  }
0xc3: {  	[dreg:$0x0] =	wrdreg $0xFFFFFFFF;
	(pc) =	sbr.abs _section_cstart, $3  }
0xc4: {  	[dreg:$0x1] =	wrdreg $0xFFFFFFFF  }
0xc5: {  	_ =	task.clear_ibuf [dreg:s9], $0x2FFFF;
	_ =	strace $0x9FFFFFFF  }
0xc6: {  	(tm) =	ssettm $0x7FFFFFFF  }
0xc7: {  	_ =	shalt  }
tec
execute0_lowered:
.L_overlay_start_1:
0x0: {  	(tag) =	ssettag $0x1  }
0x1: {  	s1 =	rddreg [dreg:$0x0]  }
0x2: {  	s2 =	rddreg [dreg:$0x1]  }
0x3: {  	s0 =	rddreg [dreg:$0x2]  }
0x4: {  	s4 =	rddreg [dreg:$0x3]  }
0x5: {  	s5 =	simm.s32 $0x0;
	s3 =	srdreg.scid;
	s9 =	stileid.u32  }
0x6: {  	s10 =	simm.s32 $0x20;
	s16 =	simm.s32 $0x9;
	s19 =	simm.s32 $0x7  }
0x7: {  	s20 =	simm.s32 $0x8;
	s21 =	simm.s32 $0x1;
	s22 =	simm.s32 $0x2  }
0x8: {  	s23 =	simm.s32 $0x10000;
	s28 =	simm.s32 $0x1B380;
	s29 =	simm.s32 $0x5  }
0x9: {  	s30 =	simm.s32 $0x6;
	s31 =	simm.s32 $0x0;
	[smem:$0x7FF] =	sst s5  }
0xa: {  	s3 =	sand.u32 $0x1, s3;
	s6 =	sshll.u32 s9, $0x1;
	s7 =	sadd.s32 $0x2C00, s0  }
0xb: {  	s24 =	sadd.s32 $0xC00, s0;
	s0 =	sadd.s32 $0x1C00, s0;
	p0 =	slt.u32 s9, $0x4  }
0xc: {  	_ =	strace $0x8000004A;
	[dreg:$0x5] =	wrdreg s7;
	s7 =	sor.u32 s3, s6  }
.Ltmp0:
0xd: {  	[dreg:$0x6] =	wrdreg s24;
	s3 =	ssub.s32 $0x2, s3;
	(pc) =	sbr.rel .LBB2_1-.Ltmp0, $4  }
0xe: {  	[dreg:$0x7] =	wrdreg s0;
	s10 =	simm.s32 @!p0 $0x1F;
	s25 =	smul.u32 $0x640, s7  }
0xf: {  	s24 =	simm.s32 $0x18180;
	s26 =	sshrl.u32 s3, $0x1;
	s8 =	smul.u32 $0x190, s7  }
0x10: {  	s0 =	ssub.s32 s3, s26;
	s26 =	simm.s32 $0x4;
	s11 =	sadd.s32 s1, s25  }
0x11: {  	s12 =	sadd.s32 s2, s8;
	s13 =	smax.u32 s0, $0x1;
	s25 =	simm.s32 $0x3  }
.LBB2_11:
0x12: {  	s31 =	sadd.s32 $0x1, s31  }
0x13: {  	_ =	swait.ge [sflag:s29], $0x3200;
	p0 =	sne.s32 s31, s13  }
.Ltmp1:
0x14: {  	[sflag:s29] =	ssyncset.done $0x0;
	(pc) =	sbr.rel @!p0 .LBB2_12-.Ltmp1, $4  }
0x15: {  	[sflag:s29] =	ssyncadd.s32 $0xFFFFCE00  }
0x16: {  	_ =	swait.ge [sflag:s30], $0x3200  }
0x17: {  	[sflag:s30] =	ssyncset.done $0x0  }
0x18: {  	[sflag:s30] =	ssyncadd.s32 $0xFFFFCE00  }
.LBB2_1:
0x19: {  	s0 =	rddreg [dreg:$0x6]  }
0x1a: {  	[tilespmem:s5], [sflag:$0x7] =	stream.linear.gather [hbm4b:s0+s5], $0x8000, $0x38;
	[tilespmem:$0x1E580] =	vst v63  }
0x1b: {  	s14 =	rddreg [dreg:$0x7];
	s3 =	simm.s32 $0x8000  }
0x1c: {  	[tilespmem:s3], [sflag:$0x8] =	stream.linear.gather [hbm4b:s14+s5], $0x8000, $0x38;
	[tilespmem:$0x1E580] =	vst v63  }
0x1d: {  	s15 =	rddreg [dreg:$0x5];
	s17 =	simm.s32 $0x10400  }
0x1e: {  	[tilespmem:s17], [sflag:$0x9] =	stream.linear.gather [hbm4b:s15+s5], $0x80, $0x38;
	[tilespmem:$0x1E580] =	vst v63  }
0x1f: {  	_ =	swait.ge [sflag:s16], $0x80  }
0x20: {  	[sflag:s16] =	ssyncset.done $0x0  }
0x21: {  	s18 =	simm.s32 $0x10480;
	[sflag:s16] =	ssyncadd.s32 $0xFFFFFF80  }
0x22: {  	v0 =	vld [tilespmem:$0x10400];
	[tilespmem:s18], [sflag:$0x1] =	stream.linear.gather [hbm4b:s11+s5], $0x3200, $0x38  }
0x23: {  	s3 =	simm.s32 $0x16880  }
0x24: {  	[tilespmem:s3], [sflag:$0x2] =	stream.linear.gather [hbm4b:s12+s5], $0xC80, $0x38;
	[tilespmem:$0x1E580] =	vst v63  }
0x25: {  	_ =	swait.ge [sflag:s19], $0x8000  }
0x26: {  	[sflag:s19] =	ssyncset.done $0x0  }
0x27: {  	[sflag:s19] =	ssyncadd.s32 $0xFFFF8000  }
0x28: {  	_ =	swait.ge [sflag:s20], $0x8000  }
0x29: {  	s6 =	sand.u32 $0x70, s5;
	s8 =	sand.u32 $0x1C00, s5;
	[sflag:s20] =	ssyncset.done $0x0  }
0x2a: {  	s0 =	sor.u32 s6, s8;
	[sflag:s20] =	ssyncadd.s32 $0xFFFF8000  }
0x2b: {  	v1 =	vld [tilespmem:s0+$0x8000]  }
0x2c: {  	v2 =	vld [tilespmem:s0+$0x8080];
	_ =	sdelay $0x1  }
0x2d: {  	v3 =	vld [tilespmem:s0+$0x8100];
	_ =	sdelay $0x1  }
0x2e: {  	v4 =	vld [tilespmem:s0+$0x8180]  }
0x2f: {  	v1 =	vadd.f32 v2, v1  }
0x30: {  	v2 =	vld [tilespmem:s0+$0x8200]  }
0x31: {  	v1 =	vadd.f32 v3, v1  }
0x32: {  	v3 =	vld [tilespmem:s0+$0x8280]  }
0x33: {  	v21 =	vld [tilespmem:s0+$0x8300];
	v1 =	vadd.f32 v4, v1  }
0x34: {  	s9 =	sor.u32 s5, s5;
	v5 =	vld [tilespmem:s0+$0x80]  }
0x35: {  	s6 =	sor.u32 $0x380, s9;
	v6 =	vld [tilespmem:s0+$0x0];
	v1 =	vadd.f32 v2, v1  }
0x36: {  	v2 =	vld [tilespmem:s6+$0x8000]  }
0x37: {  	v7 =	vld [tilespmem:s0+$0x100];
	v1 =	vadd.f32 v3, v1  }
0x38: {  	v3 =	vld [tilespmem:s0+$0xA000]  }
0x39: {  	v8 =	vld [tilespmem:s0+$0x180];
	v1 =	vadd.f32 v21, v1  }
0x3a: {  	v23 =	vld [tilespmem:s0+$0xA080];
	v22 =	vadd.f32 v5, v6  }
0x3b: {  	v24 =	vld [tilespmem:s0+$0x200];
	v1 =	vadd.f32 v2, v1  }
0x3c: {  	v25 =	vld [tilespmem:s0+$0xA100];
	v2 =	vadd.f32 v7, v22  }
0x3d: {  	v26 =	vld [tilespmem:s0+$0x280];
	v1 =	vadd.f32 v3, v1  }
0x3e: {  	v2 =	vadd.f32 v8, v2;
	v3 =	vld [tilespmem:s0+$0xA180]  }
0x3f: {  	v27 =	vld [tilespmem:s0+$0x300];
	v1 =	vadd.f32 v23, v1  }
0x40: {  	v28 =	vld [tilespmem:s0+$0xA200];
	v2 =	vadd.f32 v24, v2  }
0x41: {  	v29 =	vld [tilespmem:s6+$0x0];
	v1 =	vadd.f32 v25, v1  }
0x42: {  	v30 =	vld [tilespmem:s0+$0xA280];
	v2 =	vadd.f32 v26, v2  }
0x43: {  	v31 =	vld [tilespmem:s0+$0x2000];
	v1 =	vadd.f32 v3, v1  }
0x44: {  	v2 =	vadd.f32 v27, v2;
	v3 =	vld [tilespmem:s0+$0xA300]  }
0x45: {  	s14 =	sor.u32 $0x2380, s9;
	v32 =	vld [tilespmem:s0+$0x2080];
	v1 =	vadd.f32 v28, v1  }
0x46: {  	v33 =	vld [tilespmem:s14+$0x8000];
	v2 =	vadd.f32 v29, v2  }
0x47: {  	v34 =	vld [tilespmem:s0+$0x2100];
	v1 =	vadd.f32 v30, v1  }
0x48: {  	v35 =	vld [tilespmem:s0+$0xC000];
	v2 =	vadd.f32 v31, v2  }
0x49: {  	v36 =	vld [tilespmem:s0+$0x2180];
	v1 =	vadd.f32 v3, v1  }
0x4a: {  	v2 =	vadd.f32 v32, v2;
	v3 =	vld [tilespmem:s0+$0xC080]  }
0x4b: {  	v37 =	vld [tilespmem:s0+$0x2200];
	v1 =	vadd.f32 v33, v1  }
0x4c: {  	v38 =	vld [tilespmem:s0+$0xC100];
	v2 =	vadd.f32 v34, v2  }
0x4d: {  	v39 =	vld [tilespmem:s0+$0x2280];
	v1 =	vadd.f32 v35, v1  }
0x4e: {  	v40 =	vld [tilespmem:s0+$0xC180];
	v2 =	vadd.f32 v36, v2  }
0x4f: {  	v41 =	vld [tilespmem:s0+$0x2300];
	v1 =	vadd.f32 v3, v1  }
0x50: {  	v2 =	vadd.f32 v37, v2;
	v3 =	vld [tilespmem:s0+$0xC200]  }
0x51: {  	v42 =	vld [tilespmem:s14+$0x0];
	v1 =	vadd.f32 v38, v1  }
0x52: {  	v43 =	vld [tilespmem:s0+$0xC280];
	v2 =	vadd.f32 v39, v2  }
0x53: {  	v44 =	vld [tilespmem:s0+$0x4000];
	v1 =	vadd.f32 v40, v1  }
0x54: {  	v45 =	vld [tilespmem:s0+$0xC300];
	v2 =	vadd.f32 v41, v2  }
0x55: {  	s15 =	sor.u32 $0x4380, s9;
	v46 =	vld [tilespmem:s0+$0x4080];
	v1 =	vadd.f32 v3, v1  }
0x56: {  	v2 =	vadd.f32 v42, v2;
	v3 =	vld [tilespmem:s15+$0x8000]  }
0x57: {  	v47 =	vld [tilespmem:s0+$0x4100];
	v1 =	vadd.f32 v43, v1  }
0x58: {  	v48 =	vld [tilespmem:s0+$0xE000];
	v2 =	vadd.f32 v44, v2  }
0x59: {  	v49 =	vld [tilespmem:s0+$0x4180];
	v1 =	vadd.f32 v45, v1  }
0x5a: {  	v50 =	vld [tilespmem:s0+$0xE080];
	v2 =	vadd.f32 v46, v2  }
0x5b: {  	v51 =	vld [tilespmem:s0+$0x4200];
	v1 =	vadd.f32 v3, v1  }
0x5c: {  	v2 =	vadd.f32 v47, v2;
	v3 =	vld [tilespmem:s0+$0xE100]  }
0x5d: {  	v52 =	vld [tilespmem:s0+$0x4280];
	v1 =	vadd.f32 v48, v1  }
0x5e: {  	v53 =	vld [tilespmem:s0+$0xE180];
	v2 =	vadd.f32 v49, v2  }
0x5f: {  	v54 =	vld [tilespmem:s0+$0x4300];
	v1 =	vadd.f32 v50, v1  }
0x60: {  	v55 =	vld [tilespmem:s0+$0xE200];
	v2 =	vadd.f32 v51, v2  }
0x61: {  	v56 =	vld [tilespmem:s15+$0x0];
	v1 =	vadd.f32 v3, v1  }
0x62: {  	v2 =	vadd.f32 v52, v2;
	v3 =	vld [tilespmem:s0+$0xE280]  }
0x63: {  	v57 =	vld [tilespmem:s0+$0x6000];
	v1 =	vadd.f32 v53, v1  }
0x64: {  	v58 =	vld [tilespmem:s0+$0xE300];
	v2 =	vadd.f32 v54, v2  }
0x65: {  	s3 =	sor.u32 $0x6380, s9;
	v59 =	vld [tilespmem:s0+$0x6080];
	v1 =	vadd.f32 v55, v1  }
0x66: {  	v60 =	vld [tilespmem:s3+$0x8000];
	v2 =	vadd.f32 v56, v2  }
0x67: {  	v61 =	vld [tilespmem:s0+$0x6100];
	v1 =	vadd.f32 v3, v1  }
0x68: {  	v2 =	vadd.f32 v57, v2  }
0x69: {  	v3 =	vld [tilespmem:s0+$0x6180];
	v1 =	vadd.f32 v58, v1  }
0x6a: {  	v2 =	vadd.f32 v59, v2  }
0x6b: {  	v62 =	vld [tilespmem:s0+$0x6200];
	v1 =	vadd.f32 v60, v1  }
0x6c: {  	v2 =	vadd.f32 v61, v2  }
0x6d: {  	v63 =	vld [tilespmem:s0+$0x6280];
	v1 =	vmax.f32 v1, $1.000000000e+00  }
0x6e: {  	v2 =	vadd.f32 v3, v2;
	(erf) = vrcp.f32 v1  }
0x6f: {  	v1 =	vld [tilespmem:s0+$0x6300]  }
0x70: {  	v2 =	vadd.f32 v62, v2  }
0x71: {  	v3 =	vld [tilespmem:s3+$0x0]  }
0x72: {  	v2 =	vadd.f32 v63, v2;
	_ =	sdelay $0x1  }
0x73: {  	v1 =	vadd.f32 v1, v2;
	_ =	sdelay $0x1  }
0x74: {  	v1 =	vadd.f32 v3, v1  }
0x75: {  	v2 =	vpop (erf)  }
0x76: {  	v1 =	vmul.f32 v2, v1;
	_ =	sdelay $0x1  }
0x77: {  	v1 =	vadd.f32 $9.999999740e-06, v1;
	_ =	sdelay $0x1  }
0x78: {  	(erf) = vrcp.f32 v1;
	_ =	sdelay $0x8  }
0x79: {  	v1 =	vpop (erf)  }
0x7a: {  	s14 =	simm.s32 $0x10;
	s15 =	simm.s32 $0x80;
	v1 =	vmul.f32 v1, v0  }
0x7b: {  	s17 =	sand.u32 $0x70, s14;
	s18 =	sand.u32 $0x1C00, s15  }
0x7c: {  	s3 =	sor.u32 s17, s18;
	s17 =	simm.s32 $0x20;
	s0 =	simm.s32 $0x10000;
	[tilespmem:s23+$0x0] =	vst v1  }
.LBB2_2:
0x7d: {  	p0 =	sne.s32 s17, $0x3F0;
	v1 =	vld [tilespmem:s3+$0x8000]  }
0x7e: {  	v2 =	vld [tilespmem:s3+$0x8080];
	_ =	sdelay $0x1  }
0x7f: {  	v3 =	vld [tilespmem:s3+$0x8100];
	_ =	sdelay $0x1  }
0x80: {  	v4 =	vld [tilespmem:s3+$0x8180]  }
0x81: {  	v1 =	vadd.f32 v2, v1  }
0x82: {  	v2 =	vld [tilespmem:s3+$0x8200]  }
0x83: {  	v1 =	vadd.f32 v3, v1  }
0x84: {  	v3 =	vld [tilespmem:s3+$0x8280]  }
0x85: {  	v1 =	vadd.f32 v4, v1;
	v4 =	vld [tilespmem:s3+$0x8300]  }
0x86: {  	s18 =	sor.u32 s14, s15;
	s14 =	smov.u32 s17;
	v5 =	vld [tilespmem:s3+$0x80]  }
0x87: {  	s6 =	sor.u32 $0x380, s18;
	v6 =	vld [tilespmem:s3+$0x0];
	v1 =	vadd.f32 v2, v1  }
0x88: {  	v2 =	vld [tilespmem:s6+$0x8000]  }
0x89: {  	v7 =	vld [tilespmem:s3+$0x100];
	v1 =	vadd.f32 v3, v1  }
0x8a: {  	v3 =	vld [tilespmem:s3+$0xA000]  }
0x8b: {  	v8 =	vld [tilespmem:s3+$0x180];
	v1 =	vadd.f32 v4, v1  }
0x8c: {  	v4 =	vadd.f32 v5, v6;
	v5 =	vld [tilespmem:s3+$0xA080]  }
0x8d: {  	v6 =	vld [tilespmem:s3+$0x200];
	v1 =	vadd.f32 v2, v1  }
0x8e: {  	v2 =	vadd.f32 v7, v4;
	v4 =	vld [tilespmem:s3+$0xA100]  }
0x8f: {  	v7 =	vld [tilespmem:s3+$0x280];
	v1 =	vadd.f32 v3, v1  }
0x90: {  	v2 =	vadd.f32 v8, v2;
	v3 =	vld [tilespmem:s3+$0xA180]  }
0x91: {  	v8 =	vld [tilespmem:s3+$0x300];
	v1 =	vadd.f32 v5, v1  }
0x92: {  	v2 =	vadd.f32 v6, v2;
	v5 =	vld [tilespmem:s3+$0xA200]  }
0x93: {  	v6 =	vld [tilespmem:s6+$0x0];
	v1 =	vadd.f32 v4, v1  }
0x94: {  	v2 =	vadd.f32 v7, v2;
	v4 =	vld [tilespmem:s3+$0xA280]  }
0x95: {  	v7 =	vld [tilespmem:s3+$0x2000];
	v1 =	vadd.f32 v3, v1  }
0x96: {  	v2 =	vadd.f32 v8, v2;
	v3 =	vld [tilespmem:s3+$0xA300]  }
0x97: {  	s6 =	sor.u32 $0x2380, s18;
	v8 =	vld [tilespmem:s3+$0x2080];
	v1 =	vadd.f32 v5, v1  }
0x98: {  	v2 =	vadd.f32 v6, v2;
	v5 =	vld [tilespmem:s6+$0x8000]  }
0x99: {  	v6 =	vld [tilespmem:s3+$0x2100];
	v1 =	vadd.f32 v4, v1  }
0x9a: {  	v2 =	vadd.f32 v7, v2;
	v4 =	vld [tilespmem:s3+$0xC000]  }
0x9b: {  	v7 =	vld [tilespmem:s3+$0x2180];
	v1 =	vadd.f32 v3, v1  }
0x9c: {  	v2 =	vadd.f32 v8, v2;
	v3 =	vld [tilespmem:s3+$0xC080]  }
0x9d: {  	v8 =	vld [tilespmem:s3+$0x2200];
	v1 =	vadd.f32 v5, v1  }
0x9e: {  	v2 =	vadd.f32 v6, v2;
	v5 =	vld [tilespmem:s3+$0xC100]  }
0x9f: {  	v6 =	vld [tilespmem:s3+$0x2280];
	v1 =	vadd.f32 v4, v1  }
0xa0: {  	v2 =	vadd.f32 v7, v2;
	v4 =	vld [tilespmem:s3+$0xC180]  }
0xa1: {  	v7 =	vld [tilespmem:s3+$0x2300];
	v1 =	vadd.f32 v3, v1  }
0xa2: {  	v2 =	vadd.f32 v8, v2;
	v3 =	vld [tilespmem:s3+$0xC200]  }
0xa3: {  	v8 =	vld [tilespmem:s6+$0x0];
	v1 =	vadd.f32 v5, v1  }
0xa4: {  	v2 =	vadd.f32 v6, v2;
	v5 =	vld [tilespmem:s3+$0xC280]  }
0xa5: {  	v6 =	vld [tilespmem:s3+$0x4000];
	v1 =	vadd.f32 v4, v1  }
0xa6: {  	v2 =	vadd.f32 v7, v2;
	v4 =	vld [tilespmem:s3+$0xC300]  }
0xa7: {  	s6 =	sor.u32 $0x4380, s18;
	v7 =	vld [tilespmem:s3+$0x4080];
	v1 =	vadd.f32 v3, v1  }
0xa8: {  	v2 =	vadd.f32 v8, v2;
	v3 =	vld [tilespmem:s6+$0x8000]  }
0xa9: {  	v8 =	vld [tilespmem:s3+$0x4100];
	v1 =	vadd.f32 v5, v1  }
0xaa: {  	v2 =	vadd.f32 v6, v2;
	v5 =	vld [tilespmem:s3+$0xE000]  }
0xab: {  	v6 =	vld [tilespmem:s3+$0x4180];
	v1 =	vadd.f32 v4, v1  }
0xac: {  	v2 =	vadd.f32 v7, v2;
	v4 =	vld [tilespmem:s3+$0xE080]  }
0xad: {  	v7 =	vld [tilespmem:s3+$0x4200];
	v1 =	vadd.f32 v3, v1  }
0xae: {  	v2 =	vadd.f32 v8, v2;
	v3 =	vld [tilespmem:s3+$0xE100]  }
0xaf: {  	v8 =	vld [tilespmem:s3+$0x4280];
	v1 =	vadd.f32 v5, v1  }
0xb0: {  	v2 =	vadd.f32 v6, v2;
	v5 =	vld [tilespmem:s3+$0xE180]  }
0xb1: {  	v6 =	vld [tilespmem:s3+$0x4300];
	v1 =	vadd.f32 v4, v1  }
0xb2: {  	v2 =	vadd.f32 v7, v2;
	v4 =	vld [tilespmem:s3+$0xE200]  }
0xb3: {  	v7 =	vld [tilespmem:s6+$0x0];
	v1 =	vadd.f32 v3, v1  }
0xb4: {  	v2 =	vadd.f32 v8, v2;
	v3 =	vld [tilespmem:s3+$0xE280]  }
0xb5: {  	v8 =	vld [tilespmem:s3+$0x6000];
	v1 =	vadd.f32 v5, v1  }
0xb6: {  	v2 =	vadd.f32 v6, v2;
	v5 =	vld [tilespmem:s3+$0xE300]  }
0xb7: {  	s6 =	sor.u32 $0x6380, s18;
	v6 =	vld [tilespmem:s3+$0x6080];
	v1 =	vadd.f32 v4, v1  }
0xb8: {  	v2 =	vadd.f32 v7, v2;
	v4 =	vld [tilespmem:s6+$0x8000]  }
0xb9: {  	v7 =	vld [tilespmem:s3+$0x6100];
	v1 =	vadd.f32 v3, v1  }
0xba: {  	v2 =	vadd.f32 v8, v2  }
0xbb: {  	v3 =	vld [tilespmem:s3+$0x6180];
	v1 =	vadd.f32 v5, v1  }
0xbc: {  	v2 =	vadd.f32 v6, v2  }
0xbd: {  	v5 =	vld [tilespmem:s3+$0x6200];
	v1 =	vadd.f32 v4, v1  }
0xbe: {  	v2 =	vadd.f32 v7, v2  }
0xbf: {  	v4 =	vld [tilespmem:s3+$0x6280];
	v1 =	vmax.f32 v1, $1.000000000e+00  }
0xc0: {  	v2 =	vadd.f32 v3, v2;
	(erf) = vrcp.f32 v1  }
0xc1: {  	v1 =	vld [tilespmem:s3+$0x6300]  }
0xc2: {  	v2 =	vadd.f32 v5, v2  }
0xc3: {  	v3 =	vld [tilespmem:s6+$0x0]  }
0xc4: {  	v2 =	vadd.f32 v4, v2;
	_ =	sdelay $0x1  }
0xc5: {  	v1 =	vadd.f32 v1, v2;
	_ =	sdelay $0x1  }
0xc6: {  	v1 =	vadd.f32 v3, v1  }
0xc7: {  	v2 =	vpop (erf)  }
0xc8: {  	v1 =	vmul.f32 v2, v1;
	_ =	sdelay $0x1  }
0xc9: {  	v1 =	vadd.f32 $9.999999740e-06, v1;
	_ =	sdelay $0x1  }
0xca: {  	(erf) = vrcp.f32 v1;
	_ =	sdelay $0x7  }
.Ltmp2:
0xcb: {  	(pc) =	sbr.rel @p0 .LBB2_2-.Ltmp2, $4  }
0xcc: {  	v1 =	vpop (erf)  }
0xcd: {  	s15 =	sadd.s32 $0x80, s15;
	v1 =	vmul.f32 v1, v0  }
0xce: {  	s0 =	sadd.s32 $0x10, s0;
	s3 =	sand.u32 $0x70, s17;
	s6 =	sand.u32 $0x1C00, s15  }
0xcf: {  	s17 =	sadd.s32 $0x10, s17;
	s3 =	sor.u32 s3, s6;
	[tilespmem:s0+$0x0] =	vst v1  }
0xd0: {  	v1 =	vld [tilespmem:s3+$0x8000]  }
0xd1: {  	v2 =	vld [tilespmem:s3+$0x8080];
	_ =	sdelay $0x1  }
0xd2: {  	v3 =	vld [tilespmem:s3+$0x8100];
	_ =	sdelay $0x1  }
0xd3: {  	v4 =	vld [tilespmem:s3+$0x8180]  }
0xd4: {  	v1 =	vadd.f32 v2, v1  }
0xd5: {  	v57 =	vld [tilespmem:s3+$0x8200]  }
0xd6: {  	v1 =	vadd.f32 v3, v1  }
0xd7: {  	v58 =	vld [tilespmem:s3+$0x8280]  }
0xd8: {  	v59 =	vld [tilespmem:s3+$0x8300];
	v1 =	vadd.f32 v4, v1  }
0xd9: {  	v5 =	vld [tilespmem:s3+$0x80];
	s6 =	sor.u32 s14, s15  }
0xda: {  	v6 =	vld [tilespmem:s3+$0x0];
	s8 =	sor.u32 $0x380, s6;
	v1 =	vadd.f32 v57, v1  }
0xdb: {  	v60 =	vld [tilespmem:s8+$0x8000]  }
0xdc: {  	v7 =	vld [tilespmem:s3+$0x100];
	v1 =	vadd.f32 v58, v1  }
0xdd: {  	v61 =	vld [tilespmem:s3+$0xA000]  }
0xde: {  	v8 =	vld [tilespmem:s3+$0x180];
	v1 =	vadd.f32 v59, v1  }
0xdf: {  	v63 =	vld [tilespmem:s3+$0xA080];
	v62 =	vadd.f32 v5, v6  }
0xe0: {  	v12 =	vld [tilespmem:s3+$0x200];
	v1 =	vadd.f32 v60, v1  }
0xe1: {  	v14 =	vld [tilespmem:s3+$0xA100];
	v13 =	vadd.f32 v7, v62  }
0xe2: {  	v15 =	vld [tilespmem:s3+$0x280];
	v1 =	vadd.f32 v61, v1  }
0xe3: {  	v16 =	vld [tilespmem:s3+$0xA180];
	v2 =	vadd.f32 v8, v13  }
0xe4: {  	v17 =	vld [tilespmem:s3+$0x300];
	v1 =	vadd.f32 v63, v1  }
0xe5: {  	v18 =	vld [tilespmem:s3+$0xA200];
	v2 =	vadd.f32 v12, v2  }
0xe6: {  	v19 =	vld [tilespmem:s8+$0x0];
	v1 =	vadd.f32 v14, v1  }
0xe7: {  	v20 =	vld [tilespmem:s3+$0xA280];
	v2 =	vadd.f32 v15, v2  }
0xe8: {  	v21 =	vld [tilespmem:s3+$0x2000];
	v1 =	vadd.f32 v16, v1  }
0xe9: {  	v22 =	vld [tilespmem:s3+$0xA300];
	v2 =	vadd.f32 v17, v2  }
0xea: {  	v23 =	vld [tilespmem:s3+$0x2080];
	s17 =	sor.u32 $0x2380, s6;
	v1 =	vadd.f32 v18, v1  }
0xeb: {  	v24 =	vld [tilespmem:s17+$0x8000];
	v2 =	vadd.f32 v19, v2  }
0xec: {  	v25 =	vld [tilespmem:s3+$0x2100];
	v1 =	vadd.f32 v20, v1  }
0xed: {  	v26 =	vld [tilespmem:s3+$0xC000];
	v2 =	vadd.f32 v21, v2  }
0xee: {  	v27 =	vld [tilespmem:s3+$0x2180];
	v1 =	vadd.f32 v22, v1  }
0xef: {  	v28 =	vld [tilespmem:s3+$0xC080];
	v2 =	vadd.f32 v23, v2  }
0xf0: {  	v29 =	vld [tilespmem:s3+$0x2200];
	v1 =	vadd.f32 v24, v1  }
0xf1: {  	v30 =	vld [tilespmem:s3+$0xC100];
	v2 =	vadd.f32 v25, v2  }
0xf2: {  	v31 =	vld [tilespmem:s3+$0x2280];
	v1 =	vadd.f32 v26, v1  }
0xf3: {  	v32 =	vld [tilespmem:s3+$0xC180];
	v2 =	vadd.f32 v27, v2  }
0xf4: {  	v33 =	vld [tilespmem:s3+$0x2300];
	v1 =	vadd.f32 v28, v1  }
0xf5: {  	v34 =	vld [tilespmem:s3+$0xC200];
	v2 =	vadd.f32 v29, v2  }
0xf6: {  	v35 =	vld [tilespmem:s17+$0x0];
	v1 =	vadd.f32 v30, v1  }
0xf7: {  	v36 =	vld [tilespmem:s3+$0xC280];
	v2 =	vadd.f32 v31, v2  }
0xf8: {  	v37 =	vld [tilespmem:s3+$0x4000];
	v1 =	vadd.f32 v32, v1  }
0xf9: {  	v38 =	vld [tilespmem:s3+$0xC300];
	v2 =	vadd.f32 v33, v2  }
0xfa: {  	v39 =	vld [tilespmem:s3+$0x4080];
	s18 =	sor.u32 $0x4380, s6;
	v1 =	vadd.f32 v34, v1  }
0xfb: {  	v40 =	vld [tilespmem:s18+$0x8000];
	v2 =	vadd.f32 v35, v2  }
0xfc: {  	v41 =	vld [tilespmem:s3+$0x4100];
	v1 =	vadd.f32 v36, v1  }
0xfd: {  	v42 =	vld [tilespmem:s3+$0xE000];
	v2 =	vadd.f32 v37, v2  }
0xfe: {  	v43 =	vld [tilespmem:s3+$0x4180];
	v1 =	vadd.f32 v38, v1  }
0xff: {  	v44 =	vld [tilespmem:s3+$0xE080];
	v2 =	vadd.f32 v39, v2  }
0x100: {  	v45 =	vld [tilespmem:s3+$0x4200];
	v1 =	vadd.f32 v40, v1  }
0x101: {  	v46 =	vld [tilespmem:s3+$0xE100];
	v2 =	vadd.f32 v41, v2  }
0x102: {  	v47 =	vld [tilespmem:s3+$0x4280];
	v1 =	vadd.f32 v42, v1  }
0x103: {  	v48 =	vld [tilespmem:s3+$0xE180];
	v2 =	vadd.f32 v43, v2  }
0x104: {  	v49 =	vld [tilespmem:s3+$0x4300];
	v1 =	vadd.f32 v44, v1  }
0x105: {  	v50 =	vld [tilespmem:s3+$0xE200];
	v2 =	vadd.f32 v45, v2  }
0x106: {  	v51 =	vld [tilespmem:s18+$0x0];
	v1 =	vadd.f32 v46, v1  }
0x107: {  	v52 =	vld [tilespmem:s3+$0xE280];
	v2 =	vadd.f32 v47, v2  }
0x108: {  	v53 =	vld [tilespmem:s3+$0x6000];
	v1 =	vadd.f32 v48, v1  }
0x109: {  	v54 =	vld [tilespmem:s3+$0xE300];
	v2 =	vadd.f32 v49, v2  }
0x10a: {  	v55 =	vld [tilespmem:s3+$0x6080];
	s6 =	sor.u32 $0x6380, s6;
	v1 =	vadd.f32 v50, v1  }
0x10b: {  	v56 =	vld [tilespmem:s6+$0x8000];
	v2 =	vadd.f32 v51, v2  }
0x10c: {  	v57 =	vld [tilespmem:s3+$0x6100];
	v1 =	vadd.f32 v52, v1  }
0x10d: {  	v2 =	vadd.f32 v53, v2  }
0x10e: {  	v58 =	vld [tilespmem:s3+$0x6180];
	v1 =	vadd.f32 v54, v1  }
0x10f: {  	v2 =	vadd.f32 v55, v2  }
0x110: {  	v59 =	vld [tilespmem:s3+$0x6200];
	v1 =	vadd.f32 v56, v1  }
0x111: {  	v2 =	vadd.f32 v57, v2  }
0x112: {  	v60 =	vld [tilespmem:s3+$0x6280];
	v1 =	vmax.f32 v1, $1.000000000e+00  }
0x113: {  	v2 =	vadd.f32 v58, v2;
	(erf) = vrcp.f32 v1  }
0x114: {  	v61 =	vld [tilespmem:s3+$0x6300]  }
0x115: {  	v2 =	vadd.f32 v59, v2  }
0x116: {  	v62 =	vld [tilespmem:s6+$0x0]  }
0x117: {  	v2 =	vadd.f32 v60, v2;
	_ =	sdelay $0x1  }
0x118: {  	v1 =	vadd.f32 v61, v2;
	_ =	sdelay $0x1  }
0x119: {  	v1 =	vadd.f32 v62, v1  }
0x11a: {  	v63 =	vpop (erf)  }
0x11b: {  	v1 =	vmul.f32 v63, v1;
	_ =	sdelay $0x1  }
0x11c: {  	v1 =	vadd.f32 $9.999999740e-06, v1;
	_ =	sdelay $0x1  }
0x11d: {  	(erf) = vrcp.f32 v1;
	_ =	sdelay $0x7  }
.Ltmp3:
0x11e: {  	_ = 	snop;
	(pc) =	sbr.rel .LBB2_4-.Ltmp3, $4  }
0x11f: {  	v1 =	vpop (erf)  }
0x120: {  	v0 =	vmul.f32 v1, v0  }
0x121: {  	s0 =	sadd.s32 $0x10, s0  }
0x122: {  	[tilespmem:s0+$0x0] =	vst v0;
	s0 =	simm.s32 $0x0  }
.LBB2_10:
0x123: {  	s0 =	sadd.s32 $0x1, s0  }
0x124: {  	p0 =	sne.s32 s0, $0x10  }
.Ltmp4:
0x125: {  	_ = 	snop;
	(pc) =	sbr.rel @!p0 .LBB2_11-.Ltmp4, $1  }
0x126: {  	_ =	sdelay $0x3  }
.LBB2_4:
0x127: {  	s3 =	sshllo.u32 s0, $0x1  }
0x128: {  	p0 =	sge.u32 s3, s10  }
0x129: {  	s6 =	sshll.u32 @!p0 s3, $0x5  }
0x12a: {  	s6 =	sor.u32 @!p0 s7, s6  }
0x12b: {  	s8 =	smul.u32 @!p0 $0x640, s6  }
0x12c: {  	s9 =	simm.s32 @!p0 $0x0  }
0x12d: {  	s14 =	simm.s32 @!p0 $0x13680;
	s6 =	smul.u32 @!p0 $0x190, s6;
	s8 =	sadd.s32 @!p0 s1, s8  }
0x12e: {  	[tilespmem:s14], [sflag:$0x3] =	stream.linear.gather @!p0 [hbm4b:s8+s9], $0x3200, $0x38;
	[tilespmem:$0x1E580] =	vst v63  }
0x12f: {  	s6 =	sadd.s32 @!p0 s2, s6;
	s8 =	simm.s32 @!p0 $0x17500  }
0x130: {  	[tilespmem:s8], [sflag:$0x4] =	stream.linear.gather @!p0 [hbm4b:s6+s9], $0xC80, $0x38;
	[tilespmem:$0x1E580] =	vst v63  }
0x131: {  	_ =	swait.ge [sflag:s21], $0x3200  }
0x132: {  	[sflag:s21] =	ssyncset.done $0x0  }
0x133: {  	[sflag:s21] =	ssyncadd.s32 $0xFFFFCE00  }
0x134: {  	_ =	swait.ge [sflag:s22], $0xC80  }
0x135: {  	p1 =	seq.s32 s0, $0x0;
	[sflag:s22] =	ssyncset.done $0x0  }
0x136: {  	s6 =	simm.s32 @!p1 $0x5;
	[sflag:s22] =	ssyncadd.s32 $0xFFFFF380  }
0x137: {  	_ =	swait.ge @!p1 [sflag:s6], $0x3200  }
0x138: {  	[sflag:s6] =	ssyncset.done @!p1 $0x0  }
0x139: {  	s8 =	simm.s32 $0x168C0;
	[sflag:s6] =	ssyncadd.s32 @!p1 $0xFFFFCE00  }
0x13a: {  	v0 =	vld [tilespmem:s8+$0x30]  }
0x13b: {  	v1 =	vld [tilespmem:s8+$0xFFFFFFD0]  }
0x13c: {  	v2 =	vld [tilespmem:s8+$0xFFFFFFE0]  }
0x13d: {  	v3 =	vld [tilespmem:s8+$0xFFFFFFF0]  }
0x13e: {  	v4 =	vld [tilespmem:s8+$0x0]  }
0x13f: {  	v5 =	vld [tilespmem:s8+$0x10]  }
0x140: {  	v6 =	vld [tilespmem:s8+$0x20]  }
0x141: {  	s9 =	simm.s32 $0x10540;
	v7 =	vld [tilespmem:s8+$0xFFFFFFC0]  }
0x142: {  	v8 =	vld [tilespmem:s9+$0xFFFFFFB0]  }
0x143: {  	s17 =	simm.s32 $0x16940;
	v15 =	vld [tilespmem:s9+$0xFFFFFFA0]  }
0x144: {  	v21 =	vld [tilespmem:s17+$0xFFFFFFF0]  }
0x145: {  	v22 =	vld [tilespmem:s17+$0x0]  }
0x146: {  	v23 =	vld [tilespmem:s17+$0x10]  }
0x147: {  	v24 =	vld [tilespmem:s17+$0x20]  }
0x148: {  	v25 =	vld [tilespmem:s17+$0xFFFFFFC0]  }
0x149: {  	v0 =	vld.idx.msk [tilespmem:v0+s23+$0x0], $0xffff  }
0x14a: {  	v9 =	vld.idx.msk [tilespmem:v1+s23+$0x0], $0xffff  }
0x14b: {  	v10 =	vld.idx.msk [tilespmem:v2+s23+$0x0], $0xffff  }
0x14c: {  	v11 =	vld.idx.msk [tilespmem:v3+s23+$0x0], $0xffff  }
0x14d: {  	v12 =	vld.idx.msk [tilespmem:v4+s23+$0x0], $0xffff  }
0x14e: {  	v13 =	vld.idx.msk [tilespmem:v5+s23+$0x0], $0xffff  }
0x14f: {  	v7 =	vld.idx.msk [tilespmem:v7+s23+$0x0], $0xffff  }
0x150: {  	v6 =	vld.idx.msk [tilespmem:v6+s23+$0x0], $0xffff  }
0x151: {  	v1 =	vld [tilespmem:s9+$0xFFFFFF40]  }
0x152: {  	v2 =	vld [tilespmem:s9+$0xFFFFFF50]  }
0x153: {  	v3 =	vld [tilespmem:s9+$0xFFFFFF60]  }
0x154: {  	v5 =	vld [tilespmem:s9+$0xFFFFFF70];
	v4 =	vmul.f32 v8, v0  }
0x155: {  	s14 =	simm.s32 $0x18240;
	v8 =	vld [tilespmem:s9+$0xFFFFFF80]  }
0x156: {  	v1 =	vmul.f32 v1, v7;
	[tilespmem:s14+$0xFFFFFFB0] =	vst v4;
	v4 =	vld [tilespmem:s9+$0xFFFFFF90]  }
0x157: {  	v2 =	vmul.f32 v2, v9;
	v14 =	vld [tilespmem:s9+$0x30]  }
0x158: {  	v62 =	vld.idx.msk [tilespmem:v25+s23+$0x0], $0xffff;
	[tilespmem:s14+$0xFFFFFF40] =	vst v1;
	v1 =	vmul.f32 v3, v10  }
0x159: {  	[tilespmem:s14+$0xFFFFFF50] =	vst v2;
	v2 =	vmul.f32 v5, v11;
	v3 =	vld [tilespmem:s9+$0xFFFFFFC0]  }
0x15a: {  	v5 =	vld [tilespmem:s9+$0xFFFFFFD0];
	[tilespmem:s14+$0xFFFFFF60] =	vst v1;
	v1 =	vmul.f32 v8, v12  }
0x15b: {  	[tilespmem:s14+$0xFFFFFF70] =	vst v2;
	v8 =	vld [tilespmem:s9+$0xFFFFFFE0];
	v2 =	vmul.f32 v4, v13  }
0x15c: {  	[tilespmem:s14+$0xFFFFFF80] =	vst v1;
	v1 =	vmul.f32 v15, v6;
	v4 =	vmul.f32 v14, v0;
	v14 =	vld [tilespmem:s9+$0xFFFFFFF0]  }
0x15d: {  	v15 =	vld [tilespmem:s9+$0x0];
	[tilespmem:s14+$0xFFFFFF90] =	vst v2  }
0x15e: {  	v2 =	vmul.f32 v3, v7;
	[tilespmem:s14+$0xFFFFFFA0] =	vst v1;
	v3 =	vld [tilespmem:s9+$0x10]  }
0x15f: {  	v1 =	vmul.f32 v5, v9;
	[tilespmem:s14+$0x30] =	vst v4;
	v17 =	vld [tilespmem:s9+$0x20]  }
0x160: {  	v16 =	vld [tilespmem:s9+$0xB0];
	[tilespmem:s14+$0xFFFFFFC0] =	vst v2;
	v2 =	vmul.f32 v8, v10  }
0x161: {  	[tilespmem:s14+$0xFFFFFFD0] =	vst v1;
	v8 =	vld [tilespmem:s9+$0x40];
	v1 =	vmul.f32 v14, v11  }
0x162: {  	v14 =	vld [tilespmem:s9+$0x50];
	[tilespmem:s14+$0xFFFFFFE0] =	vst v2;
	v2 =	vmul.f32 v15, v12  }
0x163: {  	v15 =	vld [tilespmem:s9+$0x60];
	[tilespmem:s14+$0xFFFFFFF0] =	vst v1;
	v1 =	vmul.f32 v3, v13  }
0x164: {  	[tilespmem:s14+$0x0] =	vst v2;
	v2 =	vld [tilespmem:s17+$0xFFFFFFD0]  }
0x165: {  	[tilespmem:s14+$0x10] =	vst v1;
	v1 =	vld [tilespmem:s17+$0x30]  }
0x166: {  	v3 =	vld [tilespmem:s17+$0xFFFFFFE0]  }
0x167: {  	v18 =	vld [tilespmem:s9+$0x70]  }
0x168: {  	v19 =	vld [tilespmem:s9+$0x80]  }
0x169: {  	v0 =	vmul.f32 v16, v0;
	s17 =	simm.s32 $0x10740;
	v20 =	vld [tilespmem:s9+$0x90]  }
0x16a: {  	v7 =	vmul.f32 v8, v7;
	v27 =	vld [tilespmem:s17+$0xFFFFFFB0]  }
0x16b: {  	[tilespmem:s14+$0xB0] =	vst v0;
	v0 =	vld.idx.msk [tilespmem:v24+s23+$0x0], $0xffff  }
0x16c: {  	v8 =	vmul.f32 v14, v9;
	[tilespmem:s14+$0x40] =	vst v7;
	v7 =	vmul.f32 v15, v10;
	v10 =	vld [tilespmem:s17+$0xFFFFFF40]  }
0x16d: {  	v26 =	vld.idx.msk [tilespmem:v1+s23+$0x0], $0xffff  }
0x16e: {  	[tilespmem:s14+$0x50] =	vst v8;
	v8 =	vmul.f32 v18, v11;
	v11 =	vld [tilespmem:s17+$0xFFFFFF50]  }
0x16f: {  	[tilespmem:s14+$0x60] =	vst v7;
	v7 =	vmul.f32 v19, v12;
	v12 =	vld [tilespmem:s17+$0xFFFFFF60]  }
0x170: {  	v5 =	vld.idx.msk [tilespmem:v2+s23+$0x0], $0xffff  }
0x171: {  	v4 =	vld.idx.msk [tilespmem:v3+s23+$0x0], $0xffff  }
0x172: {  	v3 =	vld.idx.msk [tilespmem:v21+s23+$0x0], $0xffff;
	v61 =	vmul.f32 v27, v26  }
0x173: {  	s15 =	simm.s32 $0x18440;
	v2 =	vld.idx.msk [tilespmem:v22+s23+$0x0], $0xffff;
	[tilespmem:s14+$0x70] =	vst v8  }
0x174: {  	v8 =	vmul.f32 v20, v13;
	v13 =	vld [tilespmem:s17+$0xFFFFFF70];
	[tilespmem:s15+$0xFFFFFFB0] =	vst v61  }
0x175: {  	v9 =	vld [tilespmem:s17+$0x30]  }
0x176: {  	v17 =	vmul.f32 v17, v6;
	[tilespmem:s14+$0x80] =	vst v7;
	v7 =	vld [tilespmem:s17+$0xFFFFFF80]  }
0x177: {  	v1 =	vld.idx.msk [tilespmem:v23+s23+$0x0], $0xffff;
	[tilespmem:s14+$0x90] =	vst v8;
	v8 =	vmul.f32 v10, v62  }
0x178: {  	[tilespmem:s14+$0x20] =	vst v17;
	v10 =	vld [tilespmem:s17+$0xFFFFFF90];
	v11 =	vmul.f32 v11, v5  }
0x179: {  	v14 =	vld [tilespmem:s17+$0xFFFFFFA0];
	[tilespmem:s15+$0xFFFFFF40] =	vst v8;
	v8 =	vmul.f32 v12, v4  }
0x17a: {  	v12 =	vld [tilespmem:s17+$0xFFFFFFC0];
	[tilespmem:s15+$0xFFFFFF50] =	vst v11;
	v9 =	vmul.f32 v9, v26  }
0x17b: {  	v11 =	vmul.f32 v13, v3;
	[tilespmem:s15+$0xFFFFFF60] =	vst v8;
	v13 =	vld [tilespmem:s17+$0xFFFFFFD0]  }
0x17c: {  	v7 =	vmul.f32 v7, v2;
	v8 =	vld [tilespmem:s17+$0xFFFFFFE0];
	[tilespmem:s15+$0x30] =	vst v9  }
0x17d: {  	v10 =	vmul.f32 v10, v1;
	[tilespmem:s15+$0xFFFFFF70] =	vst v11;
	v9 =	vld [tilespmem:s17+$0xB0]  }
0x17e: {  	[tilespmem:s15+$0xFFFFFF80] =	vst v7;
	v7 =	vmul.f32 v14, v0;
	v11 =	vld [tilespmem:s17+$0xFFFFFFF0]  }
0x17f: {  	v14 =	vld [tilespmem:s17+$0x0];
	[tilespmem:s15+$0xFFFFFF90] =	vst v10;
	v10 =	vmul.f32 v12, v62  }
0x180: {  	[tilespmem:s15+$0xFFFFFFA0] =	vst v7;
	v12 =	vld [tilespmem:s17+$0x10];
	v7 =	vmul.f32 v13, v5  }
0x181: {  	[tilespmem:s15+$0xFFFFFFC0] =	vst v10;
	v13 =	vld [tilespmem:s17+$0x20];
	v8 =	vmul.f32 v8, v4  }
0x182: {  	v15 =	vld [tilespmem:s9+$0xA0];
	[tilespmem:s15+$0xFFFFFFD0] =	vst v7;
	v9 =	vmul.f32 v9, v26  }
0x183: {  	v63 =	vld [tilespmem:s17+$0x40];
	v10 =	vmul.f32 v11, v3;
	[tilespmem:s15+$0xFFFFFFE0] =	vst v8  }
0x184: {  	v11 =	vmul.f32 v14, v2;
	[tilespmem:s15+$0xB0] =	vst v9;
	v9 =	vld [tilespmem:s17+$0x50]  }
0x185: {  	v12 =	vmul.f32 v12, v1;
	v7 =	vld [tilespmem:s17+$0x60];
	[tilespmem:s15+$0xFFFFFFF0] =	vst v10  }
0x186: {  	s18 =	sshll.u32 s0, $0x1;
	[tilespmem:s15+$0x0] =	vst v11;
	v8 =	vld [tilespmem:s17+$0x70];
	v13 =	vmul.f32 v13, v0  }
0x187: {  	s18 =	sadd.s32 $0x2, s18;
	[tilespmem:s15+$0x10] =	vst v12;
	v12 =	vmul.f32 v15, v6;
	v10 =	vld [tilespmem:s17+$0x80]  }
0x188: {  	s6 =	simm.s32 $0x8;
	s8 =	simm.s32 $0x10740;
	s9 =	simm.s32 $0x169C0;
	v11 =	vmul.f32 v63, v62;
	v6 =	vld [tilespmem:s17+$0x90];
	[tilespmem:s15+$0x20] =	vst v13  }
.LBB2_5:
0x189: {  	v13 =	vld [tilespmem:s9+$0x30];
	s6 =	sadd.s32 $0x8, s6;
	v5 =	vmul.f32 v9, v5;
	[tilespmem:s14+$0xA0] =	vst v12;
	s14 =	smov.u32 s15  }
0x18a: {  	v9 =	vld [tilespmem:s9+$0xFFFFFFD0];
	p2 =	slt.u32 s6, $0xC0;
	[tilespmem:s15+$0x40] =	vst v11;
	v4 =	vmul.f32 v7, v4  }
0x18b: {  	v7 =	vld [tilespmem:s9+$0xFFFFFFE0];
	[tilespmem:s15+$0x50] =	vst v5;
	v3 =	vmul.f32 v8, v3  }
0x18c: {  	v8 =	vld [tilespmem:s9+$0xFFFFFFF0];
	[tilespmem:s15+$0x60] =	vst v4;
	v2 =	vmul.f32 v10, v2  }
0x18d: {  	v10 =	vld [tilespmem:s9+$0x0];
	[tilespmem:s15+$0x70] =	vst v3;
	v1 =	vmul.f32 v6, v1  }
0x18e: {  	v6 =	vld [tilespmem:s9+$0x10];
	[tilespmem:s15+$0x80] =	vst v2  }
0x18f: {  	v11 =	vld [tilespmem:s9+$0x20];
	[tilespmem:s15+$0x90] =	vst v1  }
0x190: {  	v12 =	vld [tilespmem:s9+$0xFFFFFFC0]  }
0x191: {  	s17 =	sadd.s32 $0x200, s17;
	v13 =	vld.idx.msk [tilespmem:v13+s23+$0x0], $0xffff  }
0x192: {  	v14 =	vld [tilespmem:s17+$0xFFFFFFB0]  }
0x193: {  	v5 =	vld.idx.msk [tilespmem:v9+s23+$0x0], $0xffff  }
0x194: {  	v4 =	vld.idx.msk [tilespmem:v7+s23+$0x0], $0xffff  }
0x195: {  	v3 =	vld.idx.msk [tilespmem:v8+s23+$0x0], $0xffff  }
0x196: {  	v2 =	vld.idx.msk [tilespmem:v10+s23+$0x0], $0xffff  }
0x197: {  	v1 =	vld.idx.msk [tilespmem:v6+s23+$0x0], $0xffff;
	v6 =	vmul.f32 v14, v13  }
0x198: {  	s15 =	sadd.s32 $0x200, s15;
	v14 =	vld.idx.msk [tilespmem:v12+s23+$0x0], $0xffff  }
0x199: {  	v11 =	vld.idx.msk [tilespmem:v11+s23+$0x0], $0xffff;
	[tilespmem:s15+$0xFFFFFFB0] =	vst v6  }
0x19a: {  	v6 =	vld [tilespmem:s17+$0x30]  }
0x19b: {  	v7 =	vld [tilespmem:s17+$0xFFFFFF40]  }
0x19c: {  	v8 =	vld [tilespmem:s17+$0xFFFFFF50]  }
0x19d: {  	v9 =	vld [tilespmem:s17+$0xFFFFFF60]  }
0x19e: {  	v10 =	vld [tilespmem:s17+$0xFFFFFF70]  }
0x19f: {  	v12 =	vld [tilespmem:s17+$0xFFFFFF80];
	v6 =	vmul.f32 v6, v13  }
0x1a0: {  	v7 =	vmul.f32 v7, v14;
	v15 =	vld [tilespmem:s17+$0xFFFFFF90]  }
0x1a1: {  	v8 =	vmul.f32 v8, v5;
	v16 =	vld [tilespmem:s17+$0xFFFFFFA0];
	[tilespmem:s15+$0x30] =	vst v6  }
0x1a2: {  	[tilespmem:s15+$0xFFFFFF40] =	vst v7;
	v6 =	vmul.f32 v9, v4;
	v7 =	vld [tilespmem:s17+$0xB0]  }
0x1a3: {  	v9 =	vld [tilespmem:s17+$0xFFFFFFC0];
	[tilespmem:s15+$0xFFFFFF50] =	vst v8;
	v8 =	vmul.f32 v10, v3  }
0x1a4: {  	v10 =	vld [tilespmem:s17+$0xFFFFFFD0];
	[tilespmem:s15+$0xFFFFFF60] =	vst v6;
	v6 =	vmul.f32 v12, v2  }
0x1a5: {  	v12 =	vld [tilespmem:s17+$0xFFFFFFE0];
	[tilespmem:s15+$0xFFFFFF70] =	vst v8;
	v8 =	vmul.f32 v15, v1  }
0x1a6: {  	v15 =	vld [tilespmem:s17+$0xFFFFFFF0];
	[tilespmem:s15+$0xFFFFFF80] =	vst v6;
	v6 =	vmul.f32 v16, v11  }
0x1a7: {  	v16 =	vld [tilespmem:s17+$0x0];
	[tilespmem:s15+$0xFFFFFF90] =	vst v8;
	v7 =	vmul.f32 v7, v13  }
0x1a8: {  	v8 =	vmul.f32 v9, v14;
	v13 =	vld [tilespmem:s17+$0x10];
	[tilespmem:s15+$0xFFFFFFA0] =	vst v6  }
0x1a9: {  	v6 =	vmul.f32 v10, v5;
	v10 =	vld [tilespmem:s17+$0x20];
	[tilespmem:s15+$0xB0] =	vst v7  }
0x1aa: {  	[tilespmem:s15+$0xFFFFFFC0] =	vst v8;
	v7 =	vmul.f32 v12, v4;
	v12 =	vld [tilespmem:s8+$0xA0];
	s8 =	smov.u32 s17  }
0x1ab: {  	v17 =	vld [tilespmem:s17+$0x40];
	[tilespmem:s15+$0xFFFFFFD0] =	vst v6;
	v6 =	vmul.f32 v15, v3  }
.Ltmp5:
0x1ac: {  	v9 =	vld [tilespmem:s17+$0x50];
	[tilespmem:s15+$0xFFFFFFE0] =	vst v7;
	v15 =	vmul.f32 v16, v2;
	(pc) =	sbr.rel @p2 .LBB2_5-.Ltmp5, $4  }
0x1ad: {  	v7 =	vld [tilespmem:s17+$0x60];
	[tilespmem:s15+$0xFFFFFFF0] =	vst v6;
	v6 =	vmul.f32 v13, v1  }
0x1ae: {  	v8 =	vld [tilespmem:s17+$0x70];
	[tilespmem:s15+$0x0] =	vst v15;
	v13 =	vmul.f32 v10, v11  }
0x1af: {  	v10 =	vld [tilespmem:s17+$0x80];
	[tilespmem:s15+$0x10] =	vst v6;
	v12 =	vmul.f32 v12, v0;
	v0 =	vmov v11  }
0x1b0: {  	s9 =	sadd.s32 $0x80, s9;
	v11 =	vmul.f32 v17, v14;
	v6 =	vld [tilespmem:s17+$0x90];
	[tilespmem:s15+$0x20] =	vst v13  }
0x1b1: {  	v5 =	vmul.f32 v9, v5;
	[tilespmem:s14+$0xA0] =	vst v12;
	v63 =	vld [tilespmem:s8+$0xA0]  }
0x1b2: {  	[tilespmem:s15+$0x40] =	vst v11;
	v4 =	vmul.f32 v7, v4  }
0x1b3: {  	[tilespmem:s15+$0x50] =	vst v5;
	v3 =	vmul.f32 v8, v3  }
0x1b4: {  	s6 =	sshll.u32 s0, $0x6;
	[tilespmem:s15+$0x60] =	vst v4;
	v2 =	vmul.f32 v10, v2  }
0x1b5: {  	p2 =	sge.u32 s18, s10;
	s6 =	sor.u32 s7, s6;
	[tilespmem:s15+$0x70] =	vst v3;
	v1 =	vmul.f32 v6, v1  }
0x1b6: {  	s8 =	sshll.u32 @!p2 s18, $0x5;
	s6 =	smul.u32 $0x640, s6;
	[tilespmem:s15+$0x80] =	vst v2;
	v0 =	vmul.f32 v63, v0  }
0x1b7: {  	s8 =	sor.u32 @!p2 s7, s8;
	[tilespmem:s15+$0x90] =	vst v1  }
0x1b8: {  	s9 =	smul.u32 @!p2 $0x640, s8;
	s6 =	sadd.s32 s4, s6;
	[tilespmem:s15+$0xA0] =	vst v0  }
0x1b9: {  	[hbm4b:s6+s5] =	stream.linear.scatter [tilespmem:s24], [sflag:$0x5], $0x3200, $0x38;
	[tilespmem:$0x1E580] =	vst v63  }
.Ltmp6:
0x1ba: {  	s14 =	simm.s32 @!p2 $0x10480;
	(pc) =	sbr.rel @p0 .LBB2_10-.Ltmp6, $4  }
0x1bb: {  	s8 =	smul.u32 @!p2 $0x190, s8;
	s6 =	sadd.s32 @!p2 s1, s9;
	s9 =	simm.s32 @!p2 $0x0  }
0x1bc: {  	[tilespmem:s14], [sflag:$0x1] =	stream.linear.gather @!p2 [hbm4b:s6+s9], $0x3200, $0x38;
	[tilespmem:$0x1E580] =	vst v63  }
0x1bd: {  	s6 =	sadd.s32 @!p2 s2, s8;
	s8 =	simm.s32 @!p2 $0x16880  }
0x1be: {  	[tilespmem:s8], [sflag:$0x2] =	stream.linear.gather @!p2 [hbm4b:s6+s9], $0xC80, $0x38;
	[tilespmem:$0x1E580] =	vst v63  }
0x1bf: {  	_ =	swait.ge [sflag:s25], $0x3200  }
0x1c0: {  	[sflag:s25] =	ssyncset.done $0x0  }
0x1c1: {  	[sflag:s25] =	ssyncadd.s32 $0xFFFFCE00  }
0x1c2: {  	_ =	swait.ge [sflag:s26], $0xC80  }
0x1c3: {  	[sflag:s26] =	ssyncset.done $0x0  }
0x1c4: {  	s6 =	simm.s32 @!p1 $0x6;
	[sflag:s26] =	ssyncadd.s32 $0xFFFFF380  }
0x1c5: {  	_ =	swait.ge @!p1 [sflag:s6], $0x3200  }
0x1c6: {  	[sflag:s6] =	ssyncset.done @!p1 $0x0  }
0x1c7: {  	s17 =	simm.s32 $0x17540;
	[sflag:s6] =	ssyncadd.s32 @!p1 $0xFFFFCE00  }
0x1c8: {  	v0 =	vld [tilespmem:s17+$0x30]  }
0x1c9: {  	v1 =	vld [tilespmem:s17+$0xFFFFFFD0]  }
0x1ca: {  	v2 =	vld [tilespmem:s17+$0xFFFFFFE0]  }
0x1cb: {  	v3 =	vld [tilespmem:s17+$0xFFFFFFF0]  }
0x1cc: {  	v4 =	vld [tilespmem:s17+$0x0]  }
0x1cd: {  	v5 =	vld [tilespmem:s17+$0x10]  }
0x1ce: {  	v6 =	vld [tilespmem:s17+$0x20]  }
0x1cf: {  	s18 =	simm.s32 $0x13740;
	v7 =	vld [tilespmem:s17+$0xFFFFFFC0]  }
0x1d0: {  	v8 =	vld [tilespmem:s18+$0xFFFFFFB0]  }
0x1d1: {  	s8 =	simm.s32 $0x175C0;
	v15 =	vld [tilespmem:s18+$0xFFFFFFA0]  }
0x1d2: {  	v21 =	vld [tilespmem:s8+$0xFFFFFFF0]  }
0x1d3: {  	v22 =	vld [tilespmem:s8+$0x0]  }
0x1d4: {  	v23 =	vld [tilespmem:s8+$0x10]  }
0x1d5: {  	v24 =	vld [tilespmem:s8+$0x20]  }
0x1d6: {  	v25 =	vld [tilespmem:s8+$0xFFFFFFC0]  }
0x1d7: {  	v0 =	vld.idx.msk [tilespmem:v0+s23+$0x0], $0xffff  }
0x1d8: {  	v9 =	vld.idx.msk [tilespmem:v1+s23+$0x0], $0xffff  }
0x1d9: {  	v10 =	vld.idx.msk [tilespmem:v2+s23+$0x0], $0xffff  }
0x1da: {  	v11 =	vld.idx.msk [tilespmem:v3+s23+$0x0], $0xffff  }
0x1db: {  	v12 =	vld.idx.msk [tilespmem:v4+s23+$0x0], $0xffff  }
0x1dc: {  	v13 =	vld.idx.msk [tilespmem:v5+s23+$0x0], $0xffff  }
0x1dd: {  	v7 =	vld.idx.msk [tilespmem:v7+s23+$0x0], $0xffff  }
0x1de: {  	v1 =	vld [tilespmem:s18+$0xFFFFFF40]  }
0x1df: {  	v2 =	vld [tilespmem:s18+$0xFFFFFF50]  }
0x1e0: {  	v3 =	vld [tilespmem:s18+$0xFFFFFF60]  }
0x1e1: {  	v5 =	vld [tilespmem:s18+$0xFFFFFF70];
	v4 =	vmul.f32 v8, v0  }
0x1e2: {  	s14 =	simm.s32 $0x1B440;
	v8 =	vld [tilespmem:s18+$0xFFFFFF80]  }
0x1e3: {  	v1 =	vmul.f32 v1, v7;
	[tilespmem:s14+$0xFFFFFFB0] =	vst v4;
	v4 =	vld [tilespmem:s18+$0xFFFFFF90]  }
0x1e4: {  	v2 =	vmul.f32 v2, v9;
	v14 =	vld [tilespmem:s18+$0x30]  }
0x1e5: {  	v6 =	vld.idx.msk [tilespmem:v6+s23+$0x0], $0xffff;
	[tilespmem:s14+$0xFFFFFF40] =	vst v1;
	v1 =	vmul.f32 v3, v10  }
0x1e6: {  	[tilespmem:s14+$0xFFFFFF50] =	vst v2;
	v2 =	vmul.f32 v5, v11;
	v3 =	vld [tilespmem:s18+$0xFFFFFFC0]  }
0x1e7: {  	s17 =	simm.s32 $0x13940;
	v5 =	vld [tilespmem:s18+$0xFFFFFFD0];
	[tilespmem:s14+$0xFFFFFF60] =	vst v1;
	v1 =	vmul.f32 v8, v12  }
0x1e8: {  	v27 =	vld [tilespmem:s17+$0xFFFFFFB0];
	[tilespmem:s14+$0xFFFFFF70] =	vst v2;
	v2 =	vmul.f32 v4, v13  }
0x1e9: {  	[tilespmem:s14+$0xFFFFFF80] =	vst v1;
	v4 =	vmul.f32 v14, v0;
	v14 =	vld [tilespmem:s18+$0xFFFFFFF0]  }
0x1ea: {  	v8 =	vld [tilespmem:s18+$0xFFFFFFE0];
	v1 =	vmul.f32 v15, v6;
	[tilespmem:s14+$0xFFFFFF90] =	vst v2  }
0x1eb: {  	v2 =	vmul.f32 v3, v7;
	v3 =	vld [tilespmem:s18+$0x10]  }
0x1ec: {  	v62 =	vld.idx.msk [tilespmem:v25+s23+$0x0], $0xffff;
	[tilespmem:s14+$0xFFFFFFA0] =	vst v1;
	v1 =	vmul.f32 v5, v9  }
0x1ed: {  	v15 =	vld [tilespmem:s18+$0x0];
	[tilespmem:s14+$0x30] =	vst v4  }
0x1ee: {  	v17 =	vld [tilespmem:s18+$0x20];
	[tilespmem:s14+$0xFFFFFFD0] =	vst v1;
	v1 =	vmul.f32 v14, v11  }
0x1ef: {  	v16 =	vld [tilespmem:s18+$0xB0];
	[tilespmem:s14+$0xFFFFFFC0] =	vst v2;
	v2 =	vmul.f32 v8, v10  }
0x1f0: {  	v8 =	vld [tilespmem:s18+$0x40];
	[tilespmem:s14+$0xFFFFFFF0] =	vst v1;
	v1 =	vmul.f32 v3, v13  }
0x1f1: {  	v14 =	vld [tilespmem:s18+$0x50];
	[tilespmem:s14+$0xFFFFFFE0] =	vst v2  }
0x1f2: {  	v2 =	vmul.f32 v15, v12;
	[tilespmem:s14+$0x10] =	vst v1;
	v1 =	vld [tilespmem:s8+$0x30]  }
0x1f3: {  	v15 =	vld [tilespmem:s18+$0x60]  }
0x1f4: {  	[tilespmem:s14+$0x0] =	vst v2;
	v2 =	vld [tilespmem:s8+$0xFFFFFFD0]  }
0x1f5: {  	v3 =	vld [tilespmem:s8+$0xFFFFFFE0]  }
0x1f6: {  	v18 =	vld [tilespmem:s18+$0x70]  }
0x1f7: {  	v19 =	vld [tilespmem:s18+$0x80];
	v0 =	vmul.f32 v16, v0  }
0x1f8: {  	v20 =	vld [tilespmem:s18+$0x90]  }
0x1f9: {  	v7 =	vmul.f32 v8, v7;
	[tilespmem:s14+$0xB0] =	vst v0;
	v0 =	vld.idx.msk [tilespmem:v24+s23+$0x0], $0xffff  }
0x1fa: {  	v8 =	vmul.f32 v14, v9;
	v26 =	vld.idx.msk [tilespmem:v1+s23+$0x0], $0xffff  }
0x1fb: {  	[tilespmem:s14+$0x40] =	vst v7;
	v7 =	vmul.f32 v15, v10;
	v10 =	vld [tilespmem:s17+$0xFFFFFF40]  }
0x1fc: {  	[tilespmem:s14+$0x50] =	vst v8;
	v8 =	vmul.f32 v18, v11;
	v11 =	vld [tilespmem:s17+$0xFFFFFF50]  }
0x1fd: {  	[tilespmem:s14+$0x60] =	vst v7;
	v7 =	vmul.f32 v19, v12;
	v12 =	vld [tilespmem:s17+$0xFFFFFF60]  }
0x1fe: {  	v5 =	vld.idx.msk [tilespmem:v2+s23+$0x0], $0xffff  }
0x1ff: {  	v4 =	vld.idx.msk [tilespmem:v3+s23+$0x0], $0xffff;
	v61 =	vmul.f32 v27, v26  }
0x200: {  	s15 =	simm.s32 $0x1B640;
	v3 =	vld.idx.msk [tilespmem:v21+s23+$0x0], $0xffff  }
0x201: {  	v2 =	vld.idx.msk [tilespmem:v22+s23+$0x0], $0xffff;
	[tilespmem:s15+$0xFFFFFFB0] =	vst v61  }
0x202: {  	v9 =	vld [tilespmem:s17+$0x30]  }
0x203: {  	[tilespmem:s14+$0x70] =	vst v8;
	v8 =	vmul.f32 v20, v13;
	v13 =	vld [tilespmem:s17+$0xFFFFFF70]  }
0x204: {  	v17 =	vmul.f32 v17, v6;
	[tilespmem:s14+$0x80] =	vst v7;
	v7 =	vld [tilespmem:s17+$0xFFFFFF80]  }
0x205: {  	v1 =	vld.idx.msk [tilespmem:v23+s23+$0x0], $0xffff;
	[tilespmem:s14+$0x90] =	vst v8;
	v8 =	vmul.f32 v10, v62  }
0x206: {  	[tilespmem:s14+$0x20] =	vst v17;
	v10 =	vld [tilespmem:s17+$0xFFFFFF90];
	v11 =	vmul.f32 v11, v5  }
0x207: {  	v14 =	vld [tilespmem:s17+$0xFFFFFFA0];
	[tilespmem:s15+$0xFFFFFF40] =	vst v8;
	v9 =	vmul.f32 v9, v26  }
0x208: {  	v8 =	vmul.f32 v12, v4;
	v12 =	vld [tilespmem:s17+$0xFFFFFFC0];
	[tilespmem:s15+$0xFFFFFF50] =	vst v11  }
0x209: {  	v11 =	vmul.f32 v13, v3;
	v13 =	vld [tilespmem:s17+$0xFFFFFFD0];
	[tilespmem:s15+$0x30] =	vst v9  }
0x20a: {  	v7 =	vmul.f32 v7, v2;
	[tilespmem:s15+$0xFFFFFF60] =	vst v8;
	v9 =	vld [tilespmem:s17+$0xB0]  }
0x20b: {  	v10 =	vmul.f32 v10, v1;
	v8 =	vld [tilespmem:s17+$0xFFFFFFE0];
	[tilespmem:s15+$0xFFFFFF70] =	vst v11  }
0x20c: {  	[tilespmem:s15+$0xFFFFFF80] =	vst v7;
	v7 =	vmul.f32 v14, v0;
	v11 =	vld [tilespmem:s17+$0xFFFFFFF0]  }
0x20d: {  	v14 =	vld [tilespmem:s17+$0x0];
	[tilespmem:s15+$0xFFFFFF90] =	vst v10;
	v10 =	vmul.f32 v12, v62  }
0x20e: {  	[tilespmem:s15+$0xFFFFFFA0] =	vst v7;
	v12 =	vld [tilespmem:s17+$0x10];
	v7 =	vmul.f32 v13, v5  }
0x20f: {  	[tilespmem:s15+$0xFFFFFFC0] =	vst v10;
	v13 =	vld [tilespmem:s17+$0x20];
	v9 =	vmul.f32 v9, v26  }
0x210: {  	v15 =	vld [tilespmem:s18+$0xA0];
	v8 =	vmul.f32 v8, v4;
	[tilespmem:s15+$0xFFFFFFD0] =	vst v7  }
0x211: {  	v63 =	vld [tilespmem:s17+$0x40];
	[tilespmem:s15+$0xB0] =	vst v9;
	v9 =	vmul.f32 v11, v3  }
0x212: {  	[tilespmem:s15+$0xFFFFFFE0] =	vst v8;
	v10 =	vld [tilespmem:s17+$0x50];
	v11 =	vmul.f32 v14, v2  }
0x213: {  	v12 =	vmul.f32 v12, v1;
	v7 =	vld [tilespmem:s17+$0x60];
	[tilespmem:s15+$0xFFFFFFF0] =	vst v9  }
0x214: {  	v13 =	vmul.f32 v13, v0;
	[tilespmem:s15+$0x0] =	vst v11;
	v8 =	vld [tilespmem:s17+$0x70]  }
0x215: {  	[tilespmem:s15+$0x10] =	vst v12;
	v12 =	vmul.f32 v15, v6;
	v9 =	vld [tilespmem:s17+$0x80]  }
0x216: {  	s9 =	simm.s32 $0x17640;
	s6 =	simm.s32 $0x8;
	s8 =	simm.s32 $0x13940;
	v6 =	vld [tilespmem:s17+$0x90];
	[tilespmem:s15+$0x20] =	vst v13;
	v11 =	vmul.f32 v63, v62  }
.LBB2_8:
0x217: {  	v13 =	vld [tilespmem:s9+$0x30];
	s6 =	sadd.s32 $0x8, s6;
	v5 =	vmul.f32 v10, v5;
	[tilespmem:s14+$0xA0] =	vst v12;
	s14 =	smov.u32 s15  }
0x218: {  	v10 =	vld [tilespmem:s9+$0xFFFFFFD0];
	p0 =	slt.u32 s6, $0xC0;
	[tilespmem:s15+$0x40] =	vst v11;
	v4 =	vmul.f32 v7, v4  }
0x219: {  	v7 =	vld [tilespmem:s9+$0xFFFFFFE0];
	[tilespmem:s15+$0x50] =	vst v5;
	v3 =	vmul.f32 v8, v3  }
0x21a: {  	v8 =	vld [tilespmem:s9+$0xFFFFFFF0];
	[tilespmem:s15+$0x60] =	vst v4;
	v2 =	vmul.f32 v9, v2  }
0x21b: {  	v9 =	vld [tilespmem:s9+$0x0];
	[tilespmem:s15+$0x70] =	vst v3;
	v1 =	vmul.f32 v6, v1  }
0x21c: {  	v6 =	vld [tilespmem:s9+$0x10];
	[tilespmem:s15+$0x80] =	vst v2  }
0x21d: {  	v11 =	vld [tilespmem:s9+$0x20];
	[tilespmem:s15+$0x90] =	vst v1  }
0x21e: {  	v12 =	vld [tilespmem:s9+$0xFFFFFFC0]  }
0x21f: {  	s17 =	sadd.s32 $0x200, s17;
	v13 =	vld.idx.msk [tilespmem:v13+s23+$0x0], $0xffff  }
0x220: {  	v14 =	vld [tilespmem:s17+$0xFFFFFFB0]  }
0x221: {  	v5 =	vld.idx.msk [tilespmem:v10+s23+$0x0], $0xffff  }
0x222: {  	v4 =	vld.idx.msk [tilespmem:v7+s23+$0x0], $0xffff  }
0x223: {  	v3 =	vld.idx.msk [tilespmem:v8+s23+$0x0], $0xffff  }
0x224: {  	v2 =	vld.idx.msk [tilespmem:v9+s23+$0x0], $0xffff  }
0x225: {  	v1 =	vld.idx.msk [tilespmem:v6+s23+$0x0], $0xffff;
	v6 =	vmul.f32 v14, v13  }
0x226: {  	s15 =	sadd.s32 $0x200, s15;
	v14 =	vld.idx.msk [tilespmem:v12+s23+$0x0], $0xffff  }
0x227: {  	v11 =	vld.idx.msk [tilespmem:v11+s23+$0x0], $0xffff;
	[tilespmem:s15+$0xFFFFFFB0] =	vst v6  }
0x228: {  	v6 =	vld [tilespmem:s17+$0x30]  }
0x229: {  	v7 =	vld [tilespmem:s17+$0xFFFFFF40]  }
0x22a: {  	v8 =	vld [tilespmem:s17+$0xFFFFFF50]  }
0x22b: {  	v9 =	vld [tilespmem:s17+$0xFFFFFF60]  }
0x22c: {  	v10 =	vld [tilespmem:s17+$0xFFFFFF70]  }
0x22d: {  	v12 =	vld [tilespmem:s17+$0xFFFFFF80];
	v6 =	vmul.f32 v6, v13  }
0x22e: {  	v7 =	vmul.f32 v7, v14;
	v15 =	vld [tilespmem:s17+$0xFFFFFF90]  }
0x22f: {  	v8 =	vmul.f32 v8, v5;
	v16 =	vld [tilespmem:s17+$0xFFFFFFA0];
	[tilespmem:s15+$0x30] =	vst v6  }
0x230: {  	[tilespmem:s15+$0xFFFFFF40] =	vst v7;
	v6 =	vmul.f32 v9, v4;
	v7 =	vld [tilespmem:s17+$0xB0]  }
0x231: {  	v9 =	vld [tilespmem:s17+$0xFFFFFFC0];
	[tilespmem:s15+$0xFFFFFF50] =	vst v8;
	v8 =	vmul.f32 v10, v3  }
0x232: {  	v10 =	vld [tilespmem:s17+$0xFFFFFFD0];
	[tilespmem:s15+$0xFFFFFF60] =	vst v6;
	v6 =	vmul.f32 v12, v2  }
0x233: {  	v12 =	vld [tilespmem:s17+$0xFFFFFFE0];
	[tilespmem:s15+$0xFFFFFF70] =	vst v8;
	v8 =	vmul.f32 v15, v1  }
0x234: {  	v15 =	vld [tilespmem:s17+$0xFFFFFFF0];
	[tilespmem:s15+$0xFFFFFF80] =	vst v6;
	v6 =	vmul.f32 v16, v11  }
0x235: {  	v16 =	vld [tilespmem:s17+$0x0];
	[tilespmem:s15+$0xFFFFFF90] =	vst v8;
	v7 =	vmul.f32 v7, v13  }
0x236: {  	v8 =	vmul.f32 v9, v14;
	v9 =	vld [tilespmem:s17+$0x10];
	[tilespmem:s15+$0xFFFFFFA0] =	vst v6  }
0x237: {  	v6 =	vmul.f32 v10, v5;
	v13 =	vld [tilespmem:s17+$0x20];
	[tilespmem:s15+$0xB0] =	vst v7  }
0x238: {  	[tilespmem:s15+$0xFFFFFFC0] =	vst v8;
	v7 =	vmul.f32 v12, v4;
	v12 =	vld [tilespmem:s8+$0xA0];
	s8 =	smov.u32 s17  }
0x239: {  	v17 =	vld [tilespmem:s17+$0x40];
	[tilespmem:s15+$0xFFFFFFD0] =	vst v6;
	v6 =	vmul.f32 v15, v3  }
.Ltmp7:
0x23a: {  	v10 =	vld [tilespmem:s17+$0x50];
	[tilespmem:s15+$0xFFFFFFE0] =	vst v7;
	v15 =	vmul.f32 v16, v2;
	(pc) =	sbr.rel @p0 .LBB2_8-.Ltmp7, $4  }
0x23b: {  	v7 =	vld [tilespmem:s17+$0x60];
	[tilespmem:s15+$0xFFFFFFF0] =	vst v6;
	v6 =	vmul.f32 v9, v1  }
0x23c: {  	v8 =	vld [tilespmem:s17+$0x70];
	[tilespmem:s15+$0x0] =	vst v15;
	v13 =	vmul.f32 v13, v11  }
0x23d: {  	v9 =	vld [tilespmem:s17+$0x80];
	[tilespmem:s15+$0x10] =	vst v6;
	v12 =	vmul.f32 v12, v0;
	v0 =	vmov v11  }
0x23e: {  	s9 =	sadd.s32 $0x80, s9;
	v11 =	vmul.f32 v17, v14;
	v6 =	vld [tilespmem:s17+$0x90];
	[tilespmem:s15+$0x20] =	vst v13  }
0x23f: {  	v5 =	vmul.f32 v10, v5;
	[tilespmem:s14+$0xA0] =	vst v12;
	v63 =	vld [tilespmem:s8+$0xA0]  }
0x240: {  	[tilespmem:s15+$0x40] =	vst v11;
	v4 =	vmul.f32 v7, v4  }
0x241: {  	[tilespmem:s15+$0x50] =	vst v5;
	v3 =	vmul.f32 v8, v3  }
0x242: {  	s3 =	sshll.u32 s3, $0x5;
	[tilespmem:s15+$0x60] =	vst v4;
	v2 =	vmul.f32 v9, v2  }
.Ltmp8:
0x243: {  	s3 =	sor.u32 s7, s3;
	[tilespmem:s15+$0x70] =	vst v3;
	v1 =	vmul.f32 v6, v1;
	(pc) =	sbr.rel .LBB2_10-.Ltmp8, $4  }
0x244: {  	s3 =	smul.u32 $0x640, s3;
	[tilespmem:s15+$0x80] =	vst v2;
	v0 =	vmul.f32 v63, v0  }
0x245: {  	[tilespmem:s15+$0x90] =	vst v1  }
0x246: {  	s3 =	sadd.s32 s4, s3;
	[tilespmem:s15+$0xA0] =	vst v0  }
0x247: {  	[hbm4b:s3+s5] =	stream.linear.scatter [tilespmem:s28], [sflag:$0x6], $0x3200, $0x38;
	[tilespmem:$0x1E580] =	vst v63  }
.LBB2_12:
0x248: {  	_ =	sfence.sel $0x180000  }
0x249: {  	[bflag:$0x0] =	sbarrier.arrive $0xFFFF  }
0x24a: {  	_ =	strace $0x9000004A  }
0x24b: {  	s0 =	stileid.u32;
	[bflag:$0x2] =	sbarrier.arrive $0xFFFF  }
0x24c: {  	p0 =	sne.s32 s0, $0x0;
	s0 =	rddreg [dreg:$0x4]  }
0x24d: {  	s0 =	sadd.s32 @!p0 $0x100000, s0  }
0x24e: {  	[sflag:s0] =	ssyncadd.tile.s32 @!p0 $0x1;
	_ =	shalt  }
.Lfunc_end2:
_tile_overlayer_lowered:
.L_overlay_start_2:
0x24f: {  	(tag) =	ssettag $0x2  }
0x250: {  	s0 =	rddreg [dreg:$0x0];
	s2 =	stileid.u32  }
0x251: {  	s1 =	rddreg [dreg:$0x1];
	p0 =	sne.s32 s2, $0x0  }
0x252: {  	s3 =	rddreg [dreg:$0x2];
	[bflag:$0x3] =	sbarrier.arrive $0xFFFF;
	s2 =	simm.s32 @!p0 $0x1C09  }
0x253: {  	[timem:s3], [sflag:s2] =	dma.local @!p0 [hbm:s0], s1  }
0x254: {  	s0 =	simm.s32 @!p0 $0x9  }
0x255: {  	_ =	swait.ge @!p0 [sflag:s0], s1  }
0x256: {  	s1 =	ssub.s32 @!p0 $0x0, s1;
	[sflag:s0] =	ssyncset.done @!p0 $0x0  }
0x257: {  	[sflag:s0] =	ssyncadd.s32 @!p0 s1  }
0x258: {  	[bflag:$0x3] =	sbarrier.arrive $0xFFFF  }
0x259: {  	_ =	shalt  }

</sc_bundles>
